<compile_context>
chip_gen: v7x
topology: tpu7x:2x2x1
jax: 0.10.2.dev20260603
libtpu: 0.0.44.dev20260713+nightly
codegen_flags: <defaults>
</compile_context>

<pallas_src>
import functools

import jax
import jax.numpy as jnp
from jax import lax
from jax.experimental import pallas as pl
from jax.experimental.pallas import tpu as pltpu
from jax.experimental.pallas import tpu_sc as plsc

E = 64
TOPK = 8
D = 2048
F = 1024
T = 4096
N = T * TOPK
TM = 256
NT = N // TM + E
NPAD = NT * TM
NW = 32
TOKCH = 16
NCH = (T // NW) // TOKCH
TCHUNK = 2


def _routing(top_k_index, top_k_weights):
    flat_e = top_k_index.reshape(-1).astype(jnp.int32)
    BB, LL = 256, N // 256
    e2 = flat_e.reshape(BB, LL).T
    onehot = (e2[:, :, None] ==
              jnp.arange(E, dtype=jnp.int32)[None, None, :]
              ).astype(jnp.bfloat16)
    tril_l = jnp.tril(jnp.ones((LL, LL), jnp.bfloat16), -1)
    cum_in_blk = jnp.dot(tril_l, onehot.reshape(LL, BB * E),
                         preferred_element_type=jnp.float32
                         ).reshape(LL, BB, E)
    bsum = jnp.sum(onehot.astype(jnp.float32), axis=0)
    tril_b = jnp.tril(jnp.ones((BB, BB), jnp.bfloat16), -1)
    bpre = jnp.dot(tril_b, bsum.astype(jnp.bfloat16),
                   preferred_element_type=jnp.float32)
    rank_full = cum_in_blk + bpre[None, :, :]
    rank = jnp.sum(rank_full * onehot.astype(jnp.float32),
                   axis=-1).T.reshape(N).astype(jnp.int32)
    counts = (bpre[BB - 1] + bsum[BB - 1]).astype(jnp.int32)
    tiles_per_e = (counts + TM - 1) // TM
    zero = jnp.zeros((1,), jnp.int32)
    pad_off = jnp.concatenate([zero, jnp.cumsum(tiles_per_e)[:-1] * TM])
    ppos = pad_off[flat_e] + rank
    cidx4 = (ppos.reshape(NW, T // NW, TOPK).transpose(0, 2, 1)
             .reshape(NW, TOPK, NCH, TOKCH))
    w4 = (top_k_weights.astype(jnp.float32)
          .reshape(NW, T // NW, TOPK).transpose(0, 2, 1)
          .reshape(NW, TOPK, NCH, TOKCH))
    cum_tiles = jnp.cumsum(tiles_per_e)
    total_tiles = cum_tiles[E - 1]
    te = jnp.searchsorted(cum_tiles, jnp.arange(NT, dtype=jnp.int32),
                          side="right").astype(jnp.int32)
    te = jnp.minimum(te, E - 1)
    last_e = te[jnp.maximum(total_tiles - 1, 0)]
    tile_expert = jnp.where(jnp.arange(NT, dtype=jnp.int32) < total_tiles,
                            te, last_e)
    tile_meta = jnp.concatenate([tile_expert, total_tiles[None]])
    return cidx4, w4, ppos, tile_meta


@functools.lru_cache(maxsize=None)
def _sc_dispatch_kernel():
    mesh = plsc.VectorSubcoreMesh(core_axis_name="c", subcore_axis_name="s")

    @functools.partial(
        pl.kernel,
        mesh=mesh,
        out_type=(jax.ShapeDtypeStruct((NPAD, D), jnp.float32),
                  jax.ShapeDtypeStruct((NPAD,), jnp.float32)),
        scratch_types=[
            pltpu.VMEM((TOPK, NCH, TOKCH), jnp.int32),
            pltpu.VMEM((TOPK, NCH, TOKCH), jnp.float32),
            pltpu.VMEM((TOKCH, D), jnp.float32),
            pltpu.VMEM((TOKCH, D), jnp.float32),
            pltpu.SemaphoreType.DMA,
            pltpu.SemaphoreType.DMA,
        ],
    )
    def _sc_dispatch(hidden_hbm, cidx4_hbm, w4_hbm, xout_hbm, wout_hbm,
                     idx_v, w_v, buf0, buf1, sem0, sem1):
        wid = lax.axis_index("s") * 2 + lax.axis_index("c")
        tok_base = wid * (T // NW)
        pltpu.sync_copy(cidx4_hbm.at[wid], idx_v)
        pltpu.sync_copy(w4_hbm.at[wid], w_v)

        def load(c, buf, sem):
            pltpu.async_copy(
                hidden_hbm.at[pl.ds(tok_base + c * TOKCH, TOKCH)], buf, sem)

        def wait_load(buf, sem):
            pltpu.make_async_copy(
                hidden_hbm.at[pl.ds(0, TOKCH)], buf, sem).wait()

        def scatter(c, buf, sem):
            for k in range(TOPK):
                pltpu.async_copy(buf, xout_hbm.at[idx_v.at[k, c]], sem)
                pltpu.async_copy(w_v.at[k, c], wout_hbm.at[idx_v.at[k, c]],
                                 sem)
            for k in range(TOPK):
                pltpu.make_async_copy(
                    buf, xout_hbm.at[idx_v.at[k, c]], sem).wait()
                pltpu.make_async_copy(
                    w_v.at[k, c], wout_hbm.at[idx_v.at[k, c]], sem).wait()

        load(0, buf0, sem0)

        def body(p, carry):
            i = 2 * p
            load(i + 1, buf1, sem1)
            wait_load(buf0, sem0)
            scatter(i, buf0, sem0)

            @pl.when(p < NCH // 2 - 1)
            def _():
                load(i + 2, buf0, sem0)

            wait_load(buf1, sem1)
            scatter(i + 1, buf1, sem1)
            return carry

        lax.fori_loop(0, NCH // 2, body, 0)

    return _sc_dispatch


@functools.lru_cache(maxsize=None)
def _sc_combine_kernel():
    mesh = plsc.VectorSubcoreMesh(core_axis_name="c", subcore_axis_name="s")

    @functools.partial(
        pl.kernel,
        mesh=mesh,
        out_type=jax.ShapeDtypeStruct((T, D), jnp.float32),
        scratch_types=[
            pltpu.VMEM((T // NW * TOPK,), jnp.int32),
            pltpu.VMEM((TCHUNK * TOPK, D), jnp.float32),
            pltpu.VMEM((TCHUNK * TOPK, D), jnp.float32),
            pltpu.VMEM((TCHUNK, D), jnp.float32),
            pltpu.SemaphoreType.DMA,
            pltpu.SemaphoreType.DMA,
        ],
    )
    def _sc_combine(down_hbm, cidx_hbm, out_hbm,
                    idx_all, rows0, rows1, acc_v, sem0, sem1):
        wid = lax.axis_index("s") * 2 + lax.axis_index("c")
        tok_per_w = T // NW
        nchunks = tok_per_w // TCHUNK
        base = wid * tok_per_w

        pltpu.sync_copy(cidx_hbm.at[pl.ds(base * TOPK, tok_per_w * TOPK)],
                        idx_all)

        def idx(i):
            return idx_all.at[pl.ds(i * TCHUNK * TOPK, TCHUNK * TOPK)]

        def reduce_store(rows_v, tok0):
            def lanes(j, c2):
                col = j * 16
                for t in range(TCHUNK):
                    s = rows_v[t * TOPK, pl.ds(col, 16)]
                    for k in range(1, TOPK):
                        s = s + rows_v[t * TOPK + k, pl.ds(col, 16)]
                    acc_v[t, pl.ds(col, 16)] = s
                return c2

            lax.fori_loop(0, D // 16, lanes, 0)
            pltpu.sync_copy(acc_v, out_hbm.at[pl.ds(tok0, TCHUNK)])

        pltpu.async_copy(down_hbm.at[idx(0)], rows0, sem0)

        def body(p, carry):
            i = 2 * p
            pltpu.async_copy(down_hbm.at[idx(i + 1)], rows1, sem1)
            pltpu.make_async_copy(down_hbm.at[idx(i)], rows0, sem0).wait()
            reduce_store(rows0, base + i * TCHUNK)

            @pl.when(p < nchunks // 2 - 1)
            def _():
                pltpu.async_copy(down_hbm.at[idx(i + 2)], rows0, sem0)

            pltpu.make_async_copy(down_hbm.at[idx(i + 1)], rows1, sem1).wait()
            reduce_store(rows1, base + (i + 1) * TCHUNK)
            return carry

        lax.fori_loop(0, nchunks // 2, body, 0)

    return _sc_combine


def _ffn_body(e_ref, x_ref, w_ref, wg_ref, wu_ref, wd_ref, o_ref):
    i = pl.program_id(0)

    @pl.when(i < e_ref[NT])
    def _():
        x = x_ref[...].astype(jnp.bfloat16)
        g = jnp.dot(x, wg_ref[0].astype(jnp.bfloat16),
                    preferred_element_type=jnp.float32)
        u = jnp.dot(x, wu_ref[0].astype(jnp.bfloat16),
                    preferred_element_type=jnp.float32)
        h = (g * jax.nn.sigmoid(g) * u).astype(jnp.bfloat16)
        d = jnp.dot(h, wd_ref[0].astype(jnp.bfloat16),
                    preferred_element_type=jnp.float32)
        o_ref[...] = d * w_ref[0, 0, :][:, None]


def _tc_ffn(tile_meta, x_padded, wvec3, Wg, Wu, Wd):
    def live(i, e):
        return jnp.minimum(i, e[NT] - 1)

    grid_spec = pltpu.PrefetchScalarGridSpec(
        num_scalar_prefetch=1,
        grid=(NT,),
        in_specs=[
            pl.BlockSpec((TM, D), lambda i, e: (live(i, e), 0)),
            pl.BlockSpec((1, 1, TM), lambda i, e: (live(i, e), 0, 0)),
            pl.BlockSpec((1, D, F), lambda i, e: (e[i], 0, 0)),
            pl.BlockSpec((1, D, F), lambda i, e: (e[i], 0, 0)),
            pl.BlockSpec((1, F, D), lambda i, e: (e[i], 0, 0)),
        ],
        out_specs=pl.BlockSpec((TM, D), lambda i, e: (live(i, e), 0)),
    )
    return pl.pallas_call(
        _ffn_body,
        grid_spec=grid_spec,
        out_shape=jax.ShapeDtypeStruct((NPAD, D), jnp.float32),
        compiler_params=pltpu.CompilerParams(
            dimension_semantics=("arbitrary",),
            vmem_limit_bytes=100 * 1024 * 1024,
        ),
    )(tile_meta, x_padded, wvec3, Wg, Wu, Wd)


def kernel(hidden_states, top_k_index, top_k_weights, Wg, Wu, Wd):
    cidx4, w4, cidx, tile_meta = _routing(top_k_index, top_k_weights)
    x_padded, wvec = _sc_dispatch_kernel()(hidden_states, cidx4, w4)
    down = _tc_ffn(tile_meta, x_padded, wvec.reshape(NT, 1, TM), Wg, Wu, Wd)
    return _sc_combine_kernel()(down, cidx)

# --- scband reference (transcript-rebuilt; emitter-appended) ---
"""Pipeline reference for scband-deepseek-v3-naive-moe-88630945120716 (READ-ONLY COPY).

The authoritative reference and input builder live on the scoring server;
editing this copy changes nothing except your own understanding.
"""

import jax, jax.numpy as jnp
import numpy as np

E = 64
TOPK = 8
D = 2048
F = 1024
T = 4096


def setup_inputs(seed: int = 0) -> dict:
    key = jax.random.key(seed)
    k1, k2, k3, k4, k5, k6 = jax.random.split(key, 6)
    hidden_states = jax.random.normal(k1, (T, D), dtype=jnp.float32)
    top_k_index = jax.random.randint(k2, (T, TOPK), 0, E, dtype=jnp.int32)
    top_k_weights = jax.random.uniform(k3, (T, TOPK), dtype=jnp.float32)
    top_k_weights = top_k_weights / jnp.sum(top_k_weights, axis=-1, keepdims=True)
    # lecun_normal initialized expert weights (base weights of LoRAExpert; no adapters active)
    Wg = jax.random.normal(k4, (E, D, F), dtype=jnp.float32) * (1.0 / np.sqrt(D))
    Wu = jax.random.normal(k5, (E, D, F), dtype=jnp.float32) * (1.0 / np.sqrt(D))
    Wd = jax.random.normal(k6, (E, F, D), dtype=jnp.float32) * (1.0 / np.sqrt(F))
    return {
        "hidden_states": hidden_states,
        "top_k_index": top_k_index,
        "top_k_weights": top_k_weights,
        "Wg": Wg,
        "Wu": Wu,
        "Wd": Wd,
    }


def reference(hidden_states, top_k_index, top_k_weights, Wg, Wu, Wd):
    # prepare_routing: sort expanded tokens by expert id (ep=1, no adapters)
    flat_experts = top_k_index.ravel()
    sort_order = jnp.argsort(flat_experts)
    unsort_indices = jnp.argsort(sort_order)
    sorted_experts = flat_experts[sort_order]

    hidden_expanded = jnp.repeat(hidden_states, TOPK, axis=0)
    hidden_sorted = hidden_expanded[sort_order]

    # grouped expert FFN: gate/up -> silu(gate)*up -> down, per expert group
    def body(e, acc):
        g = hidden_sorted @ Wg[e]
        u = hidden_sorted @ Wu[e]
        d = (jax.nn.silu(g) * u) @ Wd[e]
        return jnp.where((sorted_experts == e)[:, None], d, acc)

    down = jax.lax.fori_loop(0, E, body, jnp.zeros_like(hidden_sorted))

    out = down[unsort_indices].reshape(-1, TOPK, D)
    local_out = jnp.sum(out * top_k_weights[..., None], axis=1)
    return local_out

if __name__ == "__main__":
    import jax
    _d = setup_inputs()
    print(jax.jit(kernel)(*tuple(_d.values())))

</pallas_src>

<mosaic_0001>
#map = affine_map<(d0, d1) -> (0, 0)>
#map1 = affine_map<(d0, d1) -> (0, 0, 0, 0)>
#map2 = affine_map<(d0, d1) -> (0)>
module attributes {stable_mosaic.version = 14 : i64} {
  func.func @_sc_dispatch(%arg0: i32, %arg1: i32, %arg2: memref<4096x2048xf32, #tpu.memory_space<hbm>>, %arg3: memref<32x8x8x16xi32, #tpu.memory_space<hbm>>, %arg4: memref<32x8x8x16xf32, #tpu.memory_space<hbm>>, %arg5: memref<49152x2048xf32, #tpu.memory_space<hbm>>, %arg6: memref<49152xf32, #tpu.memory_space<hbm>>, %arg7: memref<8x8x16xi32, #tpu.memory_space<vmem>>, %arg8: memref<8x8x16xf32, #tpu.memory_space<vmem>>, %arg9: memref<16x2048xf32, #tpu.memory_space<vmem>>, %arg10: memref<16x2048xf32, #tpu.memory_space<vmem>>, %arg11: memref<!tpu.dma_semaphore, #tpu.memory_space<semaphore_mem>>, %arg12: memref<!tpu.dma_semaphore, #tpu.memory_space<semaphore_mem>>) attributes {dimension_semantics = [#tpu.dimension_semantics<core_parallel>, #tpu.dimension_semantics<subcore_parallel>], iteration_bounds = array<i64: 2, 16>, scalar_prefetch = 0 : i64, scratch_operands = 6 : i64, tpu.core_type = #tpu.core_type<sc_vector_subcore>, window_params = [{transform_indices = #map}, {transform_indices = #map1}, {transform_indices = #map1}, {transform_indices = #map}, {transform_indices = #map2}]} {
    %mul3A = arith.constant 2 : i32
    %mul3A_0 = arith.muli %arg1, %mul3A : i32
    %add3A = arith.addi %mul3A_0, %arg0 : i32
    %mul3A_1 = arith.constant 128 : i32
    %mul3A_2 = arith.muli %add3A, %mul3A_1 : i32
    "tpu.region"() ({
      %run_scoped3A = tpu.sem_alloc : memref<!tpu.dma_semaphore, #tpu.memory_space<semaphore_mem>>
      %dma_start3A_13 = arith.constant 0 : i32
      %dma_start3A_14 = arith.constant 0 : i32
      %dma_start3A_15 = arith.constant 0 : i32
      %dma_start3A_16 = tpu.memref_slice %arg3[%add3A, %dma_start3A_13, %dma_start3A_14, %dma_start3A_15] : memref<32x8x8x16xi32, #tpu.memory_space<hbm>> -> memref<1x8x8x16xi32, #tpu.memory_space<hbm>>
      %dma_start3A_17 = tpu.memref_squeeze %dma_start3A_16 : memref<1x8x8x16xi32, #tpu.memory_space<hbm>> -> memref<8x8x16xi32, #tpu.memory_space<hbm>>
      %dma_start3A_18 = arith.constant 0 : i32
      %dma_start3A_19 = arith.constant 0 : i32
      %dma_start3A_20 = arith.constant 0 : i32
      %dma_start3A_21 = tpu.memref_slice %arg3[%add3A, %dma_start3A_18, %dma_start3A_19, %dma_start3A_20] : memref<32x8x8x16xi32, #tpu.memory_space<hbm>> -> memref<1x8x8x16xi32, #tpu.memory_space<hbm>>
      %dma_start3A_22 = tpu.memref_squeeze %dma_start3A_21 : memref<1x8x8x16xi32, #tpu.memory_space<hbm>> -> memref<8x8x16xi32, #tpu.memory_space<hbm>>
      tpu.enqueue_dma source(%dma_start3A_22 : memref<8x8x16xi32, #tpu.memory_space<hbm>>) target(%arg7 : memref<8x8x16xi32, #tpu.memory_space<vmem>>) target_semaphore(%run_scoped3A : memref<!tpu.dma_semaphore, #tpu.memory_space<semaphore_mem>>)
      %dma_wait3A = arith.constant 0 : i32
      %dma_wait3A_23 = arith.constant 0 : i32
      %dma_wait3A_24 = arith.constant 0 : i32
      %dma_wait3A_25 = tpu.memref_slice %arg3[%add3A, %dma_wait3A, %dma_wait3A_23, %dma_wait3A_24] : memref<32x8x8x16xi32, #tpu.memory_space<hbm>> -> memref<1x8x8x16xi32, #tpu.memory_space<hbm>>
      %dma_wait3A_26 = tpu.memref_squeeze %dma_wait3A_25 : memref<1x8x8x16xi32, #tpu.memory_space<hbm>> -> memref<8x8x16xi32, #tpu.memory_space<hbm>>
      %dma_wait3A_27 = arith.constant 0 : i32
      %dma_wait3A_28 = arith.constant 0 : i32
      %dma_wait3A_29 = arith.constant 0 : i32
      %dma_wait3A_30 = tpu.memref_slice %arg3[%add3A, %dma_wait3A_27, %dma_wait3A_28, %dma_wait3A_29] : memref<32x8x8x16xi32, #tpu.memory_space<hbm>> -> memref<1x8x8x16xi32, #tpu.memory_space<hbm>>
      %dma_wait3A_31 = tpu.memref_squeeze %dma_wait3A_30 : memref<1x8x8x16xi32, #tpu.memory_space<hbm>> -> memref<8x8x16xi32, #tpu.memory_space<hbm>>
      tpu.wait_dma2 semaphore(%run_scoped3A : memref<!tpu.dma_semaphore, #tpu.memory_space<semaphore_mem>>) src(%dma_wait3A_31 : memref<8x8x16xi32, #tpu.memory_space<hbm>>) dst(%arg7 : memref<8x8x16xi32, #tpu.memory_space<vmem>>)
      tpu.yield
    }) : () -> ()
    "tpu.region"() ({
      %run_scoped3A = tpu.sem_alloc : memref<!tpu.dma_semaphore, #tpu.memory_space<semaphore_mem>>
      %dma_start3A_13 = arith.constant 0 : i32
      %dma_start3A_14 = arith.constant 0 : i32
      %dma_start3A_15 = arith.constant 0 : i32
      %dma_start3A_16 = tpu.memref_slice %arg4[%add3A, %dma_start3A_13, %dma_start3A_14, %dma_start3A_15] : memref<32x8x8x16xf32, #tpu.memory_space<hbm>> -> memref<1x8x8x16xf32, #tpu.memory_space<hbm>>
      %dma_start3A_17 = tpu.memref_squeeze %dma_start3A_16 : memref<1x8x8x16xf32, #tpu.memory_space<hbm>> -> memref<8x8x16xf32, #tpu.memory_space<hbm>>
      %dma_start3A_18 = arith.constant 0 : i32
      %dma_start3A_19 = arith.constant 0 : i32
      %dma_start3A_20 = arith.constant 0 : i32
      %dma_start3A_21 = tpu.memref_slice %arg4[%add3A, %dma_start3A_18, %dma_start3A_19, %dma_start3A_20] : memref<32x8x8x16xf32, #tpu.memory_space<hbm>> -> memref<1x8x8x16xf32, #tpu.memory_space<hbm>>
      %dma_start3A_22 = tpu.memref_squeeze %dma_start3A_21 : memref<1x8x8x16xf32, #tpu.memory_space<hbm>> -> memref<8x8x16xf32, #tpu.memory_space<hbm>>
      tpu.enqueue_dma source(%dma_start3A_22 : memref<8x8x16xf32, #tpu.memory_space<hbm>>) target(%arg8 : memref<8x8x16xf32, #tpu.memory_space<vmem>>) target_semaphore(%run_scoped3A : memref<!tpu.dma_semaphore, #tpu.memory_space<semaphore_mem>>)
      %dma_wait3A = arith.constant 0 : i32
      %dma_wait3A_23 = arith.constant 0 : i32
      %dma_wait3A_24 = arith.constant 0 : i32
      %dma_wait3A_25 = tpu.memref_slice %arg4[%add3A, %dma_wait3A, %dma_wait3A_23, %dma_wait3A_24] : memref<32x8x8x16xf32, #tpu.memory_space<hbm>> -> memref<1x8x8x16xf32, #tpu.memory_space<hbm>>
      %dma_wait3A_26 = tpu.memref_squeeze %dma_wait3A_25 : memref<1x8x8x16xf32, #tpu.memory_space<hbm>> -> memref<8x8x16xf32, #tpu.memory_space<hbm>>
      %dma_wait3A_27 = arith.constant 0 : i32
      %dma_wait3A_28 = arith.constant 0 : i32
      %dma_wait3A_29 = arith.constant 0 : i32
      %dma_wait3A_30 = tpu.memref_slice %arg4[%add3A, %dma_wait3A_27, %dma_wait3A_28, %dma_wait3A_29] : memref<32x8x8x16xf32, #tpu.memory_space<hbm>> -> memref<1x8x8x16xf32, #tpu.memory_space<hbm>>
      %dma_wait3A_31 = tpu.memref_squeeze %dma_wait3A_30 : memref<1x8x8x16xf32, #tpu.memory_space<hbm>> -> memref<8x8x16xf32, #tpu.memory_space<hbm>>
      tpu.wait_dma2 semaphore(%run_scoped3A : memref<!tpu.dma_semaphore, #tpu.memory_space<semaphore_mem>>) src(%dma_wait3A_31 : memref<8x8x16xf32, #tpu.memory_space<hbm>>) dst(%arg8 : memref<8x8x16xf32, #tpu.memory_space<vmem>>)
      tpu.yield
    }) : () -> ()
    %add3A_3 = arith.constant 0 : i32
    %add3A_4 = arith.addi %mul3A_2, %add3A_3 : i32
    %dma_start3A = arith.constant 0 : i32
    %dma_start3A_5 = tpu.memref_slice %arg2[%add3A_4, %dma_start3A] : memref<4096x2048xf32, #tpu.memory_space<hbm>> -> memref<16x2048xf32, #tpu.memory_space<hbm>>
    %dma_start3A_6 = arith.constant 0 : i32
    %dma_start3A_7 = tpu.memref_slice %arg2[%add3A_4, %dma_start3A_6] : memref<4096x2048xf32, #tpu.memory_space<hbm>> -> memref<16x2048xf32, #tpu.memory_space<hbm>>
    tpu.enqueue_dma source(%dma_start3A_7 : memref<16x2048xf32, #tpu.memory_space<hbm>>) target(%arg9 : memref<16x2048xf32, #tpu.memory_space<vmem>>) target_semaphore(%arg11 : memref<!tpu.dma_semaphore, #tpu.memory_space<semaphore_mem>>)
    %scan3A = arith.constant 0 : i32
    %scan3A_8 = arith.constant 0 : i32
    %scan3A_9 = arith.constant 4 : i32
    %scan3A_10 = arith.addi %scan3A_8, %scan3A_9 : i32
    %scan3A_11 = arith.constant 1 : i32
    scf.for %scan3A_13 = %scan3A_8 to %scan3A_10 step %scan3A_11  : i32 {
      %mul3A_14 = arith.constant 2 : i32
      %mul3A_15 = arith.muli %mul3A_14, %scan3A_13 : i32
      %add3A_16 = arith.constant 1 : i32
      %add3A_17 = arith.addi %mul3A_15, %add3A_16 : i32
      %mul3A_18 = arith.constant 16 : i32
      %mul3A_19 = arith.muli %add3A_17, %mul3A_18 : i32
      %add3A_20 = arith.addi %mul3A_2, %mul3A_19 : i32
      %dma_start3A_21 = arith.constant 0 : i32
      %dma_start3A_22 = tpu.memref_slice %arg2[%add3A_20, %dma_start3A_21] : memref<4096x2048xf32, #tpu.memory_space<hbm>> -> memref<16x2048xf32, #tpu.memory_space<hbm>>
      %dma_start3A_23 = arith.constant 0 : i32
      %dma_start3A_24 = tpu.memref_slice %arg2[%add3A_20, %dma_start3A_23] : memref<4096x2048xf32, #tpu.memory_space<hbm>> -> memref<16x2048xf32, #tpu.memory_space<hbm>>
      tpu.enqueue_dma source(%dma_start3A_24 : memref<16x2048xf32, #tpu.memory_space<hbm>>) target(%arg10 : memref<16x2048xf32, #tpu.memory_space<vmem>>) target_semaphore(%arg12 : memref<!tpu.dma_semaphore, #tpu.memory_space<semaphore_mem>>)
      %dma_wait3A = arith.constant 0 : i32
      %dma_wait3A_25 = arith.constant 0 : i32
      %dma_wait3A_26 = tpu.memref_slice %arg2[%dma_wait3A, %dma_wait3A_25] : memref<4096x2048xf32, #tpu.memory_space<hbm>> -> memref<16x2048xf32, #tpu.memory_space<hbm>>
      %dma_wait3A_27 = arith.constant 0 : i32
      %dma_wait3A_28 = arith.constant 0 : i32
      %dma_wait3A_29 = tpu.memref_slice %arg2[%dma_wait3A_27, %dma_wait3A_28] : memref<4096x2048xf32, #tpu.memory_space<hbm>> -> memref<16x2048xf32, #tpu.memory_space<hbm>>
      tpu.wait_dma2 semaphore(%arg11 : memref<!tpu.dma_semaphore, #tpu.memory_space<semaphore_mem>>) src(%dma_wait3A_29 : memref<16x2048xf32, #tpu.memory_space<hbm>>) dst(%arg9 : memref<16x2048xf32, #tpu.memory_space<vmem>>)
      %dma_start3A_30 = arith.constant 0 : i32
      %dma_start3A_31 = arith.constant 0 : i32
      %dma_start3A_32 = tpu.memref_slice %arg7[%dma_start3A_30, %mul3A_15, %dma_start3A_31] : memref<8x8x16xi32, #tpu.memory_space<vmem>> -> memref<1x1x16xi32, #tpu.memory_space<vmem>>
      %dma_start3A_33 = tpu.memref_squeeze %dma_start3A_32 : memref<1x1x16xi32, #tpu.memory_space<vmem>> -> memref<16xi32, #tpu.memory_space<vmem>>
      %dma_start3A_34 = arith.constant 0 : i32
      %dma_start3A_35 = arith.constant 0 : i32
      %dma_start3A_36 = tpu.memref_slice %arg5[%dma_start3A_34, %dma_start3A_35] : memref<49152x2048xf32, #tpu.memory_space<hbm>> -> memref<49152x2048xf32, #tpu.memory_space<hbm>>
      tpu.enqueue_indirect_dma source(%arg9 : memref<16x2048xf32, #tpu.memory_space<vmem>>) target(%dma_start3A_36 : memref<49152x2048xf32, #tpu.memory_space<hbm>>) offsets(%dma_start3A_33 : memref<16xi32, #tpu.memory_space<vmem>>) semaphore(%arg11 : memref<!tpu.dma_semaphore, #tpu.memory_space<semaphore_mem>>)
      %dma_start3A_37 = arith.constant 0 : i32
      %dma_start3A_38 = arith.constant 0 : i32
      %dma_start3A_39 = arith.constant 0 : i32
      %dma_start3A_40 = tpu.memref_slice %arg8[%dma_start3A_37, %mul3A_15, %dma_start3A_39] : memref<8x8x16xf32, #tpu.memory_space<vmem>> -> memref<1x1x16xf32, #tpu.memory_space<vmem>>
      %dma_start3A_41 = tpu.memref_squeeze %dma_start3A_40 : memref<1x1x16xf32, #tpu.memory_space<vmem>> -> memref<16xf32, #tpu.memory_space<vmem>>
      %dma_start3A_42 = arith.constant 0 : i32
      %dma_start3A_43 = tpu.memref_slice %arg7[%dma_start3A_38, %mul3A_15, %dma_start3A_42] : memref<8x8x16xi32, #tpu.memory_space<vmem>> -> memref<1x1x16xi32, #tpu.memory_space<vmem>>
      %dma_start3A_44 = tpu.memref_squeeze %dma_start3A_43 : memref<1x1x16xi32, #tpu.memory_space<vmem>> -> memref<16xi32, #tpu.memory_space<vmem>>
      %dma_start3A_45 = arith.constant 0 : i32
      %dma_start3A_46 = tpu.memref_slice %arg6[%dma_start3A_45] : memref<49152xf32, #tpu.memory_space<hbm>> -> memref<49152xf32, #tpu.memory_space<hbm>>
      tpu.enqueue_indirect_dma source(%dma_start3A_41 : memref<16xf32, #tpu.memory_space<vmem>>) target(%dma_start3A_46 : memref<49152xf32, #tpu.memory_space<hbm>>) offsets(%dma_start3A_44 : memref<16xi32, #tpu.memory_space<vmem>>) semaphore(%arg11 : memref<!tpu.dma_semaphore, #tpu.memory_space<semaphore_mem>>)
      %dma_start3A_47 = arith.constant 1 : i32
      %dma_start3A_48 = arith.constant 0 : i32
      %dma_start3A_49 = tpu.memref_slice %arg7[%dma_start3A_47, %mul3A_15, %dma_start3A_48] : memref<8x8x16xi32, #tpu.memory_space<vmem>> -> memref<1x1x16xi32, #tpu.memory_space<vmem>>
      %dma_start3A_50 = tpu.memref_squeeze %dma_start3A_49 : memref<1x1x16xi32, #tpu.memory_space<vmem>> -> memref<16xi32, #tpu.memory_space<vmem>>
      %dma_start3A_51 = arith.constant 0 : i32
      %dma_start3A_52 = arith.constant 0 : i32
      %dma_start3A_53 = tpu.memref_slice %arg5[%dma_start3A_51, %dma_start3A_52] : memref<49152x2048xf32, #tpu.memory_space<hbm>> -> memref<49152x2048xf32, #tpu.memory_space<hbm>>
      tpu.enqueue_indirect_dma source(%arg9 : memref<16x2048xf32, #tpu.memory_space<vmem>>) target(%dma_start3A_53 : memref<49152x2048xf32, #tpu.memory_space<hbm>>) offsets(%dma_start3A_50 : memref<16xi32, #tpu.memory_space<vmem>>) semaphore(%arg11 : memref<!tpu.dma_semaphore, #tpu.memory_space<semaphore_mem>>)
      %dma_start3A_54 = arith.constant 1 : i32
      %dma_start3A_55 = arith.constant 1 : i32
      %dma_start3A_56 = arith.constant 0 : i32
      %dma_start3A_57 = tpu.memref_slice %arg8[%dma_start3A_54, %mul3A_15, %dma_start3A_56] : memref<8x8x16xf32, #tpu.memory_space<vmem>> -> memref<1x1x16xf32, #tpu.memory_space<vmem>>
      %dma_start3A_58 = tpu.memref_squeeze %dma_start3A_57 : memref<1x1x16xf32, #tpu.memory_space<vmem>> -> memref<16xf32, #tpu.memory_space<vmem>>
      %dma_start3A_59 = arith.constant 0 : i32
      %dma_start3A_60 = tpu.memref_slice %arg7[%dma_start3A_55, %mul3A_15, %dma_start3A_59] : memref<8x8x16xi32, #tpu.memory_space<vmem>> -> memref<1x1x16xi32, #tpu.memory_space<vmem>>
      %dma_start3A_61 = tpu.memref_squeeze %dma_start3A_60 : memref<1x1x16xi32, #tpu.memory_space<vmem>> -> memref<16xi32, #tpu.memory_space<vmem>>
      %dma_start3A_62 = arith.constant 0 : i32
      %dma_start3A_63 = tpu.memref_slice %arg6[%dma_start3A_62] : memref<49152xf32, #tpu.memory_space<hbm>> -> memref<49152xf32, #tpu.memory_space<hbm>>
      tpu.enqueue_indirect_dma source(%dma_start3A_58 : memref<16xf32, #tpu.memory_space<vmem>>) target(%dma_start3A_63 : memref<49152xf32, #tpu.memory_space<hbm>>) offsets(%dma_start3A_61 : memref<16xi32, #tpu.memory_space<vmem>>) semaphore(%arg11 : memref<!tpu.dma_semaphore, #tpu.memory_space<semaphore_mem>>)
      %dma_start3A_64 = arith.constant 2 : i32
      %dma_start3A_65 = arith.constant 0 : i32
      %dma_start3A_66 = tpu.memref_slice %arg7[%dma_start3A_64, %mul3A_15, %dma_start3A_65] : memref<8x8x16xi32, #tpu.memory_space<vmem>> -> memref<1x1x16xi32, #tpu.memory_space<vmem>>
      %dma_start3A_67 = tpu.memref_squeeze %dma_start3A_66 : memref<1x1x16xi32, #tpu.memory_space<vmem>> -> memref<16xi32, #tpu.memory_space<vmem>>
      %dma_start3A_68 = arith.constant 0 : i32
      %dma_start3A_69 = arith.constant 0 : i32
      %dma_start3A_70 = tpu.memref_slice %arg5[%dma_start3A_68, %dma_start3A_69] : memref<49152x2048xf32, #tpu.memory_space<hbm>> -> memref<49152x2048xf32, #tpu.memory_space<hbm>>
      tpu.enqueue_indirect_dma source(%arg9 : memref<16x2048xf32, #tpu.memory_space<vmem>>) target(%dma_start3A_70 : memref<49152x2048xf32, #tpu.memory_space<hbm>>) offsets(%dma_start3A_67 : memref<16xi32, #tpu.memory_space<vmem>>) semaphore(%arg11 : memref<!tpu.dma_semaphore, #tpu.memory_space<semaphore_mem>>)
      %dma_start3A_71 = arith.constant 2 : i32
      %dma_start3A_72 = arith.constant 2 : i32
      %dma_start3A_73 = arith.constant 0 : i32
      %dma_start3A_74 = tpu.memref_slice %arg8[%dma_start3A_71, %mul3A_15, %dma_start3A_73] : memref<8x8x16xf32, #tpu.memory_space<vmem>> -> memref<1x1x16xf32, #tpu.memory_space<vmem>>
      %dma_start3A_75 = tpu.memref_squeeze %dma_start3A_74 : memref<1x1x16xf32, #tpu.memory_space<vmem>> -> memref<16xf32, #tpu.memory_space<vmem>>
      %dma_start3A_76 = arith.constant 0 : i32
      %dma_start3A_77 = tpu.memref_slice %arg7[%dma_start3A_72, %mul3A_15, %dma_start3A_76] : memref<8x8x16xi32, #tpu.memory_space<vmem>> -> memref<1x1x16xi32, #tpu.memory_space<vmem>>
      %dma_start3A_78 = tpu.memref_squeeze %dma_start3A_77 : memref<1x1x16xi32, #tpu.memory_space<vmem>> -> memref<16xi32, #tpu.memory_space<vmem>>
      %dma_start3A_79 = arith.constant 0 : i32
      %dma_start3A_80 = tpu.memref_slice %arg6[%dma_start3A_79] : memref<49152xf32, #tpu.memory_space<hbm>> -> memref<49152xf32, #tpu.memory_space<hbm>>
      tpu.enqueue_indirect_dma source(%dma_start3A_75 : memref<16xf32, #tpu.memory_space<vmem>>) target(%dma_start3A_80 : memref<49152xf32, #tpu.memory_space<hbm>>) offsets(%dma_start3A_78 : memref<16xi32, #tpu.memory_space<vmem>>) semaphore(%arg11 : memref<!tpu.dma_semaphore, #tpu.memory_space<semaphore_mem>>)
      %dma_start3A_81 = arith.constant 3 : i32
      %dma_start3A_82 = arith.constant 0 : i32
      %dma_start3A_83 = tpu.memref_slice %arg7[%dma_start3A_81, %mul3A_15, %dma_start3A_82] : memref<8x8x16xi32, #tpu.memory_space<vmem>> -> memref<1x1x16xi32, #tpu.memory_space<vmem>>
      %dma_start3A_84 = tpu.memref_squeeze %dma_start3A_83 : memref<1x1x16xi32, #tpu.memory_space<vmem>> -> memref<16xi32, #tpu.memory_space<vmem>>
      %dma_start3A_85 = arith.constant 0 : i32
      %dma_start3A_86 = arith.constant 0 : i32
      %dma_start3A_87 = tpu.memref_slice %arg5[%dma_start3A_85, %dma_start3A_86] : memref<49152x2048xf32, #tpu.memory_space<hbm>> -> memref<49152x2048xf32, #tpu.memory_space<hbm>>
      tpu.enqueue_indirect_dma source(%arg9 : memref<16x2048xf32, #tpu.memory_space<vmem>>) target(%dma_start3A_87 : memref<49152x2048xf32, #tpu.memory_space<hbm>>) offsets(%dma_start3A_84 : memref<16xi32, #tpu.memory_space<vmem>>) semaphore(%arg11 : memref<!tpu.dma_semaphore, #tpu.memory_space<semaphore_mem>>)
      %dma_start3A_88 = arith.constant 3 : i32
      %dma_start3A_89 = arith.constant 3 : i32
      %dma_start3A_90 = arith.constant 0 : i32
      %dma_start3A_91 = tpu.memref_slice %arg8[%dma_start3A_88, %mul3A_15, %dma_start3A_90] : memref<8x8x16xf32, #tpu.memory_space<vmem>> -> memref<1x1x16xf32, #tpu.memory_space<vmem>>
      %dma_start3A_92 = tpu.memref_squeeze %dma_start3A_91 : memref<1x1x16xf32, #tpu.memory_space<vmem>> -> memref<16xf32, #tpu.memory_space<vmem>>
      %dma_start3A_93 = arith.constant 0 : i32
      %dma_start3A_94 = tpu.memref_slice %arg7[%dma_start3A_89, %mul3A_15, %dma_start3A_93] : memref<8x8x16xi32, #tpu.memory_space<vmem>> -> memref<1x1x16xi32, #tpu.memory_space<vmem>>
      %dma_start3A_95 = tpu.memref_squeeze %dma_start3A_94 : memref<1x1x16xi32, #tpu.memory_space<vmem>> -> memref<16xi32, #tpu.memory_space<vmem>>
      %dma_start3A_96 = arith.constant 0 : i32
      %dma_start3A_97 = tpu.memref_slice %arg6[%dma_start3A_96] : memref<49152xf32, #tpu.memory_space<hbm>> -> memref<49152xf32, #tpu.memory_space<hbm>>
      tpu.enqueue_indirect_dma source(%dma_start3A_92 : memref<16xf32, #tpu.memory_space<vmem>>) target(%dma_start3A_97 : memref<49152xf32, #tpu.memory_space<hbm>>) offsets(%dma_start3A_95 : memref<16xi32, #tpu.memory_space<vmem>>) semaphore(%arg11 : memref<!tpu.dma_semaphore, #tpu.memory_space<semaphore_mem>>)
      %dma_start3A_98 = arith.constant 4 : i32
      %dma_start3A_99 = arith.constant 0 : i32
      %dma_start3A_100 = tpu.memref_slice %arg7[%dma_start3A_98, %mul3A_15, %dma_start3A_99] : memref<8x8x16xi32, #tpu.memory_space<vmem>> -> memref<1x1x16xi32, #tpu.memory_space<vmem>>
      %dma_start3A_101 = tpu.memref_squeeze %dma_start3A_100 : memref<1x1x16xi32, #tpu.memory_space<vmem>> -> memref<16xi32, #tpu.memory_space<vmem>>
      %dma_start3A_102 = arith.constant 0 : i32
      %dma_start3A_103 = arith.constant 0 : i32
      %dma_start3A_104 = tpu.memref_slice %arg5[%dma_start3A_102, %dma_start3A_103] : memref<49152x2048xf32, #tpu.memory_space<hbm>> -> memref<49152x2048xf32, #tpu.memory_space<hbm>>
      tpu.enqueue_indirect_dma source(%arg9 : memref<16x2048xf32, #tpu.memory_space<vmem>>) target(%dma_start3A_104 : memref<49152x2048xf32, #tpu.memory_space<hbm>>) offsets(%dma_start3A_101 : memref<16xi32, #tpu.memory_space<vmem>>) semaphore(%arg11 : memref<!tpu.dma_semaphore, #tpu.memory_space<semaphore_mem>>)
      %dma_start3A_105 = arith.constant 4 : i32
      %dma_start3A_106 = arith.constant 4 : i32
      %dma_start3A_107 = arith.constant 0 : i32
      %dma_start3A_108 = tpu.memref_slice %arg8[%dma_start3A_105, %mul3A_15, %dma_start3A_107] : memref<8x8x16xf32, #tpu.memory_space<vmem>> -> memref<1x1x16xf32, #tpu.memory_space<vmem>>
      %dma_start3A_109 = tpu.memref_squeeze %dma_start3A_108 : memref<1x1x16xf32, #tpu.memory_space<vmem>> -> memref<16xf32, #tpu.memory_space<vmem>>
      %dma_start3A_110 = arith.constant 0 : i32
      %dma_start3A_111 = tpu.memref_slice %arg7[%dma_start3A_106, %mul3A_15, %dma_start3A_110] : memref<8x8x16xi32, #tpu.memory_space<vmem>> -> memref<1x1x16xi32, #tpu.memory_space<vmem>>
      %dma_start3A_112 = tpu.memref_squeeze %dma_start3A_111 : memref<1x1x16xi32, #tpu.memory_space<vmem>> -> memref<16xi32, #tpu.memory_space<vmem>>
      %dma_start3A_113 = arith.constant 0 : i32
      %dma_start3A_114 = tpu.memref_slice %arg6[%dma_start3A_113] : memref<49152xf32, #tpu.memory_space<hbm>> -> memref<49152xf32, #tpu.memory_space<hbm>>
      tpu.enqueue_indirect_dma source(%dma_start3A_109 : memref<16xf32, #tpu.memory_space<vmem>>) target(%dma_start3A_114 : memref<49152xf32, #tpu.memory_space<hbm>>) offsets(%dma_start3A_112 : memref<16xi32, #tpu.memory_space<vmem>>) semaphore(%arg11 : memref<!tpu.dma_semaphore, #tpu.memory_space<semaphore_mem>>)
      %dma_start3A_115 = arith.constant 5 : i32
      %dma_start3A_116 = arith.constant 0 : i32
      %dma_start3A_117 = tpu.memref_slice %arg7[%dma_start3A_115, %mul3A_15, %dma_start3A_116] : memref<8x8x16xi32, #tpu.memory_space<vmem>> -> memref<1x1x16xi32, #tpu.memory_space<vmem>>
      %dma_start3A_118 = tpu.memref_squeeze %dma_start3A_117 : memref<1x1x16xi32, #tpu.memory_space<vmem>> -> memref<16xi32, #tpu.memory_space<vmem>>
      %dma_start3A_119 = arith.constant 0 : i32
      %dma_start3A_120 = arith.constant 0 : i32
      %dma_start3A_121 = tpu.memref_slice %arg5[%dma_start3A_119, %dma_start3A_120] : memref<49152x2048xf32, #tpu.memory_space<hbm>> -> memref<49152x2048xf32, #tpu.memory_space<hbm>>
      tpu.enqueue_indirect_dma source(%arg9 : memref<16x2048xf32, #tpu.memory_space<vmem>>) target(%dma_start3A_121 : memref<49152x2048xf32, #tpu.memory_space<hbm>>) offsets(%dma_start3A_118 : memref<16xi32, #tpu.memory_space<vmem>>) semaphore(%arg11 : memref<!tpu.dma_semaphore, #tpu.memory_space<semaphore_mem>>)
      %dma_start3A_122 = arith.constant 5 : i32
      %dma_start3A_123 = arith.constant 5 : i32
      %dma_start3A_124 = arith.constant 0 : i32
      %dma_start3A_125 = tpu.memref_slice %arg8[%dma_start3A_122, %mul3A_15, %dma_start3A_124] : memref<8x8x16xf32, #tpu.memory_space<vmem>> -> memref<1x1x16xf32, #tpu.memory_space<vmem>>
      %dma_start3A_126 = tpu.memref_squeeze %dma_start3A_125 : memref<1x1x16xf32, #tpu.memory_space<vmem>> -> memref<16xf32, #tpu.memory_space<vmem>>
      %dma_start3A_127 = arith.constant 0 : i32
      %dma_start3A_128 = tpu.memref_slice %arg7[%dma_start3A_123, %mul3A_15, %dma_start3A_127] : memref<8x8x16xi32, #tpu.memory_space<vmem>> -> memref<1x1x16xi32, #tpu.memory_space<vmem>>
      %dma_start3A_129 = tpu.memref_squeeze %dma_start3A_128 : memref<1x1x16xi32, #tpu.memory_space<vmem>> -> memref<16xi32, #tpu.memory_space<vmem>>
      %dma_start3A_130 = arith.constant 0 : i32
      %dma_start3A_131 = tpu.memref_slice %arg6[%dma_start3A_130] : memref<49152xf32, #tpu.memory_space<hbm>> -> memref<49152xf32, #tpu.memory_space<hbm>>
      tpu.enqueue_indirect_dma source(%dma_start3A_126 : memref<16xf32, #tpu.memory_space<vmem>>) target(%dma_start3A_131 : memref<49152xf32, #tpu.memory_space<hbm>>) offsets(%dma_start3A_129 : memref<16xi32, #tpu.memory_space<vmem>>) semaphore(%arg11 : memref<!tpu.dma_semaphore, #tpu.memory_space<semaphore_mem>>)
      %dma_start3A_132 = arith.constant 6 : i32
      %dma_start3A_133 = arith.constant 0 : i32
      %dma_start3A_134 = tpu.memref_slice %arg7[%dma_start3A_132, %mul3A_15, %dma_start3A_133] : memref<8x8x16xi32, #tpu.memory_space<vmem>> -> memref<1x1x16xi32, #tpu.memory_space<vmem>>
      %dma_start3A_135 = tpu.memref_squeeze %dma_start3A_134 : memref<1x1x16xi32, #tpu.memory_space<vmem>> -> memref<16xi32, #tpu.memory_space<vmem>>
      %dma_start3A_136 = arith.constant 0 : i32
      %dma_start3A_137 = arith.constant 0 : i32
      %dma_start3A_138 = tpu.memref_slice %arg5[%dma_start3A_136, %dma_start3A_137] : memref<49152x2048xf32, #tpu.memory_space<hbm>> -> memref<49152x2048xf32, #tpu.memory_space<hbm>>
      tpu.enqueue_indirect_dma source(%arg9 : memref<16x2048xf32, #tpu.memory_space<vmem>>) target(%dma_start3A_138 : memref<49152x2048xf32, #tpu.memory_space<hbm>>) offsets(%dma_start3A_135 : memref<16xi32, #tpu.memory_space<vmem>>) semaphore(%arg11 : memref<!tpu.dma_semaphore, #tpu.memory_space<semaphore_mem>>)
      %dma_start3A_139 = arith.constant 6 : i32
      %dma_start3A_140 = arith.constant 6 : i32
      %dma_start3A_141 = arith.constant 0 : i32
      %dma_start3A_142 = tpu.memref_slice %arg8[%dma_start3A_139, %mul3A_15, %dma_start3A_141] : memref<8x8x16xf32, #tpu.memory_space<vmem>> -> memref<1x1x16xf32, #tpu.memory_space<vmem>>
      %dma_start3A_143 = tpu.memref_squeeze %dma_start3A_142 : memref<1x1x16xf32, #tpu.memory_space<vmem>> -> memref<16xf32, #tpu.memory_space<vmem>>
      %dma_start3A_144 = arith.constant 0 : i32
      %dma_start3A_145 = tpu.memref_slice %arg7[%dma_start3A_140, %mul3A_15, %dma_start3A_144] : memref<8x8x16xi32, #tpu.memory_space<vmem>> -> memref<1x1x16xi32, #tpu.memory_space<vmem>>
      %dma_start3A_146 = tpu.memref_squeeze %dma_start3A_145 : memref<1x1x16xi32, #tpu.memory_space<vmem>> -> memref<16xi32, #tpu.memory_space<vmem>>
      %dma_start3A_147 = arith.constant 0 : i32
      %dma_start3A_148 = tpu.memref_slice %arg6[%dma_start3A_147] : memref<49152xf32, #tpu.memory_space<hbm>> -> memref<49152xf32, #tpu.memory_space<hbm>>
      tpu.enqueue_indirect_dma source(%dma_start3A_143 : memref<16xf32, #tpu.memory_space<vmem>>) target(%dma_start3A_148 : memref<49152xf32, #tpu.memory_space<hbm>>) offsets(%dma_start3A_146 : memref<16xi32, #tpu.memory_space<vmem>>) semaphore(%arg11 : memref<!tpu.dma_semaphore, #tpu.memory_space<semaphore_mem>>)
      %dma_start3A_149 = arith.constant 7 : i32
      %dma_start3A_150 = arith.constant 0 : i32
      %dma_start3A_151 = tpu.memref_slice %arg7[%dma_start3A_149, %mul3A_15, %dma_start3A_150] : memref<8x8x16xi32, #tpu.memory_space<vmem>> -> memref<1x1x16xi32, #tpu.memory_space<vmem>>
      %dma_start3A_152 = tpu.memref_squeeze %dma_start3A_151 : memref<1x1x16xi32, #tpu.memory_space<vmem>> -> memref<16xi32, #tpu.memory_space<vmem>>
      %dma_start3A_153 = arith.constant 0 : i32
      %dma_start3A_154 = arith.constant 0 : i32
      %dma_start3A_155 = tpu.memref_slice %arg5[%dma_start3A_153, %dma_start3A_154] : memref<49152x2048xf32, #tpu.memory_space<hbm>> -> memref<49152x2048xf32, #tpu.memory_space<hbm>>
      tpu.enqueue_indirect_dma source(%arg9 : memref<16x2048xf32, #tpu.memory_space<vmem>>) target(%dma_start3A_155 : memref<49152x2048xf32, #tpu.memory_space<hbm>>) offsets(%dma_start3A_152 : memref<16xi32, #tpu.memory_space<vmem>>) semaphore(%arg11 : memref<!tpu.dma_semaphore, #tpu.memory_space<semaphore_mem>>)
      %dma_start3A_156 = arith.constant 7 : i32
      %dma_start3A_157 = arith.constant 7 : i32
      %dma_start3A_158 = arith.constant 0 : i32
      %dma_start3A_159 = tpu.memref_slice %arg8[%dma_start3A_156, %mul3A_15, %dma_start3A_158] : memref<8x8x16xf32, #tpu.memory_space<vmem>> -> memref<1x1x16xf32, #tpu.memory_space<vmem>>
      %dma_start3A_160 = tpu.memref_squeeze %dma_start3A_159 : memref<1x1x16xf32, #tpu.memory_space<vmem>> -> memref<16xf32, #tpu.memory_space<vmem>>
      %dma_start3A_161 = arith.constant 0 : i32
      %dma_start3A_162 = tpu.memref_slice %arg7[%dma_start3A_157, %mul3A_15, %dma_start3A_161] : memref<8x8x16xi32, #tpu.memory_space<vmem>> -> memref<1x1x16xi32, #tpu.memory_space<vmem>>
      %dma_start3A_163 = tpu.memref_squeeze %dma_start3A_162 : memref<1x1x16xi32, #tpu.memory_space<vmem>> -> memref<16xi32, #tpu.memory_space<vmem>>
      %dma_start3A_164 = arith.constant 0 : i32
      %dma_start3A_165 = tpu.memref_slice %arg6[%dma_start3A_164] : memref<49152xf32, #tpu.memory_space<hbm>> -> memref<49152xf32, #tpu.memory_space<hbm>>
      tpu.enqueue_indirect_dma source(%dma_start3A_160 : memref<16xf32, #tpu.memory_space<vmem>>) target(%dma_start3A_165 : memref<49152xf32, #tpu.memory_space<hbm>>) offsets(%dma_start3A_163 : memref<16xi32, #tpu.memory_space<vmem>>) semaphore(%arg11 : memref<!tpu.dma_semaphore, #tpu.memory_space<semaphore_mem>>)
      %dma_wait3A_166 = arith.constant 0 : i32
      %dma_wait3A_167 = arith.constant 0 : i32
      %dma_wait3A_168 = tpu.memref_slice %arg7[%dma_wait3A_166, %mul3A_15, %dma_wait3A_167] : memref<8x8x16xi32, #tpu.memory_space<vmem>> -> memref<1x1x16xi32, #tpu.memory_space<vmem>>
      %dma_wait3A_169 = tpu.memref_squeeze %dma_wait3A_168 : memref<1x1x16xi32, #tpu.memory_space<vmem>> -> memref<16xi32, #tpu.memory_space<vmem>>
      %dma_wait3A_170 = arith.constant 0 : i32
      %dma_wait3A_171 = arith.constant 0 : i32
      %dma_wait3A_172 = tpu.memref_slice %arg5[%dma_wait3A_170, %dma_wait3A_171] : memref<49152x2048xf32, #tpu.memory_space<hbm>> -> memref<49152x2048xf32, #tpu.memory_space<hbm>>
      tpu.wait_indirect_dma semaphore(%arg11 : memref<!tpu.dma_semaphore, #tpu.memory_space<semaphore_mem>>) src(%arg9 : memref<16x2048xf32, #tpu.memory_space<vmem>>) dst(%dma_wait3A_172 : memref<49152x2048xf32, #tpu.memory_space<hbm>>)
      %dma_wait3A_173 = arith.constant 0 : i32
      %dma_wait3A_174 = arith.constant 0 : i32
      %dma_wait3A_175 = arith.constant 0 : i32
      %dma_wait3A_176 = tpu.memref_slice %arg8[%dma_wait3A_173, %mul3A_15, %dma_wait3A_175] : memref<8x8x16xf32, #tpu.memory_space<vmem>> -> memref<1x1x16xf32, #tpu.memory_space<vmem>>
      %dma_wait3A_177 = tpu.memref_squeeze %dma_wait3A_176 : memref<1x1x16xf32, #tpu.memory_space<vmem>> -> memref<16xf32, #tpu.memory_space<vmem>>
      %dma_wait3A_178 = arith.constant 0 : i32
      %dma_wait3A_179 = tpu.memref_slice %arg7[%dma_wait3A_174, %mul3A_15, %dma_wait3A_178] : memref<8x8x16xi32, #tpu.memory_space<vmem>> -> memref<1x1x16xi32, #tpu.memory_space<vmem>>
      %dma_wait3A_180 = tpu.memref_squeeze %dma_wait3A_179 : memref<1x1x16xi32, #tpu.memory_space<vmem>> -> memref<16xi32, #tpu.memory_space<vmem>>
      %dma_wait3A_181 = arith.constant 0 : i32
      %dma_wait3A_182 = tpu.memref_slice %arg6[%dma_wait3A_181] : memref<49152xf32, #tpu.memory_space<hbm>> -> memref<49152xf32, #tpu.memory_space<hbm>>
      tpu.wait_indirect_dma semaphore(%arg11 : memref<!tpu.dma_semaphore, #tpu.memory_space<semaphore_mem>>) src(%dma_wait3A_177 : memref<16xf32, #tpu.memory_space<vmem>>) dst(%dma_wait3A_182 : memref<49152xf32, #tpu.memory_space<hbm>>)
      %dma_wait3A_183 = arith.constant 1 : i32
      %dma_wait3A_184 = arith.constant 0 : i32
      %dma_wait3A_185 = tpu.memref_slice %arg7[%dma_wait3A_183, %mul3A_15, %dma_wait3A_184] : memref<8x8x16xi32, #tpu.memory_space<vmem>> -> memref<1x1x16xi32, #tpu.memory_space<vmem>>
      %dma_wait3A_186 = tpu.memref_squeeze %dma_wait3A_185 : memref<1x1x16xi32, #tpu.memory_space<vmem>> -> memref<16xi32, #tpu.memory_space<vmem>>
      %dma_wait3A_187 = arith.constant 0 : i32
      %dma_wait3A_188 = arith.constant 0 : i32
      %dma_wait3A_189 = tpu.memref_slice %arg5[%dma_wait3A_187, %dma_wait3A_188] : memref<49152x2048xf32, #tpu.memory_space<hbm>> -> memref<49152x2048xf32, #tpu.memory_space<hbm>>
      tpu.wait_indirect_dma semaphore(%arg11 : memref<!tpu.dma_semaphore, #tpu.memory_space<semaphore_mem>>) src(%arg9 : memref<16x2048xf32, #tpu.memory_space<vmem>>) dst(%dma_wait3A_189 : memref<49152x2048xf32, #tpu.memory_space<hbm>>)
      %dma_wait3A_190 = arith.constant 1 : i32
      %dma_wait3A_191 = arith.constant 1 : i32
      %dma_wait3A_192 = arith.constant 0 : i32
      %dma_wait3A_193 = tpu.memref_slice %arg8[%dma_wait3A_190, %mul3A_15, %dma_wait3A_192] : memref<8x8x16xf32, #tpu.memory_space<vmem>> -> memref<1x1x16xf32, #tpu.memory_space<vmem>>
      %dma_wait3A_194 = tpu.memref_squeeze %dma_wait3A_193 : memref<1x1x16xf32, #tpu.memory_space<vmem>> -> memref<16xf32, #tpu.memory_space<vmem>>
      %dma_wait3A_195 = arith.constant 0 : i32
      %dma_wait3A_196 = tpu.memref_slice %arg7[%dma_wait3A_191, %mul3A_15, %dma_wait3A_195] : memref<8x8x16xi32, #tpu.memory_space<vmem>> -> memref<1x1x16xi32, #tpu.memory_space<vmem>>
      %dma_wait3A_197 = tpu.memref_squeeze %dma_wait3A_196 : memref<1x1x16xi32, #tpu.memory_space<vmem>> -> memref<16xi32, #tpu.memory_space<vmem>>
      %dma_wait3A_198 = arith.constant 0 : i32
      %dma_wait3A_199 = tpu.memref_slice %arg6[%dma_wait3A_198] : memref<49152xf32, #tpu.memory_space<hbm>> -> memref<49152xf32, #tpu.memory_space<hbm>>
      tpu.wait_indirect_dma semaphore(%arg11 : memref<!tpu.dma_semaphore, #tpu.memory_space<semaphore_mem>>) src(%dma_wait3A_194 : memref<16xf32, #tpu.memory_space<vmem>>) dst(%dma_wait3A_199 : memref<49152xf32, #tpu.memory_space<hbm>>)
      %dma_wait3A_200 = arith.constant 2 : i32
      %dma_wait3A_201 = arith.constant 0 : i32
      %dma_wait3A_202 = tpu.memref_slice %arg7[%dma_wait3A_200, %mul3A_15, %dma_wait3A_201] : memref<8x8x16xi32, #tpu.memory_space<vmem>> -> memref<1x1x16xi32, #tpu.memory_space<vmem>>
      %dma_wait3A_203 = tpu.memref_squeeze %dma_wait3A_202 : memref<1x1x16xi32, #tpu.memory_space<vmem>> -> memref<16xi32, #tpu.memory_space<vmem>>
      %dma_wait3A_204 = arith.constant 0 : i32
      %dma_wait3A_205 = arith.constant 0 : i32
      %dma_wait3A_206 = tpu.memref_slice %arg5[%dma_wait3A_204, %dma_wait3A_205] : memref<49152x2048xf32, #tpu.memory_space<hbm>> -> memref<49152x2048xf32, #tpu.memory_space<hbm>>
      tpu.wait_indirect_dma semaphore(%arg11 : memref<!tpu.dma_semaphore, #tpu.memory_space<semaphore_mem>>) src(%arg9 : memref<16x2048xf32, #tpu.memory_space<vmem>>) dst(%dma_wait3A_206 : memref<49152x2048xf32, #tpu.memory_space<hbm>>)
      %dma_wait3A_207 = arith.constant 2 : i32
      %dma_wait3A_208 = arith.constant 2 : i32
      %dma_wait3A_209 = arith.constant 0 : i32
      %dma_wait3A_210 = tpu.memref_slice %arg8[%dma_wait3A_207, %mul3A_15, %dma_wait3A_209] : memref<8x8x16xf32, #tpu.memory_space<vmem>> -> memref<1x1x16xf32, #tpu.memory_space<vmem>>
      %dma_wait3A_211 = tpu.memref_squeeze %dma_wait3A_210 : memref<1x1x16xf32, #tpu.memory_space<vmem>> -> memref<16xf32, #tpu.memory_space<vmem>>
      %dma_wait3A_212 = arith.constant 0 : i32
      %dma_wait3A_213 = tpu.memref_slice %arg7[%dma_wait3A_208, %mul3A_15, %dma_wait3A_212] : memref<8x8x16xi32, #tpu.memory_space<vmem>> -> memref<1x1x16xi32, #tpu.memory_space<vmem>>
      %dma_wait3A_214 = tpu.memref_squeeze %dma_wait3A_213 : memref<1x1x16xi32, #tpu.memory_space<vmem>> -> memref<16xi32, #tpu.memory_space<vmem>>
      %dma_wait3A_215 = arith.constant 0 : i32
      %dma_wait3A_216 = tpu.memref_slice %arg6[%dma_wait3A_215] : memref<49152xf32, #tpu.memory_space<hbm>> -> memref<49152xf32, #tpu.memory_space<hbm>>
      tpu.wait_indirect_dma semaphore(%arg11 : memref<!tpu.dma_semaphore, #tpu.memory_space<semaphore_mem>>) src(%dma_wait3A_211 : memref<16xf32, #tpu.memory_space<vmem>>) dst(%dma_wait3A_216 : memref<49152xf32, #tpu.memory_space<hbm>>)
      %dma_wait3A_217 = arith.constant 3 : i32
      %dma_wait3A_218 = arith.constant 0 : i32
      %dma_wait3A_219 = tpu.memref_slice %arg7[%dma_wait3A_217, %mul3A_15, %dma_wait3A_218] : memref<8x8x16xi32, #tpu.memory_space<vmem>> -> memref<1x1x16xi32, #tpu.memory_space<vmem>>
      %dma_wait3A_220 = tpu.memref_squeeze %dma_wait3A_219 : memref<1x1x16xi32, #tpu.memory_space<vmem>> -> memref<16xi32, #tpu.memory_space<vmem>>
      %dma_wait3A_221 = arith.constant 0 : i32
      %dma_wait3A_222 = arith.constant 0 : i32
      %dma_wait3A_223 = tpu.memref_slice %arg5[%dma_wait3A_221, %dma_wait3A_222] : memref<49152x2048xf32, #tpu.memory_space<hbm>> -> memref<49152x2048xf32, #tpu.memory_space<hbm>>
      tpu.wait_indirect_dma semaphore(%arg11 : memref<!tpu.dma_semaphore, #tpu.memory_space<semaphore_mem>>) src(%arg9 : memref<16x2048xf32, #tpu.memory_space<vmem>>) dst(%dma_wait3A_223 : memref<49152x2048xf32, #tpu.memory_space<hbm>>)
      %dma_wait3A_224 = arith.constant 3 : i32
      %dma_wait3A_225 = arith.constant 3 : i32
      %dma_wait3A_226 = arith.constant 0 : i32
      %dma_wait3A_227 = tpu.memref_slice %arg8[%dma_wait3A_224, %mul3A_15, %dma_wait3A_226] : memref<8x8x16xf32, #tpu.memory_space<vmem>> -> memref<1x1x16xf32, #tpu.memory_space<vmem>>
      %dma_wait3A_228 = tpu.memref_squeeze %dma_wait3A_227 : memref<1x1x16xf32, #tpu.memory_space<vmem>> -> memref<16xf32, #tpu.memory_space<vmem>>
      %dma_wait3A_229 = arith.constant 0 : i32
      %dma_wait3A_230 = tpu.memref_slice %arg7[%dma_wait3A_225, %mul3A_15, %dma_wait3A_229] : memref<8x8x16xi32, #tpu.memory_space<vmem>> -> memref<1x1x16xi32, #tpu.memory_space<vmem>>
      %dma_wait3A_231 = tpu.memref_squeeze %dma_wait3A_230 : memref<1x1x16xi32, #tpu.memory_space<vmem>> -> memref<16xi32, #tpu.memory_space<vmem>>
      %dma_wait3A_232 = arith.constant 0 : i32
      %dma_wait3A_233 = tpu.memref_slice %arg6[%dma_wait3A_232] : memref<49152xf32, #tpu.memory_space<hbm>> -> memref<49152xf32, #tpu.memory_space<hbm>>
      tpu.wait_indirect_dma semaphore(%arg11 : memref<!tpu.dma_semaphore, #tpu.memory_space<semaphore_mem>>) src(%dma_wait3A_228 : memref<16xf32, #tpu.memory_space<vmem>>) dst(%dma_wait3A_233 : memref<49152xf32, #tpu.memory_space<hbm>>)
      %dma_wait3A_234 = arith.constant 4 : i32
      %dma_wait3A_235 = arith.constant 0 : i32
      %dma_wait3A_236 = tpu.memref_slice %arg7[%dma_wait3A_234, %mul3A_15, %dma_wait3A_235] : memref<8x8x16xi32, #tpu.memory_space<vmem>> -> memref<1x1x16xi32, #tpu.memory_space<vmem>>
      %dma_wait3A_237 = tpu.memref_squeeze %dma_wait3A_236 : memref<1x1x16xi32, #tpu.memory_space<vmem>> -> memref<16xi32, #tpu.memory_space<vmem>>
      %dma_wait3A_238 = arith.constant 0 : i32
      %dma_wait3A_239 = arith.constant 0 : i32
      %dma_wait3A_240 = tpu.memref_slice %arg5[%dma_wait3A_238, %dma_wait3A_239] : memref<49152x2048xf32, #tpu.memory_space<hbm>> -> memref<49152x2048xf32, #tpu.memory_space<hbm>>
      tpu.wait_indirect_dma semaphore(%arg11 : memref<!tpu.dma_semaphore, #tpu.memory_space<semaphore_mem>>) src(%arg9 : memref<16x2048xf32, #tpu.memory_space<vmem>>) dst(%dma_wait3A_240 : memref<49152x2048xf32, #tpu.memory_space<hbm>>)
      %dma_wait3A_241 = arith.constant 4 : i32
      %dma_wait3A_242 = arith.constant 4 : i32
      %dma_wait3A_243 = arith.constant 0 : i32
      %dma_wait3A_244 = tpu.memref_slice %arg8[%dma_wait3A_241, %mul3A_15, %dma_wait3A_243] : memref<8x8x16xf32, #tpu.memory_space<vmem>> -> memref<1x1x16xf32, #tpu.memory_space<vmem>>
      %dma_wait3A_245 = tpu.memref_squeeze %dma_wait3A_244 : memref<1x1x16xf32, #tpu.memory_space<vmem>> -> memref<16xf32, #tpu.memory_space<vmem>>
      %dma_wait3A_246 = arith.constant 0 : i32
      %dma_wait3A_247 = tpu.memref_slice %arg7[%dma_wait3A_242, %mul3A_15, %dma_wait3A_246] : memref<8x8x16xi32, #tpu.memory_space<vmem>> -> memref<1x1x16xi32, #tpu.memory_space<vmem>>
      %dma_wait3A_248 = tpu.memref_squeeze %dma_wait3A_247 : memref<1x1x16xi32, #tpu.memory_space<vmem>> -> memref<16xi32, #tpu.memory_space<vmem>>
      %dma_wait3A_249 = arith.constant 0 : i32
      %dma_wait3A_250 = tpu.memref_slice %arg6[%dma_wait3A_249] : memref<49152xf32, #tpu.memory_space<hbm>> -> memref<49152xf32, #tpu.memory_space<hbm>>
      tpu.wait_indirect_dma semaphore(%arg11 : memref<!tpu.dma_semaphore, #tpu.memory_space<semaphore_mem>>) src(%dma_wait3A_245 : memref<16xf32, #tpu.memory_space<vmem>>) dst(%dma_wait3A_250 : memref<49152xf32, #tpu.memory_space<hbm>>)
      %dma_wait3A_251 = arith.constant 5 : i32
      %dma_wait3A_252 = arith.constant 0 : i32
      %dma_wait3A_253 = tpu.memref_slice %arg7[%dma_wait3A_251, %mul3A_15, %dma_wait3A_252] : memref<8x8x16xi32, #tpu.memory_space<vmem>> -> memref<1x1x16xi32, #tpu.memory_space<vmem>>
      %dma_wait3A_254 = tpu.memref_squeeze %dma_wait3A_253 : memref<1x1x16xi32, #tpu.memory_space<vmem>> -> memref<16xi32, #tpu.memory_space<vmem>>
      %dma_wait3A_255 = arith.constant 0 : i32
      %dma_wait3A_256 = arith.constant 0 : i32
      %dma_wait3A_257 = tpu.memref_slice %arg5[%dma_wait3A_255, %dma_wait3A_256] : memref<49152x2048xf32, #tpu.memory_space<hbm>> -> memref<49152x2048xf32, #tpu.memory_space<hbm>>
      tpu.wait_indirect_dma semaphore(%arg11 : memref<!tpu.dma_semaphore, #tpu.memory_space<semaphore_mem>>) src(%arg9 : memref<16x2048xf32, #tpu.memory_space<vmem>>) dst(%dma_wait3A_257 : memref<49152x2048xf32, #tpu.memory_space<hbm>>)
      %dma_wait3A_258 = arith.constant 5 : i32
      %dma_wait3A_259 = arith.constant 5 : i32
      %dma_wait3A_260 = arith.constant 0 : i32
      %dma_wait3A_261 = tpu.memref_slice %arg8[%dma_wait3A_258, %mul3A_15, %dma_wait3A_260] : memref<8x8x16xf32, #tpu.memory_space<vmem>> -> memref<1x1x16xf32, #tpu.memory_space<vmem>>
      %dma_wait3A_262 = tpu.memref_squeeze %dma_wait3A_261 : memref<1x1x16xf32, #tpu.memory_space<vmem>> -> memref<16xf32, #tpu.memory_space<vmem>>
      %dma_wait3A_263 = arith.constant 0 : i32
      %dma_wait3A_264 = tpu.memref_slice %arg7[%dma_wait3A_259, %mul3A_15, %dma_wait3A_263] : memref<8x8x16xi32, #tpu.memory_space<vmem>> -> memref<1x1x16xi32, #tpu.memory_space<vmem>>
      %dma_wait3A_265 = tpu.memref_squeeze %dma_wait3A_264 : memref<1x1x16xi32, #tpu.memory_space<vmem>> -> memref<16xi32, #tpu.memory_space<vmem>>
      %dma_wait3A_266 = arith.constant 0 : i32
      %dma_wait3A_267 = tpu.memref_slice %arg6[%dma_wait3A_266] : memref<49152xf32, #tpu.memory_space<hbm>> -> memref<49152xf32, #tpu.memory_space<hbm>>
      tpu.wait_indirect_dma semaphore(%arg11 : memref<!tpu.dma_semaphore, #tpu.memory_space<semaphore_mem>>) src(%dma_wait3A_262 : memref<16xf32, #tpu.memory_space<vmem>>) dst(%dma_wait3A_267 : memref<49152xf32, #tpu.memory_space<hbm>>)
      %dma_wait3A_268 = arith.constant 6 : i32
      %dma_wait3A_269 = arith.constant 0 : i32
      %dma_wait3A_270 = tpu.memref_slice %arg7[%dma_wait3A_268, %mul3A_15, %dma_wait3A_269] : memref<8x8x16xi32, #tpu.memory_space<vmem>> -> memref<1x1x16xi32, #tpu.memory_space<vmem>>
      %dma_wait3A_271 = tpu.memref_squeeze %dma_wait3A_270 : memref<1x1x16xi32, #tpu.memory_space<vmem>> -> memref<16xi32, #tpu.memory_space<vmem>>
      %dma_wait3A_272 = arith.constant 0 : i32
      %dma_wait3A_273 = arith.constant 0 : i32
      %dma_wait3A_274 = tpu.memref_slice %arg5[%dma_wait3A_272, %dma_wait3A_273] : memref<49152x2048xf32, #tpu.memory_space<hbm>> -> memref<49152x2048xf32, #tpu.memory_space<hbm>>
      tpu.wait_indirect_dma semaphore(%arg11 : memref<!tpu.dma_semaphore, #tpu.memory_space<semaphore_mem>>) src(%arg9 : memref<16x2048xf32, #tpu.memory_space<vmem>>) dst(%dma_wait3A_274 : memref<49152x2048xf32, #tpu.memory_space<hbm>>)
      %dma_wait3A_275 = arith.constant 6 : i32
      %dma_wait3A_276 = arith.constant 6 : i32
      %dma_wait3A_277 = arith.constant 0 : i32
      %dma_wait3A_278 = tpu.memref_slice %arg8[%dma_wait3A_275, %mul3A_15, %dma_wait3A_277] : memref<8x8x16xf32, #tpu.memory_space<vmem>> -> memref<1x1x16xf32, #tpu.memory_space<vmem>>
      %dma_wait3A_279 = tpu.memref_squeeze %dma_wait3A_278 : memref<1x1x16xf32, #tpu.memory_space<vmem>> -> memref<16xf32, #tpu.memory_space<vmem>>
      %dma_wait3A_280 = arith.constant 0 : i32
      %dma_wait3A_281 = tpu.memref_slice %arg7[%dma_wait3A_276, %mul3A_15, %dma_wait3A_280] : memref<8x8x16xi32, #tpu.memory_space<vmem>> -> memref<1x1x16xi32, #tpu.memory_space<vmem>>
      %dma_wait3A_282 = tpu.memref_squeeze %dma_wait3A_281 : memref<1x1x16xi32, #tpu.memory_space<vmem>> -> memref<16xi32, #tpu.memory_space<vmem>>
      %dma_wait3A_283 = arith.constant 0 : i32
      %dma_wait3A_284 = tpu.memref_slice %arg6[%dma_wait3A_283] : memref<49152xf32, #tpu.memory_space<hbm>> -> memref<49152xf32, #tpu.memory_space<hbm>>
      tpu.wait_indirect_dma semaphore(%arg11 : memref<!tpu.dma_semaphore, #tpu.memory_space<semaphore_mem>>) src(%dma_wait3A_279 : memref<16xf32, #tpu.memory_space<vmem>>) dst(%dma_wait3A_284 : memref<49152xf32, #tpu.memory_space<hbm>>)
      %dma_wait3A_285 = arith.constant 7 : i32
      %dma_wait3A_286 = arith.constant 0 : i32
      %dma_wait3A_287 = tpu.memref_slice %arg7[%dma_wait3A_285, %mul3A_15, %dma_wait3A_286] : memref<8x8x16xi32, #tpu.memory_space<vmem>> -> memref<1x1x16xi32, #tpu.memory_space<vmem>>
      %dma_wait3A_288 = tpu.memref_squeeze %dma_wait3A_287 : memref<1x1x16xi32, #tpu.memory_space<vmem>> -> memref<16xi32, #tpu.memory_space<vmem>>
      %dma_wait3A_289 = arith.constant 0 : i32
      %dma_wait3A_290 = arith.constant 0 : i32
      %dma_wait3A_291 = tpu.memref_slice %arg5[%dma_wait3A_289, %dma_wait3A_290] : memref<49152x2048xf32, #tpu.memory_space<hbm>> -> memref<49152x2048xf32, #tpu.memory_space<hbm>>
      tpu.wait_indirect_dma semaphore(%arg11 : memref<!tpu.dma_semaphore, #tpu.memory_space<semaphore_mem>>) src(%arg9 : memref<16x2048xf32, #tpu.memory_space<vmem>>) dst(%dma_wait3A_291 : memref<49152x2048xf32, #tpu.memory_space<hbm>>)
      %dma_wait3A_292 = arith.constant 7 : i32
      %dma_wait3A_293 = arith.constant 7 : i32
      %dma_wait3A_294 = arith.constant 0 : i32
      %dma_wait3A_295 = tpu.memref_slice %arg8[%dma_wait3A_292, %mul3A_15, %dma_wait3A_294] : memref<8x8x16xf32, #tpu.memory_space<vmem>> -> memref<1x1x16xf32, #tpu.memory_space<vmem>>
      %dma_wait3A_296 = tpu.memref_squeeze %dma_wait3A_295 : memref<1x1x16xf32, #tpu.memory_space<vmem>> -> memref<16xf32, #tpu.memory_space<vmem>>
      %dma_wait3A_297 = arith.constant 0 : i32
      %dma_wait3A_298 = tpu.memref_slice %arg7[%dma_wait3A_293, %mul3A_15, %dma_wait3A_297] : memref<8x8x16xi32, #tpu.memory_space<vmem>> -> memref<1x1x16xi32, #tpu.memory_space<vmem>>
      %dma_wait3A_299 = tpu.memref_squeeze %dma_wait3A_298 : memref<1x1x16xi32, #tpu.memory_space<vmem>> -> memref<16xi32, #tpu.memory_space<vmem>>
      %dma_wait3A_300 = arith.constant 0 : i32
      %dma_wait3A_301 = tpu.memref_slice %arg6[%dma_wait3A_300] : memref<49152xf32, #tpu.memory_space<hbm>> -> memref<49152xf32, #tpu.memory_space<hbm>>
      tpu.wait_indirect_dma semaphore(%arg11 : memref<!tpu.dma_semaphore, #tpu.memory_space<semaphore_mem>>) src(%dma_wait3A_296 : memref<16xf32, #tpu.memory_space<vmem>>) dst(%dma_wait3A_301 : memref<49152xf32, #tpu.memory_space<hbm>>)
      %lt3A = arith.constant 3 : i32
      %lt3A_302 = arith.cmpi slt, %scan3A_13, %lt3A : i32
      %convert_element_type3A = arith.extui %lt3A_302 : i1 to i32
      %cond3A = arith.constant 0 : i32
      %cond3A_303 = arith.cmpi ne, %convert_element_type3A, %cond3A : i32
      scf.if %cond3A_303 {
        %add3A_584 = arith.constant 2 : i32
        %add3A_585 = arith.addi %mul3A_15, %add3A_584 : i32
        %mul3A_586 = arith.constant 16 : i32
        %mul3A_587 = arith.muli %add3A_585, %mul3A_586 : i32
        %add3A_588 = arith.addi %mul3A_2, %mul3A_587 : i32
        %dma_start3A_589 = arith.constant 0 : i32
        %dma_start3A_590 = tpu.memref_slice %arg2[%add3A_588, %dma_start3A_589] : memref<4096x2048xf32, #tpu.memory_space<hbm>> -> memref<16x2048xf32, #tpu.memory_space<hbm>>
        %dma_start3A_591 = arith.constant 0 : i32
        %dma_start3A_592 = tpu.memref_slice %arg2[%add3A_588, %dma_start3A_591] : memref<4096x2048xf32, #tpu.memory_space<hbm>> -> memref<16x2048xf32, #tpu.memory_space<hbm>>
        tpu.enqueue_dma source(%dma_start3A_592 : memref<16x2048xf32, #tpu.memory_space<hbm>>) target(%arg9 : memref<16x2048xf32, #tpu.memory_space<vmem>>) target_semaphore(%arg11 : memref<!tpu.dma_semaphore, #tpu.memory_space<semaphore_mem>>)
      } else {
      }
      %dma_wait3A_304 = arith.constant 0 : i32
      %dma_wait3A_305 = arith.constant 0 : i32
      %dma_wait3A_306 = tpu.memref_slice %arg2[%dma_wait3A_304, %dma_wait3A_305] : memref<4096x2048xf32, #tpu.memory_space<hbm>> -> memref<16x2048xf32, #tpu.memory_space<hbm>>
      %dma_wait3A_307 = arith.constant 0 : i32
      %dma_wait3A_308 = arith.constant 0 : i32
      %dma_wait3A_309 = tpu.memref_slice %arg2[%dma_wait3A_307, %dma_wait3A_308] : memref<4096x2048xf32, #tpu.memory_space<hbm>> -> memref<16x2048xf32, #tpu.memory_space<hbm>>
      tpu.wait_dma2 semaphore(%arg12 : memref<!tpu.dma_semaphore, #tpu.memory_space<semaphore_mem>>) src(%dma_wait3A_309 : memref<16x2048xf32, #tpu.memory_space<hbm>>) dst(%arg10 : memref<16x2048xf32, #tpu.memory_space<vmem>>)
      %add3A_310 = arith.constant 1 : i32
      %add3A_311 = arith.addi %mul3A_15, %add3A_310 : i32
      %dma_start3A_312 = arith.constant 0 : i32
      %dma_start3A_313 = arith.constant 0 : i32
      %dma_start3A_314 = tpu.memref_slice %arg7[%dma_start3A_312, %add3A_311, %dma_start3A_313] : memref<8x8x16xi32, #tpu.memory_space<vmem>> -> memref<1x1x16xi32, #tpu.memory_space<vmem>>
      %dma_start3A_315 = tpu.memref_squeeze %dma_start3A_314 : memref<1x1x16xi32, #tpu.memory_space<vmem>> -> memref<16xi32, #tpu.memory_space<vmem>>
      %dma_start3A_316 = arith.constant 0 : i32
      %dma_start3A_317 = arith.constant 0 : i32
      %dma_start3A_318 = tpu.memref_slice %arg5[%dma_start3A_316, %dma_start3A_317] : memref<49152x2048xf32, #tpu.memory_space<hbm>> -> memref<49152x2048xf32, #tpu.memory_space<hbm>>
      tpu.enqueue_indirect_dma source(%arg10 : memref<16x2048xf32, #tpu.memory_space<vmem>>) target(%dma_start3A_318 : memref<49152x2048xf32, #tpu.memory_space<hbm>>) offsets(%dma_start3A_315 : memref<16xi32, #tpu.memory_space<vmem>>) semaphore(%arg12 : memref<!tpu.dma_semaphore, #tpu.memory_space<semaphore_mem>>)
      %dma_start3A_319 = arith.constant 0 : i32
      %dma_start3A_320 = arith.constant 0 : i32
      %dma_start3A_321 = arith.constant 0 : i32
      %dma_start3A_322 = tpu.memref_slice %arg8[%dma_start3A_319, %add3A_311, %dma_start3A_321] : memref<8x8x16xf32, #tpu.memory_space<vmem>> -> memref<1x1x16xf32, #tpu.memory_space<vmem>>
      %dma_start3A_323 = tpu.memref_squeeze %dma_start3A_322 : memref<1x1x16xf32, #tpu.memory_space<vmem>> -> memref<16xf32, #tpu.memory_space<vmem>>
      %dma_start3A_324 = arith.constant 0 : i32
      %dma_start3A_325 = tpu.memref_slice %arg7[%dma_start3A_320, %add3A_311, %dma_start3A_324] : memref<8x8x16xi32, #tpu.memory_space<vmem>> -> memref<1x1x16xi32, #tpu.memory_space<vmem>>
      %dma_start3A_326 = tpu.memref_squeeze %dma_start3A_325 : memref<1x1x16xi32, #tpu.memory_space<vmem>> -> memref<16xi32, #tpu.memory_space<vmem>>
      %dma_start3A_327 = arith.constant 0 : i32
      %dma_start3A_328 = tpu.memref_slice %arg6[%dma_start3A_327] : memref<49152xf32, #tpu.memory_space<hbm>> -> memref<49152xf32, #tpu.memory_space<hbm>>
      tpu.enqueue_indirect_dma source(%dma_start3A_323 : memref<16xf32, #tpu.memory_space<vmem>>) target(%dma_start3A_328 : memref<49152xf32, #tpu.memory_space<hbm>>) offsets(%dma_start3A_326 : memref<16xi32, #tpu.memory_space<vmem>>) semaphore(%arg12 : memref<!tpu.dma_semaphore, #tpu.memory_space<semaphore_mem>>)
      %dma_start3A_329 = arith.constant 1 : i32
      %dma_start3A_330 = arith.constant 0 : i32
      %dma_start3A_331 = tpu.memref_slice %arg7[%dma_start3A_329, %add3A_311, %dma_start3A_330] : memref<8x8x16xi32, #tpu.memory_space<vmem>> -> memref<1x1x16xi32, #tpu.memory_space<vmem>>
      %dma_start3A_332 = tpu.memref_squeeze %dma_start3A_331 : memref<1x1x16xi32, #tpu.memory_space<vmem>> -> memref<16xi32, #tpu.memory_space<vmem>>
      %dma_start3A_333 = arith.constant 0 : i32
      %dma_start3A_334 = arith.constant 0 : i32
      %dma_start3A_335 = tpu.memref_slice %arg5[%dma_start3A_333, %dma_start3A_334] : memref<49152x2048xf32, #tpu.memory_space<hbm>> -> memref<49152x2048xf32, #tpu.memory_space<hbm>>
      tpu.enqueue_indirect_dma source(%arg10 : memref<16x2048xf32, #tpu.memory_space<vmem>>) target(%dma_start3A_335 : memref<49152x2048xf32, #tpu.memory_space<hbm>>) offsets(%dma_start3A_332 : memref<16xi32, #tpu.memory_space<vmem>>) semaphore(%arg12 : memref<!tpu.dma_semaphore, #tpu.memory_space<semaphore_mem>>)
      %dma_start3A_336 = arith.constant 1 : i32
      %dma_start3A_337 = arith.constant 1 : i32
      %dma_start3A_338 = arith.constant 0 : i32
      %dma_start3A_339 = tpu.memref_slice %arg8[%dma_start3A_336, %add3A_311, %dma_start3A_338] : memref<8x8x16xf32, #tpu.memory_space<vmem>> -> memref<1x1x16xf32, #tpu.memory_space<vmem>>
      %dma_start3A_340 = tpu.memref_squeeze %dma_start3A_339 : memref<1x1x16xf32, #tpu.memory_space<vmem>> -> memref<16xf32, #tpu.memory_space<vmem>>
      %dma_start3A_341 = arith.constant 0 : i32
      %dma_start3A_342 = tpu.memref_slice %arg7[%dma_start3A_337, %add3A_311, %dma_start3A_341] : memref<8x8x16xi32, #tpu.memory_space<vmem>> -> memref<1x1x16xi32, #tpu.memory_space<vmem>>
      %dma_start3A_343 = tpu.memref_squeeze %dma_start3A_342 : memref<1x1x16xi32, #tpu.memory_space<vmem>> -> memref<16xi32, #tpu.memory_space<vmem>>
      %dma_start3A_344 = arith.constant 0 : i32
      %dma_start3A_345 = tpu.memref_slice %arg6[%dma_start3A_344] : memref<49152xf32, #tpu.memory_space<hbm>> -> memref<49152xf32, #tpu.memory_space<hbm>>
      tpu.enqueue_indirect_dma source(%dma_start3A_340 : memref<16xf32, #tpu.memory_space<vmem>>) target(%dma_start3A_345 : memref<49152xf32, #tpu.memory_space<hbm>>) offsets(%dma_start3A_343 : memref<16xi32, #tpu.memory_space<vmem>>) semaphore(%arg12 : memref<!tpu.dma_semaphore, #tpu.memory_space<semaphore_mem>>)
      %dma_start3A_346 = arith.constant 2 : i32
      %dma_start3A_347 = arith.constant 0 : i32
      %dma_start3A_348 = tpu.memref_slice %arg7[%dma_start3A_346, %add3A_311, %dma_start3A_347] : memref<8x8x16xi32, #tpu.memory_space<vmem>> -> memref<1x1x16xi32, #tpu.memory_space<vmem>>
      %dma_start3A_349 = tpu.memref_squeeze %dma_start3A_348 : memref<1x1x16xi32, #tpu.memory_space<vmem>> -> memref<16xi32, #tpu.memory_space<vmem>>
      %dma_start3A_350 = arith.constant 0 : i32
      %dma_start3A_351 = arith.constant 0 : i32
      %dma_start3A_352 = tpu.memref_slice %arg5[%dma_start3A_350, %dma_start3A_351] : memref<49152x2048xf32, #tpu.memory_space<hbm>> -> memref<49152x2048xf32, #tpu.memory_space<hbm>>
      tpu.enqueue_indirect_dma source(%arg10 : memref<16x2048xf32, #tpu.memory_space<vmem>>) target(%dma_start3A_352 : memref<49152x2048xf32, #tpu.memory_space<hbm>>) offsets(%dma_start3A_349 : memref<16xi32, #tpu.memory_space<vmem>>) semaphore(%arg12 : memref<!tpu.dma_semaphore, #tpu.memory_space<semaphore_mem>>)
      %dma_start3A_353 = arith.constant 2 : i32
      %dma_start3A_354 = arith.constant 2 : i32
      %dma_start3A_355 = arith.constant 0 : i32
      %dma_start3A_356 = tpu.memref_slice %arg8[%dma_start3A_353, %add3A_311, %dma_start3A_355] : memref<8x8x16xf32, #tpu.memory_space<vmem>> -> memref<1x1x16xf32, #tpu.memory_space<vmem>>
      %dma_start3A_357 = tpu.memref_squeeze %dma_start3A_356 : memref<1x1x16xf32, #tpu.memory_space<vmem>> -> memref<16xf32, #tpu.memory_space<vmem>>
      %dma_start3A_358 = arith.constant 0 : i32
      %dma_start3A_359 = tpu.memref_slice %arg7[%dma_start3A_354, %add3A_311, %dma_start3A_358] : memref<8x8x16xi32, #tpu.memory_space<vmem>> -> memref<1x1x16xi32, #tpu.memory_space<vmem>>
      %dma_start3A_360 = tpu.memref_squeeze %dma_start3A_359 : memref<1x1x16xi32, #tpu.memory_space<vmem>> -> memref<16xi32, #tpu.memory_space<vmem>>
      %dma_start3A_361 = arith.constant 0 : i32
      %dma_start3A_362 = tpu.memref_slice %arg6[%dma_start3A_361] : memref<49152xf32, #tpu.memory_space<hbm>> -> memref<49152xf32, #tpu.memory_space<hbm>>
      tpu.enqueue_indirect_dma source(%dma_start3A_357 : memref<16xf32, #tpu.memory_space<vmem>>) target(%dma_start3A_362 : memref<49152xf32, #tpu.memory_space<hbm>>) offsets(%dma_start3A_360 : memref<16xi32, #tpu.memory_space<vmem>>) semaphore(%arg12 : memref<!tpu.dma_semaphore, #tpu.memory_space<semaphore_mem>>)
      %dma_start3A_363 = arith.constant 3 : i32
      %dma_start3A_364 = arith.constant 0 : i32
      %dma_start3A_365 = tpu.memref_slice %arg7[%dma_start3A_363, %add3A_311, %dma_start3A_364] : memref<8x8x16xi32, #tpu.memory_space<vmem>> -> memref<1x1x16xi32, #tpu.memory_space<vmem>>
      %dma_start3A_366 = tpu.memref_squeeze %dma_start3A_365 : memref<1x1x16xi32, #tpu.memory_space<vmem>> -> memref<16xi32, #tpu.memory_space<vmem>>
      %dma_start3A_367 = arith.constant 0 : i32
      %dma_start3A_368 = arith.constant 0 : i32
      %dma_start3A_369 = tpu.memref_slice %arg5[%dma_start3A_367, %dma_start3A_368] : memref<49152x2048xf32, #tpu.memory_space<hbm>> -> memref<49152x2048xf32, #tpu.memory_space<hbm>>
      tpu.enqueue_indirect_dma source(%arg10 : memref<16x2048xf32, #tpu.memory_space<vmem>>) target(%dma_start3A_369 : memref<49152x2048xf32, #tpu.memory_space<hbm>>) offsets(%dma_start3A_366 : memref<16xi32, #tpu.memory_space<vmem>>) semaphore(%arg12 : memref<!tpu.dma_semaphore, #tpu.memory_space<semaphore_mem>>)
      %dma_start3A_370 = arith.constant 3 : i32
      %dma_start3A_371 = arith.constant 3 : i32
      %dma_start3A_372 = arith.constant 0 : i32
      %dma_start3A_373 = tpu.memref_slice %arg8[%dma_start3A_370, %add3A_311, %dma_start3A_372] : memref<8x8x16xf32, #tpu.memory_space<vmem>> -> memref<1x1x16xf32, #tpu.memory_space<vmem>>
      %dma_start3A_374 = tpu.memref_squeeze %dma_start3A_373 : memref<1x1x16xf32, #tpu.memory_space<vmem>> -> memref<16xf32, #tpu.memory_space<vmem>>
      %dma_start3A_375 = arith.constant 0 : i32
      %dma_start3A_376 = tpu.memref_slice %arg7[%dma_start3A_371, %add3A_311, %dma_start3A_375] : memref<8x8x16xi32, #tpu.memory_space<vmem>> -> memref<1x1x16xi32, #tpu.memory_space<vmem>>
      %dma_start3A_377 = tpu.memref_squeeze %dma_start3A_376 : memref<1x1x16xi32, #tpu.memory_space<vmem>> -> memref<16xi32, #tpu.memory_space<vmem>>
      %dma_start3A_378 = arith.constant 0 : i32
      %dma_start3A_379 = tpu.memref_slice %arg6[%dma_start3A_378] : memref<49152xf32, #tpu.memory_space<hbm>> -> memref<49152xf32, #tpu.memory_space<hbm>>
      tpu.enqueue_indirect_dma source(%dma_start3A_374 : memref<16xf32, #tpu.memory_space<vmem>>) target(%dma_start3A_379 : memref<49152xf32, #tpu.memory_space<hbm>>) offsets(%dma_start3A_377 : memref<16xi32, #tpu.memory_space<vmem>>) semaphore(%arg12 : memref<!tpu.dma_semaphore, #tpu.memory_space<semaphore_mem>>)
      %dma_start3A_380 = arith.constant 4 : i32
      %dma_start3A_381 = arith.constant 0 : i32
      %dma_start3A_382 = tpu.memref_slice %arg7[%dma_start3A_380, %add3A_311, %dma_start3A_381] : memref<8x8x16xi32, #tpu.memory_space<vmem>> -> memref<1x1x16xi32, #tpu.memory_space<vmem>>
      %dma_start3A_383 = tpu.memref_squeeze %dma_start3A_382 : memref<1x1x16xi32, #tpu.memory_space<vmem>> -> memref<16xi32, #tpu.memory_space<vmem>>
      %dma_start3A_384 = arith.constant 0 : i32
      %dma_start3A_385 = arith.constant 0 : i32
      %dma_start3A_386 = tpu.memref_slice %arg5[%dma_start3A_384, %dma_start3A_385] : memref<49152x2048xf32, #tpu.memory_space<hbm>> -> memref<49152x2048xf32, #tpu.memory_space<hbm>>
      tpu.enqueue_indirect_dma source(%arg10 : memref<16x2048xf32, #tpu.memory_space<vmem>>) target(%dma_start3A_386 : memref<49152x2048xf32, #tpu.memory_space<hbm>>) offsets(%dma_start3A_383 : memref<16xi32, #tpu.memory_space<vmem>>) semaphore(%arg12 : memref<!tpu.dma_semaphore, #tpu.memory_space<semaphore_mem>>)
      %dma_start3A_387 = arith.constant 4 : i32
      %dma_start3A_388 = arith.constant 4 : i32
      %dma_start3A_389 = arith.constant 0 : i32
      %dma_start3A_390 = tpu.memref_slice %arg8[%dma_start3A_387, %add3A_311, %dma_start3A_389] : memref<8x8x16xf32, #tpu.memory_space<vmem>> -> memref<1x1x16xf32, #tpu.memory_space<vmem>>
      %dma_start3A_391 = tpu.memref_squeeze %dma_start3A_390 : memref<1x1x16xf32, #tpu.memory_space<vmem>> -> memref<16xf32, #tpu.memory_space<vmem>>
      %dma_start3A_392 = arith.constant 0 : i32
      %dma_start3A_393 = tpu.memref_slice %arg7[%dma_start3A_388, %add3A_311, %dma_start3A_392] : memref<8x8x16xi32, #tpu.memory_space<vmem>> -> memref<1x1x16xi32, #tpu.memory_space<vmem>>
      %dma_start3A_394 = tpu.memref_squeeze %dma_start3A_393 : memref<1x1x16xi32, #tpu.memory_space<vmem>> -> memref<16xi32, #tpu.memory_space<vmem>>
      %dma_start3A_395 = arith.constant 0 : i32
      %dma_start3A_396 = tpu.memref_slice %arg6[%dma_start3A_395] : memref<49152xf32, #tpu.memory_space<hbm>> -> memref<49152xf32, #tpu.memory_space<hbm>>
      tpu.enqueue_indirect_dma source(%dma_start3A_391 : memref<16xf32, #tpu.memory_space<vmem>>) target(%dma_start3A_396 : memref<49152xf32, #tpu.memory_space<hbm>>) offsets(%dma_start3A_394 : memref<16xi32, #tpu.memory_space<vmem>>) semaphore(%arg12 : memref<!tpu.dma_semaphore, #tpu.memory_space<semaphore_mem>>)
      %dma_start3A_397 = arith.constant 5 : i32
      %dma_start3A_398 = arith.constant 0 : i32
      %dma_start3A_399 = tpu.memref_slice %arg7[%dma_start3A_397, %add3A_311, %dma_start3A_398] : memref<8x8x16xi32, #tpu.memory_space<vmem>> -> memref<1x1x16xi32, #tpu.memory_space<vmem>>
      %dma_start3A_400 = tpu.memref_squeeze %dma_start3A_399 : memref<1x1x16xi32, #tpu.memory_space<vmem>> -> memref<16xi32, #tpu.memory_space<vmem>>
      %dma_start3A_401 = arith.constant 0 : i32
      %dma_start3A_402 = arith.constant 0 : i32
      %dma_start3A_403 = tpu.memref_slice %arg5[%dma_start3A_401, %dma_start3A_402] : memref<49152x2048xf32, #tpu.memory_space<hbm>> -> memref<49152x2048xf32, #tpu.memory_space<hbm>>
      tpu.enqueue_indirect_dma source(%arg10 : memref<16x2048xf32, #tpu.memory_space<vmem>>) target(%dma_start3A_403 : memref<49152x2048xf32, #tpu.memory_space<hbm>>) offsets(%dma_start3A_400 : memref<16xi32, #tpu.memory_space<vmem>>) semaphore(%arg12 : memref<!tpu.dma_semaphore, #tpu.memory_space<semaphore_mem>>)
      %dma_start3A_404 = arith.constant 5 : i32
      %dma_start3A_405 = arith.constant 5 : i32
      %dma_start3A_406 = arith.constant 0 : i32
      %dma_start3A_407 = tpu.memref_slice %arg8[%dma_start3A_404, %add3A_311, %dma_start3A_406] : memref<8x8x16xf32, #tpu.memory_space<vmem>> -> memref<1x1x16xf32, #tpu.memory_space<vmem>>
      %dma_start3A_408 = tpu.memref_squeeze %dma_start3A_407 : memref<1x1x16xf32, #tpu.memory_space<vmem>> -> memref<16xf32, #tpu.memory_space<vmem>>
      %dma_start3A_409 = arith.constant 0 : i32
      %dma_start3A_410 = tpu.memref_slice %arg7[%dma_start3A_405, %add3A_311, %dma_start3A_409] : memref<8x8x16xi32, #tpu.memory_space<vmem>> -> memref<1x1x16xi32, #tpu.memory_space<vmem>>
      %dma_start3A_411 = tpu.memref_squeeze %dma_start3A_410 : memref<1x1x16xi32, #tpu.memory_space<vmem>> -> memref<16xi32, #tpu.memory_space<vmem>>
      %dma_start3A_412 = arith.constant 0 : i32
      %dma_start3A_413 = tpu.memref_slice %arg6[%dma_start3A_412] : memref<49152xf32, #tpu.memory_space<hbm>> -> memref<49152xf32, #tpu.memory_space<hbm>>
      tpu.enqueue_indirect_dma source(%dma_start3A_408 : memref<16xf32, #tpu.memory_space<vmem>>) target(%dma_start3A_413 : memref<49152xf32, #tpu.memory_space<hbm>>) offsets(%dma_start3A_411 : memref<16xi32, #tpu.memory_space<vmem>>) semaphore(%arg12 : memref<!tpu.dma_semaphore, #tpu.memory_space<semaphore_mem>>)
      %dma_start3A_414 = arith.constant 6 : i32
      %dma_start3A_415 = arith.constant 0 : i32
      %dma_start3A_416 = tpu.memref_slice %arg7[%dma_start3A_414, %add3A_311, %dma_start3A_415] : memref<8x8x16xi32, #tpu.memory_space<vmem>> -> memref<1x1x16xi32, #tpu.memory_space<vmem>>
      %dma_start3A_417 = tpu.memref_squeeze %dma_start3A_416 : memref<1x1x16xi32, #tpu.memory_space<vmem>> -> memref<16xi32, #tpu.memory_space<vmem>>
      %dma_start3A_418 = arith.constant 0 : i32
      %dma_start3A_419 = arith.constant 0 : i32
      %dma_start3A_420 = tpu.memref_slice %arg5[%dma_start3A_418, %dma_start3A_419] : memref<49152x2048xf32, #tpu.memory_space<hbm>> -> memref<49152x2048xf32, #tpu.memory_space<hbm>>
      tpu.enqueue_indirect_dma source(%arg10 : memref<16x2048xf32, #tpu.memory_space<vmem>>) target(%dma_start3A_420 : memref<49152x2048xf32, #tpu.memory_space<hbm>>) offsets(%dma_start3A_417 : memref<16xi32, #tpu.memory_space<vmem>>) semaphore(%arg12 : memref<!tpu.dma_semaphore, #tpu.memory_space<semaphore_mem>>)
      %dma_start3A_421 = arith.constant 6 : i32
      %dma_start3A_422 = arith.constant 6 : i32
      %dma_start3A_423 = arith.constant 0 : i32
      %dma_start3A_424 = tpu.memref_slice %arg8[%dma_start3A_421, %add3A_311, %dma_start3A_423] : memref<8x8x16xf32, #tpu.memory_space<vmem>> -> memref<1x1x16xf32, #tpu.memory_space<vmem>>
      %dma_start3A_425 = tpu.memref_squeeze %dma_start3A_424 : memref<1x1x16xf32, #tpu.memory_space<vmem>> -> memref<16xf32, #tpu.memory_space<vmem>>
      %dma_start3A_426 = arith.constant 0 : i32
      %dma_start3A_427 = tpu.memref_slice %arg7[%dma_start3A_422, %add3A_311, %dma_start3A_426] : memref<8x8x16xi32, #tpu.memory_space<vmem>> -> memref<1x1x16xi32, #tpu.memory_space<vmem>>
      %dma_start3A_428 = tpu.memref_squeeze %dma_start3A_427 : memref<1x1x16xi32, #tpu.memory_space<vmem>> -> memref<16xi32, #tpu.memory_space<vmem>>
      %dma_start3A_429 = arith.constant 0 : i32
      %dma_start3A_430 = tpu.memref_slice %arg6[%dma_start3A_429] : memref<49152xf32, #tpu.memory_space<hbm>> -> memref<49152xf32, #tpu.memory_space<hbm>>
      tpu.enqueue_indirect_dma source(%dma_start3A_425 : memref<16xf32, #tpu.memory_space<vmem>>) target(%dma_start3A_430 : memref<49152xf32, #tpu.memory_space<hbm>>) offsets(%dma_start3A_428 : memref<16xi32, #tpu.memory_space<vmem>>) semaphore(%arg12 : memref<!tpu.dma_semaphore, #tpu.memory_space<semaphore_mem>>)
      %dma_start3A_431 = arith.constant 7 : i32
      %dma_start3A_432 = arith.constant 0 : i32
      %dma_start3A_433 = tpu.memref_slice %arg7[%dma_start3A_431, %add3A_311, %dma_start3A_432] : memref<8x8x16xi32, #tpu.memory_space<vmem>> -> memref<1x1x16xi32, #tpu.memory_space<vmem>>
      %dma_start3A_434 = tpu.memref_squeeze %dma_start3A_433 : memref<1x1x16xi32, #tpu.memory_space<vmem>> -> memref<16xi32, #tpu.memory_space<vmem>>
      %dma_start3A_435 = arith.constant 0 : i32
      %dma_start3A_436 = arith.constant 0 : i32
      %dma_start3A_437 = tpu.memref_slice %arg5[%dma_start3A_435, %dma_start3A_436] : memref<49152x2048xf32, #tpu.memory_space<hbm>> -> memref<49152x2048xf32, #tpu.memory_space<hbm>>
      tpu.enqueue_indirect_dma source(%arg10 : memref<16x2048xf32, #tpu.memory_space<vmem>>) target(%dma_start3A_437 : memref<49152x2048xf32, #tpu.memory_space<hbm>>) offsets(%dma_start3A_434 : memref<16xi32, #tpu.memory_space<vmem>>) semaphore(%arg12 : memref<!tpu.dma_semaphore, #tpu.memory_space<semaphore_mem>>)
      %dma_start3A_438 = arith.constant 7 : i32
      %dma_start3A_439 = arith.constant 7 : i32
      %dma_start3A_440 = arith.constant 0 : i32
      %dma_start3A_441 = tpu.memref_slice %arg8[%dma_start3A_438, %add3A_311, %dma_start3A_440] : memref<8x8x16xf32, #tpu.memory_space<vmem>> -> memref<1x1x16xf32, #tpu.memory_space<vmem>>
      %dma_start3A_442 = tpu.memref_squeeze %dma_start3A_441 : memref<1x1x16xf32, #tpu.memory_space<vmem>> -> memref<16xf32, #tpu.memory_space<vmem>>
      %dma_start3A_443 = arith.constant 0 : i32
      %dma_start3A_444 = tpu.memref_slice %arg7[%dma_start3A_439, %add3A_311, %dma_start3A_443] : memref<8x8x16xi32, #tpu.memory_space<vmem>> -> memref<1x1x16xi32, #tpu.memory_space<vmem>>
      %dma_start3A_445 = tpu.memref_squeeze %dma_start3A_444 : memref<1x1x16xi32, #tpu.memory_space<vmem>> -> memref<16xi32, #tpu.memory_space<vmem>>
      %dma_start3A_446 = arith.constant 0 : i32
      %dma_start3A_447 = tpu.memref_slice %arg6[%dma_start3A_446] : memref<49152xf32, #tpu.memory_space<hbm>> -> memref<49152xf32, #tpu.memory_space<hbm>>
      tpu.enqueue_indirect_dma source(%dma_start3A_442 : memref<16xf32, #tpu.memory_space<vmem>>) target(%dma_start3A_447 : memref<49152xf32, #tpu.memory_space<hbm>>) offsets(%dma_start3A_445 : memref<16xi32, #tpu.memory_space<vmem>>) semaphore(%arg12 : memref<!tpu.dma_semaphore, #tpu.memory_space<semaphore_mem>>)
      %dma_wait3A_448 = arith.constant 0 : i32
      %dma_wait3A_449 = arith.constant 0 : i32
      %dma_wait3A_450 = tpu.memref_slice %arg7[%dma_wait3A_448, %add3A_311, %dma_wait3A_449] : memref<8x8x16xi32, #tpu.memory_space<vmem>> -> memref<1x1x16xi32, #tpu.memory_space<vmem>>
      %dma_wait3A_451 = tpu.memref_squeeze %dma_wait3A_450 : memref<1x1x16xi32, #tpu.memory_space<vmem>> -> memref<16xi32, #tpu.memory_space<vmem>>
      %dma_wait3A_452 = arith.constant 0 : i32
      %dma_wait3A_453 = arith.constant 0 : i32
      %dma_wait3A_454 = tpu.memref_slice %arg5[%dma_wait3A_452, %dma_wait3A_453] : memref<49152x2048xf32, #tpu.memory_space<hbm>> -> memref<49152x2048xf32, #tpu.memory_space<hbm>>
      tpu.wait_indirect_dma semaphore(%arg12 : memref<!tpu.dma_semaphore, #tpu.memory_space<semaphore_mem>>) src(%arg10 : memref<16x2048xf32, #tpu.memory_space<vmem>>) dst(%dma_wait3A_454 : memref<49152x2048xf32, #tpu.memory_space<hbm>>)
      %dma_wait3A_455 = arith.constant 0 : i32
      %dma_wait3A_456 = arith.constant 0 : i32
      %dma_wait3A_457 = arith.constant 0 : i32
      %dma_wait3A_458 = tpu.memref_slice %arg8[%dma_wait3A_455, %add3A_311, %dma_wait3A_457] : memref<8x8x16xf32, #tpu.memory_space<vmem>> -> memref<1x1x16xf32, #tpu.memory_space<vmem>>
      %dma_wait3A_459 = tpu.memref_squeeze %dma_wait3A_458 : memref<1x1x16xf32, #tpu.memory_space<vmem>> -> memref<16xf32, #tpu.memory_space<vmem>>
      %dma_wait3A_460 = arith.constant 0 : i32
      %dma_wait3A_461 = tpu.memref_slice %arg7[%dma_wait3A_456, %add3A_311, %dma_wait3A_460] : memref<8x8x16xi32, #tpu.memory_space<vmem>> -> memref<1x1x16xi32, #tpu.memory_space<vmem>>
      %dma_wait3A_462 = tpu.memref_squeeze %dma_wait3A_461 : memref<1x1x16xi32, #tpu.memory_space<vmem>> -> memref<16xi32, #tpu.memory_space<vmem>>
      %dma_wait3A_463 = arith.constant 0 : i32
      %dma_wait3A_464 = tpu.memref_slice %arg6[%dma_wait3A_463] : memref<49152xf32, #tpu.memory_space<hbm>> -> memref<49152xf32, #tpu.memory_space<hbm>>
      tpu.wait_indirect_dma semaphore(%arg12 : memref<!tpu.dma_semaphore, #tpu.memory_space<semaphore_mem>>) src(%dma_wait3A_459 : memref<16xf32, #tpu.memory_space<vmem>>) dst(%dma_wait3A_464 : memref<49152xf32, #tpu.memory_space<hbm>>)
      %dma_wait3A_465 = arith.constant 1 : i32
      %dma_wait3A_466 = arith.constant 0 : i32
      %dma_wait3A_467 = tpu.memref_slice %arg7[%dma_wait3A_465, %add3A_311, %dma_wait3A_466] : memref<8x8x16xi32, #tpu.memory_space<vmem>> -> memref<1x1x16xi32, #tpu.memory_space<vmem>>
      %dma_wait3A_468 = tpu.memref_squeeze %dma_wait3A_467 : memref<1x1x16xi32, #tpu.memory_space<vmem>> -> memref<16xi32, #tpu.memory_space<vmem>>
      %dma_wait3A_469 = arith.constant 0 : i32
      %dma_wait3A_470 = arith.constant 0 : i32
      %dma_wait3A_471 = tpu.memref_slice %arg5[%dma_wait3A_469, %dma_wait3A_470] : memref<49152x2048xf32, #tpu.memory_space<hbm>> -> memref<49152x2048xf32, #tpu.memory_space<hbm>>
      tpu.wait_indirect_dma semaphore(%arg12 : memref<!tpu.dma_semaphore, #tpu.memory_space<semaphore_mem>>) src(%arg10 : memref<16x2048xf32, #tpu.memory_space<vmem>>) dst(%dma_wait3A_471 : memref<49152x2048xf32, #tpu.memory_space<hbm>>)
      %dma_wait3A_472 = arith.constant 1 : i32
      %dma_wait3A_473 = arith.constant 1 : i32
      %dma_wait3A_474 = arith.constant 0 : i32
      %dma_wait3A_475 = tpu.memref_slice %arg8[%dma_wait3A_472, %add3A_311, %dma_wait3A_474] : memref<8x8x16xf32, #tpu.memory_space<vmem>> -> memref<1x1x16xf32, #tpu.memory_space<vmem>>
      %dma_wait3A_476 = tpu.memref_squeeze %dma_wait3A_475 : memref<1x1x16xf32, #tpu.memory_space<vmem>> -> memref<16xf32, #tpu.memory_space<vmem>>
      %dma_wait3A_477 = arith.constant 0 : i32
      %dma_wait3A_478 = tpu.memref_slice %arg7[%dma_wait3A_473, %add3A_311, %dma_wait3A_477] : memref<8x8x16xi32, #tpu.memory_space<vmem>> -> memref<1x1x16xi32, #tpu.memory_space<vmem>>
      %dma_wait3A_479 = tpu.memref_squeeze %dma_wait3A_478 : memref<1x1x16xi32, #tpu.memory_space<vmem>> -> memref<16xi32, #tpu.memory_space<vmem>>
      %dma_wait3A_480 = arith.constant 0 : i32
      %dma_wait3A_481 = tpu.memref_slice %arg6[%dma_wait3A_480] : memref<49152xf32, #tpu.memory_space<hbm>> -> memref<49152xf32, #tpu.memory_space<hbm>>
      tpu.wait_indirect_dma semaphore(%arg12 : memref<!tpu.dma_semaphore, #tpu.memory_space<semaphore_mem>>) src(%dma_wait3A_476 : memref<16xf32, #tpu.memory_space<vmem>>) dst(%dma_wait3A_481 : memref<49152xf32, #tpu.memory_space<hbm>>)
      %dma_wait3A_482 = arith.constant 2 : i32
      %dma_wait3A_483 = arith.constant 0 : i32
      %dma_wait3A_484 = tpu.memref_slice %arg7[%dma_wait3A_482, %add3A_311, %dma_wait3A_483] : memref<8x8x16xi32, #tpu.memory_space<vmem>> -> memref<1x1x16xi32, #tpu.memory_space<vmem>>
      %dma_wait3A_485 = tpu.memref_squeeze %dma_wait3A_484 : memref<1x1x16xi32, #tpu.memory_space<vmem>> -> memref<16xi32, #tpu.memory_space<vmem>>
      %dma_wait3A_486 = arith.constant 0 : i32
      %dma_wait3A_487 = arith.constant 0 : i32
      %dma_wait3A_488 = tpu.memref_slice %arg5[%dma_wait3A_486, %dma_wait3A_487] : memref<49152x2048xf32, #tpu.memory_space<hbm>> -> memref<49152x2048xf32, #tpu.memory_space<hbm>>
      tpu.wait_indirect_dma semaphore(%arg12 : memref<!tpu.dma_semaphore, #tpu.memory_space<semaphore_mem>>) src(%arg10 : memref<16x2048xf32, #tpu.memory_space<vmem>>) dst(%dma_wait3A_488 : memref<49152x2048xf32, #tpu.memory_space<hbm>>)
      %dma_wait3A_489 = arith.constant 2 : i32
      %dma_wait3A_490 = arith.constant 2 : i32
      %dma_wait3A_491 = arith.constant 0 : i32
      %dma_wait3A_492 = tpu.memref_slice %arg8[%dma_wait3A_489, %add3A_311, %dma_wait3A_491] : memref<8x8x16xf32, #tpu.memory_space<vmem>> -> memref<1x1x16xf32, #tpu.memory_space<vmem>>
      %dma_wait3A_493 = tpu.memref_squeeze %dma_wait3A_492 : memref<1x1x16xf32, #tpu.memory_space<vmem>> -> memref<16xf32, #tpu.memory_space<vmem>>
      %dma_wait3A_494 = arith.constant 0 : i32
      %dma_wait3A_495 = tpu.memref_slice %arg7[%dma_wait3A_490, %add3A_311, %dma_wait3A_494] : memref<8x8x16xi32, #tpu.memory_space<vmem>> -> memref<1x1x16xi32, #tpu.memory_space<vmem>>
      %dma_wait3A_496 = tpu.memref_squeeze %dma_wait3A_495 : memref<1x1x16xi32, #tpu.memory_space<vmem>> -> memref<16xi32, #tpu.memory_space<vmem>>
      %dma_wait3A_497 = arith.constant 0 : i32
      %dma_wait3A_498 = tpu.memref_slice %arg6[%dma_wait3A_497] : memref<49152xf32, #tpu.memory_space<hbm>> -> memref<49152xf32, #tpu.memory_space<hbm>>
      tpu.wait_indirect_dma semaphore(%arg12 : memref<!tpu.dma_semaphore, #tpu.memory_space<semaphore_mem>>) src(%dma_wait3A_493 : memref<16xf32, #tpu.memory_space<vmem>>) dst(%dma_wait3A_498 : memref<49152xf32, #tpu.memory_space<hbm>>)
      %dma_wait3A_499 = arith.constant 3 : i32
      %dma_wait3A_500 = arith.constant 0 : i32
      %dma_wait3A_501 = tpu.memref_slice %arg7[%dma_wait3A_499, %add3A_311, %dma_wait3A_500] : memref<8x8x16xi32, #tpu.memory_space<vmem>> -> memref<1x1x16xi32, #tpu.memory_space<vmem>>
      %dma_wait3A_502 = tpu.memref_squeeze %dma_wait3A_501 : memref<1x1x16xi32, #tpu.memory_space<vmem>> -> memref<16xi32, #tpu.memory_space<vmem>>
      %dma_wait3A_503 = arith.constant 0 : i32
      %dma_wait3A_504 = arith.constant 0 : i32
      %dma_wait3A_505 = tpu.memref_slice %arg5[%dma_wait3A_503, %dma_wait3A_504] : memref<49152x2048xf32, #tpu.memory_space<hbm>> -> memref<49152x2048xf32, #tpu.memory_space<hbm>>
      tpu.wait_indirect_dma semaphore(%arg12 : memref<!tpu.dma_semaphore, #tpu.memory_space<semaphore_mem>>) src(%arg10 : memref<16x2048xf32, #tpu.memory_space<vmem>>) dst(%dma_wait3A_505 : memref<49152x2048xf32, #tpu.memory_space<hbm>>)
      %dma_wait3A_506 = arith.constant 3 : i32
      %dma_wait3A_507 = arith.constant 3 : i32
      %dma_wait3A_508 = arith.constant 0 : i32
      %dma_wait3A_509 = tpu.memref_slice %arg8[%dma_wait3A_506, %add3A_311, %dma_wait3A_508] : memref<8x8x16xf32, #tpu.memory_space<vmem>> -> memref<1x1x16xf32, #tpu.memory_space<vmem>>
      %dma_wait3A_510 = tpu.memref_squeeze %dma_wait3A_509 : memref<1x1x16xf32, #tpu.memory_space<vmem>> -> memref<16xf32, #tpu.memory_space<vmem>>
      %dma_wait3A_511 = arith.constant 0 : i32
      %dma_wait3A_512 = tpu.memref_slice %arg7[%dma_wait3A_507, %add3A_311, %dma_wait3A_511] : memref<8x8x16xi32, #tpu.memory_space<vmem>> -> memref<1x1x16xi32, #tpu.memory_space<vmem>>
      %dma_wait3A_513 = tpu.memref_squeeze %dma_wait3A_512 : memref<1x1x16xi32, #tpu.memory_space<vmem>> -> memref<16xi32, #tpu.memory_space<vmem>>
      %dma_wait3A_514 = arith.constant 0 : i32
      %dma_wait3A_515 = tpu.memref_slice %arg6[%dma_wait3A_514] : memref<49152xf32, #tpu.memory_space<hbm>> -> memref<49152xf32, #tpu.memory_space<hbm>>
      tpu.wait_indirect_dma semaphore(%arg12 : memref<!tpu.dma_semaphore, #tpu.memory_space<semaphore_mem>>) src(%dma_wait3A_510 : memref<16xf32, #tpu.memory_space<vmem>>) dst(%dma_wait3A_515 : memref<49152xf32, #tpu.memory_space<hbm>>)
      %dma_wait3A_516 = arith.constant 4 : i32
      %dma_wait3A_517 = arith.constant 0 : i32
      %dma_wait3A_518 = tpu.memref_slice %arg7[%dma_wait3A_516, %add3A_311, %dma_wait3A_517] : memref<8x8x16xi32, #tpu.memory_space<vmem>> -> memref<1x1x16xi32, #tpu.memory_space<vmem>>
      %dma_wait3A_519 = tpu.memref_squeeze %dma_wait3A_518 : memref<1x1x16xi32, #tpu.memory_space<vmem>> -> memref<16xi32, #tpu.memory_space<vmem>>
      %dma_wait3A_520 = arith.constant 0 : i32
      %dma_wait3A_521 = arith.constant 0 : i32
      %dma_wait3A_522 = tpu.memref_slice %arg5[%dma_wait3A_520, %dma_wait3A_521] : memref<49152x2048xf32, #tpu.memory_space<hbm>> -> memref<49152x2048xf32, #tpu.memory_space<hbm>>
      tpu.wait_indirect_dma semaphore(%arg12 : memref<!tpu.dma_semaphore, #tpu.memory_space<semaphore_mem>>) src(%arg10 : memref<16x2048xf32, #tpu.memory_space<vmem>>) dst(%dma_wait3A_522 : memref<49152x2048xf32, #tpu.memory_space<hbm>>)
      %dma_wait3A_523 = arith.constant 4 : i32
      %dma_wait3A_524 = arith.constant 4 : i32
      %dma_wait3A_525 = arith.constant 0 : i32
      %dma_wait3A_526 = tpu.memref_slice %arg8[%dma_wait3A_523, %add3A_311, %dma_wait3A_525] : memref<8x8x16xf32, #tpu.memory_space<vmem>> -> memref<1x1x16xf32, #tpu.memory_space<vmem>>
      %dma_wait3A_527 = tpu.memref_squeeze %dma_wait3A_526 : memref<1x1x16xf32, #tpu.memory_space<vmem>> -> memref<16xf32, #tpu.memory_space<vmem>>
      %dma_wait3A_528 = arith.constant 0 : i32
      %dma_wait3A_529 = tpu.memref_slice %arg7[%dma_wait3A_524, %add3A_311, %dma_wait3A_528] : memref<8x8x16xi32, #tpu.memory_space<vmem>> -> memref<1x1x16xi32, #tpu.memory_space<vmem>>
      %dma_wait3A_530 = tpu.memref_squeeze %dma_wait3A_529 : memref<1x1x16xi32, #tpu.memory_space<vmem>> -> memref<16xi32, #tpu.memory_space<vmem>>
      %dma_wait3A_531 = arith.constant 0 : i32
      %dma_wait3A_532 = tpu.memref_slice %arg6[%dma_wait3A_531] : memref<49152xf32, #tpu.memory_space<hbm>> -> memref<49152xf32, #tpu.memory_space<hbm>>
      tpu.wait_indirect_dma semaphore(%arg12 : memref<!tpu.dma_semaphore, #tpu.memory_space<semaphore_mem>>) src(%dma_wait3A_527 : memref<16xf32, #tpu.memory_space<vmem>>) dst(%dma_wait3A_532 : memref<49152xf32, #tpu.memory_space<hbm>>)
      %dma_wait3A_533 = arith.constant 5 : i32
      %dma_wait3A_534 = arith.constant 0 : i32
      %dma_wait3A_535 = tpu.memref_slice %arg7[%dma_wait3A_533, %add3A_311, %dma_wait3A_534] : memref<8x8x16xi32, #tpu.memory_space<vmem>> -> memref<1x1x16xi32, #tpu.memory_space<vmem>>
      %dma_wait3A_536 = tpu.memref_squeeze %dma_wait3A_535 : memref<1x1x16xi32, #tpu.memory_space<vmem>> -> memref<16xi32, #tpu.memory_space<vmem>>
      %dma_wait3A_537 = arith.constant 0 : i32
      %dma_wait3A_538 = arith.constant 0 : i32
      %dma_wait3A_539 = tpu.memref_slice %arg5[%dma_wait3A_537, %dma_wait3A_538] : memref<49152x2048xf32, #tpu.memory_space<hbm>> -> memref<49152x2048xf32, #tpu.memory_space<hbm>>
      tpu.wait_indirect_dma semaphore(%arg12 : memref<!tpu.dma_semaphore, #tpu.memory_space<semaphore_mem>>) src(%arg10 : memref<16x2048xf32, #tpu.memory_space<vmem>>) dst(%dma_wait3A_539 : memref<49152x2048xf32, #tpu.memory_space<hbm>>)
      %dma_wait3A_540 = arith.constant 5 : i32
      %dma_wait3A_541 = arith.constant 5 : i32
      %dma_wait3A_542 = arith.constant 0 : i32
      %dma_wait3A_543 = tpu.memref_slice %arg8[%dma_wait3A_540, %add3A_311, %dma_wait3A_542] : memref<8x8x16xf32, #tpu.memory_space<vmem>> -> memref<1x1x16xf32, #tpu.memory_space<vmem>>
      %dma_wait3A_544 = tpu.memref_squeeze %dma_wait3A_543 : memref<1x1x16xf32, #tpu.memory_space<vmem>> -> memref<16xf32, #tpu.memory_space<vmem>>
      %dma_wait3A_545 = arith.constant 0 : i32
      %dma_wait3A_546 = tpu.memref_slice %arg7[%dma_wait3A_541, %add3A_311, %dma_wait3A_545] : memref<8x8x16xi32, #tpu.memory_space<vmem>> -> memref<1x1x16xi32, #tpu.memory_space<vmem>>
      %dma_wait3A_547 = tpu.memref_squeeze %dma_wait3A_546 : memref<1x1x16xi32, #tpu.memory_space<vmem>> -> memref<16xi32, #tpu.memory_space<vmem>>
      %dma_wait3A_548 = arith.constant 0 : i32
      %dma_wait3A_549 = tpu.memref_slice %arg6[%dma_wait3A_548] : memref<49152xf32, #tpu.memory_space<hbm>> -> memref<49152xf32, #tpu.memory_space<hbm>>
      tpu.wait_indirect_dma semaphore(%arg12 : memref<!tpu.dma_semaphore, #tpu.memory_space<semaphore_mem>>) src(%dma_wait3A_544 : memref<16xf32, #tpu.memory_space<vmem>>) dst(%dma_wait3A_549 : memref<49152xf32, #tpu.memory_space<hbm>>)
      %dma_wait3A_550 = arith.constant 6 : i32
      %dma_wait3A_551 = arith.constant 0 : i32
      %dma_wait3A_552 = tpu.memref_slice %arg7[%dma_wait3A_550, %add3A_311, %dma_wait3A_551] : memref<8x8x16xi32, #tpu.memory_space<vmem>> -> memref<1x1x16xi32, #tpu.memory_space<vmem>>
      %dma_wait3A_553 = tpu.memref_squeeze %dma_wait3A_552 : memref<1x1x16xi32, #tpu.memory_space<vmem>> -> memref<16xi32, #tpu.memory_space<vmem>>
      %dma_wait3A_554 = arith.constant 0 : i32
      %dma_wait3A_555 = arith.constant 0 : i32
      %dma_wait3A_556 = tpu.memref_slice %arg5[%dma_wait3A_554, %dma_wait3A_555] : memref<49152x2048xf32, #tpu.memory_space<hbm>> -> memref<49152x2048xf32, #tpu.memory_space<hbm>>
      tpu.wait_indirect_dma semaphore(%arg12 : memref<!tpu.dma_semaphore, #tpu.memory_space<semaphore_mem>>) src(%arg10 : memref<16x2048xf32, #tpu.memory_space<vmem>>) dst(%dma_wait3A_556 : memref<49152x2048xf32, #tpu.memory_space<hbm>>)
      %dma_wait3A_557 = arith.constant 6 : i32
      %dma_wait3A_558 = arith.constant 6 : i32
      %dma_wait3A_559 = arith.constant 0 : i32
      %dma_wait3A_560 = tpu.memref_slice %arg8[%dma_wait3A_557, %add3A_311, %dma_wait3A_559] : memref<8x8x16xf32, #tpu.memory_space<vmem>> -> memref<1x1x16xf32, #tpu.memory_space<vmem>>
      %dma_wait3A_561 = tpu.memref_squeeze %dma_wait3A_560 : memref<1x1x16xf32, #tpu.memory_space<vmem>> -> memref<16xf32, #tpu.memory_space<vmem>>
      %dma_wait3A_562 = arith.constant 0 : i32
      %dma_wait3A_563 = tpu.memref_slice %arg7[%dma_wait3A_558, %add3A_311, %dma_wait3A_562] : memref<8x8x16xi32, #tpu.memory_space<vmem>> -> memref<1x1x16xi32, #tpu.memory_space<vmem>>
      %dma_wait3A_564 = tpu.memref_squeeze %dma_wait3A_563 : memref<1x1x16xi32, #tpu.memory_space<vmem>> -> memref<16xi32, #tpu.memory_space<vmem>>
      %dma_wait3A_565 = arith.constant 0 : i32
      %dma_wait3A_566 = tpu.memref_slice %arg6[%dma_wait3A_565] : memref<49152xf32, #tpu.memory_space<hbm>> -> memref<49152xf32, #tpu.memory_space<hbm>>
      tpu.wait_indirect_dma semaphore(%arg12 : memref<!tpu.dma_semaphore, #tpu.memory_space<semaphore_mem>>) src(%dma_wait3A_561 : memref<16xf32, #tpu.memory_space<vmem>>) dst(%dma_wait3A_566 : memref<49152xf32, #tpu.memory_space<hbm>>)
      %dma_wait3A_567 = arith.constant 7 : i32
      %dma_wait3A_568 = arith.constant 0 : i32
      %dma_wait3A_569 = tpu.memref_slice %arg7[%dma_wait3A_567, %add3A_311, %dma_wait3A_568] : memref<8x8x16xi32, #tpu.memory_space<vmem>> -> memref<1x1x16xi32, #tpu.memory_space<vmem>>
      %dma_wait3A_570 = tpu.memref_squeeze %dma_wait3A_569 : memref<1x1x16xi32, #tpu.memory_space<vmem>> -> memref<16xi32, #tpu.memory_space<vmem>>
      %dma_wait3A_571 = arith.constant 0 : i32
      %dma_wait3A_572 = arith.constant 0 : i32
      %dma_wait3A_573 = tpu.memref_slice %arg5[%dma_wait3A_571, %dma_wait3A_572] : memref<49152x2048xf32, #tpu.memory_space<hbm>> -> memref<49152x2048xf32, #tpu.memory_space<hbm>>
      tpu.wait_indirect_dma semaphore(%arg12 : memref<!tpu.dma_semaphore, #tpu.memory_space<semaphore_mem>>) src(%arg10 : memref<16x2048xf32, #tpu.memory_space<vmem>>) dst(%dma_wait3A_573 : memref<49152x2048xf32, #tpu.memory_space<hbm>>)
      %dma_wait3A_574 = arith.constant 7 : i32
      %dma_wait3A_575 = arith.constant 7 : i32
      %dma_wait3A_576 = arith.constant 0 : i32
      %dma_wait3A_577 = tpu.memref_slice %arg8[%dma_wait3A_574, %add3A_311, %dma_wait3A_576] : memref<8x8x16xf32, #tpu.memory_space<vmem>> -> memref<1x1x16xf32, #tpu.memory_space<vmem>>
      %dma_wait3A_578 = tpu.memref_squeeze %dma_wait3A_577 : memref<1x1x16xf32, #tpu.memory_space<vmem>> -> memref<16xf32, #tpu.memory_space<vmem>>
      %dma_wait3A_579 = arith.constant 0 : i32
      %dma_wait3A_580 = tpu.memref_slice %arg7[%dma_wait3A_575, %add3A_311, %dma_wait3A_579] : memref<8x8x16xi32, #tpu.memory_space<vmem>> -> memref<1x1x16xi32, #tpu.memory_space<vmem>>
      %dma_wait3A_581 = tpu.memref_squeeze %dma_wait3A_580 : memref<1x1x16xi32, #tpu.memory_space<vmem>> -> memref<16xi32, #tpu.memory_space<vmem>>
      %dma_wait3A_582 = arith.constant 0 : i32
      %dma_wait3A_583 = tpu.memref_slice %arg6[%dma_wait3A_582] : memref<49152xf32, #tpu.memory_space<hbm>> -> memref<49152xf32, #tpu.memory_space<hbm>>
      tpu.wait_indirect_dma semaphore(%arg12 : memref<!tpu.dma_semaphore, #tpu.memory_space<semaphore_mem>>) src(%dma_wait3A_578 : memref<16xf32, #tpu.memory_space<vmem>>) dst(%dma_wait3A_583 : memref<49152xf32, #tpu.memory_space<hbm>>)
    }
    %scan3A_12 = arith.constant 4 : i32
    return
  }
}

#map = affine_map<(d0, d1) -> (0, 0)>
#map1 = affine_map<(d0, d1) -> (0)>
module attributes {stable_mosaic.version = 14 : i64} {
  func.func @_sc_combine(%arg0: i32, %arg1: i32, %arg2: memref<49152x2048xf32, #tpu.memory_space<hbm>>, %arg3: memref<32768xi32, #tpu.memory_space<hbm>>, %arg4: memref<4096x2048xf32, #tpu.memory_space<hbm>>, %arg5: memref<1024xi32, #tpu.memory_space<vmem>>, %arg6: memref<16x2048xf32, #tpu.memory_space<vmem>>, %arg7: memref<16x2048xf32, #tpu.memory_space<vmem>>, %arg8: memref<2x2048xf32, #tpu.memory_space<vmem>>, %arg9: memref<!tpu.dma_semaphore, #tpu.memory_space<semaphore_mem>>, %arg10: memref<!tpu.dma_semaphore, #tpu.memory_space<semaphore_mem>>) attributes {dimension_semantics = [#tpu.dimension_semantics<core_parallel>, #tpu.dimension_semantics<subcore_parallel>], iteration_bounds = array<i64: 2, 16>, scalar_prefetch = 0 : i64, scratch_operands = 6 : i64, tpu.core_type = #tpu.core_type<sc_vector_subcore>, window_params = [{transform_indices = #map}, {transform_indices = #map1}, {transform_indices = #map}]} {
    %mul3A = arith.constant 2 : i32
    %mul3A_0 = arith.muli %arg1, %mul3A : i32
    %add3A = arith.addi %mul3A_0, %arg0 : i32
    %mul3A_1 = arith.constant 128 : i32
    %mul3A_2 = arith.muli %add3A, %mul3A_1 : i32
    %mul3A_3 = arith.constant 8 : i32
    %mul3A_4 = arith.muli %mul3A_2, %mul3A_3 : i32
    "tpu.region"() ({
      %run_scoped3A = tpu.sem_alloc : memref<!tpu.dma_semaphore, #tpu.memory_space<semaphore_mem>>
      %dma_start3A_14 = tpu.memref_slice %arg3[%mul3A_4] : memref<32768xi32, #tpu.memory_space<hbm>> -> memref<1024xi32, #tpu.memory_space<hbm>>
      %dma_start3A_15 = tpu.memref_slice %arg3[%mul3A_4] : memref<32768xi32, #tpu.memory_space<hbm>> -> memref<1024xi32, #tpu.memory_space<hbm>>
      tpu.enqueue_dma source(%dma_start3A_15 : memref<1024xi32, #tpu.memory_space<hbm>>) target(%arg5 : memref<1024xi32, #tpu.memory_space<vmem>>) target_semaphore(%run_scoped3A : memref<!tpu.dma_semaphore, #tpu.memory_space<semaphore_mem>>)
      %dma_wait3A = tpu.memref_slice %arg3[%mul3A_4] : memref<32768xi32, #tpu.memory_space<hbm>> -> memref<1024xi32, #tpu.memory_space<hbm>>
      %dma_wait3A_16 = tpu.memref_slice %arg3[%mul3A_4] : memref<32768xi32, #tpu.memory_space<hbm>> -> memref<1024xi32, #tpu.memory_space<hbm>>
      tpu.wait_dma2 semaphore(%run_scoped3A : memref<!tpu.dma_semaphore, #tpu.memory_space<semaphore_mem>>) src(%dma_wait3A_16 : memref<1024xi32, #tpu.memory_space<hbm>>) dst(%arg5 : memref<1024xi32, #tpu.memory_space<vmem>>)
      tpu.yield
    }) : () -> ()
    %dma_start3A = arith.constant 0 : i32
    %dma_start3A_5 = tpu.memref_slice %arg5[%dma_start3A] : memref<1024xi32, #tpu.memory_space<vmem>> -> memref<16xi32, #tpu.memory_space<vmem>>
    %dma_start3A_6 = arith.constant 0 : i32
    %dma_start3A_7 = arith.constant 0 : i32
    %dma_start3A_8 = tpu.memref_slice %arg2[%dma_start3A_6, %dma_start3A_7] : memref<49152x2048xf32, #tpu.memory_space<hbm>> -> memref<49152x2048xf32, #tpu.memory_space<hbm>>
    tpu.enqueue_indirect_dma source(%dma_start3A_8 : memref<49152x2048xf32, #tpu.memory_space<hbm>>) target(%arg6 : memref<16x2048xf32, #tpu.memory_space<vmem>>) offsets(%dma_start3A_5 : memref<16xi32, #tpu.memory_space<vmem>>) semaphore(%arg9 : memref<!tpu.dma_semaphore, #tpu.memory_space<semaphore_mem>>)
    %scan3A = arith.constant 0 : i32
    %scan3A_9 = arith.constant 0 : i32
    %scan3A_10 = arith.constant 32 : i32
    %scan3A_11 = arith.addi %scan3A_9, %scan3A_10 : i32
    %scan3A_12 = arith.constant 1 : i32
    scf.for %scan3A_14 = %scan3A_9 to %scan3A_11 step %scan3A_12  : i32 {
      %mul3A_15 = arith.constant 2 : i32
      %mul3A_16 = arith.muli %mul3A_15, %scan3A_14 : i32
      %add3A_17 = arith.constant 1 : i32
      %add3A_18 = arith.addi %mul3A_16, %add3A_17 : i32
      %mul3A_19 = arith.constant 2 : i32
      %mul3A_20 = arith.muli %add3A_18, %mul3A_19 : i32
      %mul3A_21 = arith.constant 8 : i32
      %mul3A_22 = arith.muli %mul3A_20, %mul3A_21 : i32
      %dma_start3A_23 = tpu.memref_slice %arg5[%mul3A_22] : memref<1024xi32, #tpu.memory_space<vmem>> -> memref<16xi32, #tpu.memory_space<vmem>>
      %dma_start3A_24 = arith.constant 0 : i32
      %dma_start3A_25 = arith.constant 0 : i32
      %dma_start3A_26 = tpu.memref_slice %arg2[%dma_start3A_24, %dma_start3A_25] : memref<49152x2048xf32, #tpu.memory_space<hbm>> -> memref<49152x2048xf32, #tpu.memory_space<hbm>>
      tpu.enqueue_indirect_dma source(%dma_start3A_26 : memref<49152x2048xf32, #tpu.memory_space<hbm>>) target(%arg7 : memref<16x2048xf32, #tpu.memory_space<vmem>>) offsets(%dma_start3A_23 : memref<16xi32, #tpu.memory_space<vmem>>) semaphore(%arg10 : memref<!tpu.dma_semaphore, #tpu.memory_space<semaphore_mem>>)
      %mul3A_27 = arith.constant 2 : i32
      %mul3A_28 = arith.muli %mul3A_16, %mul3A_27 : i32
      %mul3A_29 = arith.constant 8 : i32
      %mul3A_30 = arith.muli %mul3A_28, %mul3A_29 : i32
      %dma_wait3A = tpu.memref_slice %arg5[%mul3A_30] : memref<1024xi32, #tpu.memory_space<vmem>> -> memref<16xi32, #tpu.memory_space<vmem>>
      %dma_wait3A_31 = arith.constant 0 : i32
      %dma_wait3A_32 = arith.constant 0 : i32
      %dma_wait3A_33 = tpu.memref_slice %arg2[%dma_wait3A_31, %dma_wait3A_32] : memref<49152x2048xf32, #tpu.memory_space<hbm>> -> memref<49152x2048xf32, #tpu.memory_space<hbm>>
      tpu.wait_indirect_dma semaphore(%arg9 : memref<!tpu.dma_semaphore, #tpu.memory_space<semaphore_mem>>) src(%dma_wait3A_33 : memref<49152x2048xf32, #tpu.memory_space<hbm>>) dst(%arg6 : memref<16x2048xf32, #tpu.memory_space<vmem>>)
      %mul3A_34 = arith.constant 2 : i32
      %mul3A_35 = arith.muli %mul3A_16, %mul3A_34 : i32
      %add3A_36 = arith.addi %mul3A_2, %mul3A_35 : i32
      %scan3A_37 = arith.constant 0 : i32
      %scan3A_38 = arith.constant 0 : i32
      %scan3A_39 = arith.constant 128 : i32
      %scan3A_40 = arith.addi %scan3A_38, %scan3A_39 : i32
      %scan3A_41 = arith.constant 1 : i32
      scf.for %scan3A_66 = %scan3A_38 to %scan3A_40 step %scan3A_41  : i32 {
        %mul3A_67 = arith.constant 16 : i32
        %mul3A_68 = arith.muli %scan3A_66, %mul3A_67 : i32
        %get3A = arith.constant 0 : i32
        %get3A_69 = arith.index_cast %get3A : i32 to index
        %get3A_70 = arith.index_cast %mul3A_68 : i32 to index
        %get3A_71 = tpu.vector_load %arg6[%get3A_69, %get3A_70] {strides = array<i32>} : memref<16x2048xf32, #tpu.memory_space<vmem>>, vector<1x16xf32>,
        %get3A_72 = vector.shape_cast %get3A_71 : vector<1x16xf32> to vector<16xf32>
        %get3A_73 = arith.constant 1 : i32
        %get3A_74 = arith.index_cast %get3A_73 : i32 to index
        %get3A_75 = arith.index_cast %mul3A_68 : i32 to index
        %get3A_76 = tpu.vector_load %arg6[%get3A_74, %get3A_75] {strides = array<i32>} : memref<16x2048xf32, #tpu.memory_space<vmem>>, vector<1x16xf32>,
        %get3A_77 = vector.shape_cast %get3A_76 : vector<1x16xf32> to vector<16xf32>
        %add3A_78 = arith.addf %get3A_72, %get3A_77 : vector<16xf32>
        %get3A_79 = arith.constant 2 : i32
        %get3A_80 = arith.index_cast %get3A_79 : i32 to index
        %get3A_81 = arith.index_cast %mul3A_68 : i32 to index
        %get3A_82 = tpu.vector_load %arg6[%get3A_80, %get3A_81] {strides = array<i32>} : memref<16x2048xf32, #tpu.memory_space<vmem>>, vector<1x16xf32>,
        %get3A_83 = vector.shape_cast %get3A_82 : vector<1x16xf32> to vector<16xf32>
        %add3A_84 = arith.addf %add3A_78, %get3A_83 : vector<16xf32>
        %get3A_85 = arith.constant 3 : i32
        %get3A_86 = arith.index_cast %get3A_85 : i32 to index
        %get3A_87 = arith.index_cast %mul3A_68 : i32 to index
        %get3A_88 = tpu.vector_load %arg6[%get3A_86, %get3A_87] {strides = array<i32>} : memref<16x2048xf32, #tpu.memory_space<vmem>>, vector<1x16xf32>,
        %get3A_89 = vector.shape_cast %get3A_88 : vector<1x16xf32> to vector<16xf32>
        %add3A_90 = arith.addf %add3A_84, %get3A_89 : vector<16xf32>
        %get3A_91 = arith.constant 4 : i32
        %get3A_92 = arith.index_cast %get3A_91 : i32 to index
        %get3A_93 = arith.index_cast %mul3A_68 : i32 to index
        %get3A_94 = tpu.vector_load %arg6[%get3A_92, %get3A_93] {strides = array<i32>} : memref<16x2048xf32, #tpu.memory_space<vmem>>, vector<1x16xf32>,
        %get3A_95 = vector.shape_cast %get3A_94 : vector<1x16xf32> to vector<16xf32>
        %add3A_96 = arith.addf %add3A_90, %get3A_95 : vector<16xf32>
        %get3A_97 = arith.constant 5 : i32
        %get3A_98 = arith.index_cast %get3A_97 : i32 to index
        %get3A_99 = arith.index_cast %mul3A_68 : i32 to index
        %get3A_100 = tpu.vector_load %arg6[%get3A_98, %get3A_99] {strides = array<i32>} : memref<16x2048xf32, #tpu.memory_space<vmem>>, vector<1x16xf32>,
        %get3A_101 = vector.shape_cast %get3A_100 : vector<1x16xf32> to vector<16xf32>
        %add3A_102 = arith.addf %add3A_96, %get3A_101 : vector<16xf32>
        %get3A_103 = arith.constant 6 : i32
        %get3A_104 = arith.index_cast %get3A_103 : i32 to index
        %get3A_105 = arith.index_cast %mul3A_68 : i32 to index
        %get3A_106 = tpu.vector_load %arg6[%get3A_104, %get3A_105] {strides = array<i32>} : memref<16x2048xf32, #tpu.memory_space<vmem>>, vector<1x16xf32>,
        %get3A_107 = vector.shape_cast %get3A_106 : vector<1x16xf32> to vector<16xf32>
        %add3A_108 = arith.addf %add3A_102, %get3A_107 : vector<16xf32>
        %get3A_109 = arith.constant 7 : i32
        %get3A_110 = arith.index_cast %get3A_109 : i32 to index
        %get3A_111 = arith.index_cast %mul3A_68 : i32 to index
        %get3A_112 = tpu.vector_load %arg6[%get3A_110, %get3A_111] {strides = array<i32>} : memref<16x2048xf32, #tpu.memory_space<vmem>>, vector<1x16xf32>,
        %get3A_113 = vector.shape_cast %get3A_112 : vector<1x16xf32> to vector<16xf32>
        %add3A_114 = arith.addf %add3A_108, %get3A_113 : vector<16xf32>
        %swap3A = arith.constant 0 : i32
        %swap3A_115 = arith.index_cast %swap3A : i32 to index
        %swap3A_116 = arith.index_cast %mul3A_68 : i32 to index
        %swap3A_117 = tpu.vector_load %arg8[%swap3A_115, %swap3A_116] {strides = array<i32>} : memref<2x2048xf32, #tpu.memory_space<vmem>>, vector<1x16xf32>,
        %swap3A_118 = vector.shape_cast %swap3A_117 : vector<1x16xf32> to vector<16xf32>
        %swap3A_119 = vector.shape_cast %add3A_114 : vector<16xf32> to vector<1x16xf32>
        tpu.vector_store %arg8[%swap3A_115, %swap3A_116], %swap3A_119 {strides = array<i32>} : memref<2x2048xf32, #tpu.memory_space<vmem>>, vector<1x16xf32>,
        %get3A_120 = arith.constant 8 : i32
        %get3A_121 = arith.index_cast %get3A_120 : i32 to index
        %get3A_122 = arith.index_cast %mul3A_68 : i32 to index
        %get3A_123 = tpu.vector_load %arg6[%get3A_121, %get3A_122] {strides = array<i32>} : memref<16x2048xf32, #tpu.memory_space<vmem>>, vector<1x16xf32>,
        %get3A_124 = vector.shape_cast %get3A_123 : vector<1x16xf32> to vector<16xf32>
        %get3A_125 = arith.constant 9 : i32
        %get3A_126 = arith.index_cast %get3A_125 : i32 to index
        %get3A_127 = arith.index_cast %mul3A_68 : i32 to index
        %get3A_128 = tpu.vector_load %arg6[%get3A_126, %get3A_127] {strides = array<i32>} : memref<16x2048xf32, #tpu.memory_space<vmem>>, vector<1x16xf32>,
        %get3A_129 = vector.shape_cast %get3A_128 : vector<1x16xf32> to vector<16xf32>
        %add3A_130 = arith.addf %get3A_124, %get3A_129 : vector<16xf32>
        %get3A_131 = arith.constant 10 : i32
        %get3A_132 = arith.index_cast %get3A_131 : i32 to index
        %get3A_133 = arith.index_cast %mul3A_68 : i32 to index
        %get3A_134 = tpu.vector_load %arg6[%get3A_132, %get3A_133] {strides = array<i32>} : memref<16x2048xf32, #tpu.memory_space<vmem>>, vector<1x16xf32>,
        %get3A_135 = vector.shape_cast %get3A_134 : vector<1x16xf32> to vector<16xf32>
        %add3A_136 = arith.addf %add3A_130, %get3A_135 : vector<16xf32>
        %get3A_137 = arith.constant 11 : i32
        %get3A_138 = arith.index_cast %get3A_137 : i32 to index
        %get3A_139 = arith.index_cast %mul3A_68 : i32 to index
        %get3A_140 = tpu.vector_load %arg6[%get3A_138, %get3A_139] {strides = array<i32>} : memref<16x2048xf32, #tpu.memory_space<vmem>>, vector<1x16xf32>,
        %get3A_141 = vector.shape_cast %get3A_140 : vector<1x16xf32> to vector<16xf32>
        %add3A_142 = arith.addf %add3A_136, %get3A_141 : vector<16xf32>
        %get3A_143 = arith.constant 12 : i32
        %get3A_144 = arith.index_cast %get3A_143 : i32 to index
        %get3A_145 = arith.index_cast %mul3A_68 : i32 to index
        %get3A_146 = tpu.vector_load %arg6[%get3A_144, %get3A_145] {strides = array<i32>} : memref<16x2048xf32, #tpu.memory_space<vmem>>, vector<1x16xf32>,
        %get3A_147 = vector.shape_cast %get3A_146 : vector<1x16xf32> to vector<16xf32>
        %add3A_148 = arith.addf %add3A_142, %get3A_147 : vector<16xf32>
        %get3A_149 = arith.constant 13 : i32
        %get3A_150 = arith.index_cast %get3A_149 : i32 to index
        %get3A_151 = arith.index_cast %mul3A_68 : i32 to index
        %get3A_152 = tpu.vector_load %arg6[%get3A_150, %get3A_151] {strides = array<i32>} : memref<16x2048xf32, #tpu.memory_space<vmem>>, vector<1x16xf32>,
        %get3A_153 = vector.shape_cast %get3A_152 : vector<1x16xf32> to vector<16xf32>
        %add3A_154 = arith.addf %add3A_148, %get3A_153 : vector<16xf32>
        %get3A_155 = arith.constant 14 : i32
        %get3A_156 = arith.index_cast %get3A_155 : i32 to index
        %get3A_157 = arith.index_cast %mul3A_68 : i32 to index
        %get3A_158 = tpu.vector_load %arg6[%get3A_156, %get3A_157] {strides = array<i32>} : memref<16x2048xf32, #tpu.memory_space<vmem>>, vector<1x16xf32>,
        %get3A_159 = vector.shape_cast %get3A_158 : vector<1x16xf32> to vector<16xf32>
        %add3A_160 = arith.addf %add3A_154, %get3A_159 : vector<16xf32>
        %get3A_161 = arith.constant 15 : i32
        %get3A_162 = arith.index_cast %get3A_161 : i32 to index
        %get3A_163 = arith.index_cast %mul3A_68 : i32 to index
        %get3A_164 = tpu.vector_load %arg6[%get3A_162, %get3A_163] {strides = array<i32>} : memref<16x2048xf32, #tpu.memory_space<vmem>>, vector<1x16xf32>,
        %get3A_165 = vector.shape_cast %get3A_164 : vector<1x16xf32> to vector<16xf32>
        %add3A_166 = arith.addf %add3A_160, %get3A_165 : vector<16xf32>
        %swap3A_167 = arith.constant 1 : i32
        %swap3A_168 = arith.index_cast %swap3A_167 : i32 to index
        %swap3A_169 = arith.index_cast %mul3A_68 : i32 to index
        %swap3A_170 = tpu.vector_load %arg8[%swap3A_168, %swap3A_169] {strides = array<i32>} : memref<2x2048xf32, #tpu.memory_space<vmem>>, vector<1x16xf32>,
        %swap3A_171 = vector.shape_cast %swap3A_170 : vector<1x16xf32> to vector<16xf32>
        %swap3A_172 = vector.shape_cast %add3A_166 : vector<16xf32> to vector<1x16xf32>
        tpu.vector_store %arg8[%swap3A_168, %swap3A_169], %swap3A_172 {strides = array<i32>} : memref<2x2048xf32, #tpu.memory_space<vmem>>, vector<1x16xf32>,
      }
      %scan3A_42 = arith.constant 128 : i32
      "tpu.region"() ({
        %run_scoped3A = tpu.sem_alloc : memref<!tpu.dma_semaphore, #tpu.memory_space<semaphore_mem>>
        %dma_start3A_66 = arith.constant 0 : i32
        %dma_start3A_67 = tpu.memref_slice %arg4[%add3A_36, %dma_start3A_66] : memref<4096x2048xf32, #tpu.memory_space<hbm>> -> memref<2x2048xf32, #tpu.memory_space<hbm>>
        %dma_start3A_68 = arith.constant 0 : i32
        %dma_start3A_69 = tpu.memref_slice %arg4[%add3A_36, %dma_start3A_68] : memref<4096x2048xf32, #tpu.memory_space<hbm>> -> memref<2x2048xf32, #tpu.memory_space<hbm>>
        tpu.enqueue_dma source(%arg8 : memref<2x2048xf32, #tpu.memory_space<vmem>>) target(%dma_start3A_69 : memref<2x2048xf32, #tpu.memory_space<hbm>>) target_semaphore(%run_scoped3A : memref<!tpu.dma_semaphore, #tpu.memory_space<semaphore_mem>>)
        %dma_wait3A_70 = arith.constant 0 : i32
        %dma_wait3A_71 = tpu.memref_slice %arg4[%add3A_36, %dma_wait3A_70] : memref<4096x2048xf32, #tpu.memory_space<hbm>> -> memref<2x2048xf32, #tpu.memory_space<hbm>>
        %dma_wait3A_72 = arith.constant 0 : i32
        %dma_wait3A_73 = tpu.memref_slice %arg4[%add3A_36, %dma_wait3A_72] : memref<4096x2048xf32, #tpu.memory_space<hbm>> -> memref<2x2048xf32, #tpu.memory_space<hbm>>
        tpu.wait_dma2 semaphore(%run_scoped3A : memref<!tpu.dma_semaphore, #tpu.memory_space<semaphore_mem>>) src(%arg8 : memref<2x2048xf32, #tpu.memory_space<vmem>>) dst(%dma_wait3A_73 : memref<2x2048xf32, #tpu.memory_space<hbm>>)
        tpu.yield
      }) : () -> ()
      %lt3A = arith.constant 31 : i32
      %lt3A_43 = arith.cmpi slt, %scan3A_14, %lt3A : i32
      %convert_element_type3A = arith.extui %lt3A_43 : i1 to i32
      %cond3A = arith.constant 0 : i32
      %cond3A_44 = arith.cmpi ne, %convert_element_type3A, %cond3A : i32
      scf.if %cond3A_44 {
        %add3A_66 = arith.constant 2 : i32
        %add3A_67 = arith.addi %mul3A_16, %add3A_66 : i32
        %mul3A_68 = arith.constant 2 : i32
        %mul3A_69 = arith.muli %add3A_67, %mul3A_68 : i32
        %mul3A_70 = arith.constant 8 : i32
        %mul3A_71 = arith.muli %mul3A_69, %mul3A_70 : i32
        %dma_start3A_72 = tpu.memref_slice %arg5[%mul3A_71] : memref<1024xi32, #tpu.memory_space<vmem>> -> memref<16xi32, #tpu.memory_space<vmem>>
        %dma_start3A_73 = arith.constant 0 : i32
        %dma_start3A_74 = arith.constant 0 : i32
        %dma_start3A_75 = tpu.memref_slice %arg2[%dma_start3A_73, %dma_start3A_74] : memref<49152x2048xf32, #tpu.memory_space<hbm>> -> memref<49152x2048xf32, #tpu.memory_space<hbm>>
        tpu.enqueue_indirect_dma source(%dma_start3A_75 : memref<49152x2048xf32, #tpu.memory_space<hbm>>) target(%arg6 : memref<16x2048xf32, #tpu.memory_space<vmem>>) offsets(%dma_start3A_72 : memref<16xi32, #tpu.memory_space<vmem>>) semaphore(%arg9 : memref<!tpu.dma_semaphore, #tpu.memory_space<semaphore_mem>>)
      } else {
      }
      %add3A_45 = arith.constant 1 : i32
      %add3A_46 = arith.addi %mul3A_16, %add3A_45 : i32
      %mul3A_47 = arith.constant 2 : i32
      %mul3A_48 = arith.muli %add3A_46, %mul3A_47 : i32
      %mul3A_49 = arith.constant 8 : i32
      %mul3A_50 = arith.muli %mul3A_48, %mul3A_49 : i32
      %dma_wait3A_51 = tpu.memref_slice %arg5[%mul3A_50] : memref<1024xi32, #tpu.memory_space<vmem>> -> memref<16xi32, #tpu.memory_space<vmem>>
      %dma_wait3A_52 = arith.constant 0 : i32
      %dma_wait3A_53 = arith.constant 0 : i32
      %dma_wait3A_54 = tpu.memref_slice %arg2[%dma_wait3A_52, %dma_wait3A_53] : memref<49152x2048xf32, #tpu.memory_space<hbm>> -> memref<49152x2048xf32, #tpu.memory_space<hbm>>
      tpu.wait_indirect_dma semaphore(%arg10 : memref<!tpu.dma_semaphore, #tpu.memory_space<semaphore_mem>>) src(%dma_wait3A_54 : memref<49152x2048xf32, #tpu.memory_space<hbm>>) dst(%arg7 : memref<16x2048xf32, #tpu.memory_space<vmem>>)
      %add3A_55 = arith.constant 1 : i32
      %add3A_56 = arith.addi %mul3A_16, %add3A_55 : i32
      %mul3A_57 = arith.constant 2 : i32
      %mul3A_58 = arith.muli %add3A_56, %mul3A_57 : i32
      %add3A_59 = arith.addi %mul3A_2, %mul3A_58 : i32
      %scan3A_60 = arith.constant 0 : i32
      %scan3A_61 = arith.constant 0 : i32
      %scan3A_62 = arith.constant 128 : i32
      %scan3A_63 = arith.addi %scan3A_61, %scan3A_62 : i32
      %scan3A_64 = arith.constant 1 : i32
      scf.for %scan3A_66 = %scan3A_61 to %scan3A_63 step %scan3A_64  : i32 {
        %mul3A_67 = arith.constant 16 : i32
        %mul3A_68 = arith.muli %scan3A_66, %mul3A_67 : i32
        %get3A = arith.constant 0 : i32
        %get3A_69 = arith.index_cast %get3A : i32 to index
        %get3A_70 = arith.index_cast %mul3A_68 : i32 to index
        %get3A_71 = tpu.vector_load %arg7[%get3A_69, %get3A_70] {strides = array<i32>} : memref<16x2048xf32, #tpu.memory_space<vmem>>, vector<1x16xf32>,
        %get3A_72 = vector.shape_cast %get3A_71 : vector<1x16xf32> to vector<16xf32>
        %get3A_73 = arith.constant 1 : i32
        %get3A_74 = arith.index_cast %get3A_73 : i32 to index
        %get3A_75 = arith.index_cast %mul3A_68 : i32 to index
        %get3A_76 = tpu.vector_load %arg7[%get3A_74, %get3A_75] {strides = array<i32>} : memref<16x2048xf32, #tpu.memory_space<vmem>>, vector<1x16xf32>,
        %get3A_77 = vector.shape_cast %get3A_76 : vector<1x16xf32> to vector<16xf32>
        %add3A_78 = arith.addf %get3A_72, %get3A_77 : vector<16xf32>
        %get3A_79 = arith.constant 2 : i32
        %get3A_80 = arith.index_cast %get3A_79 : i32 to index
        %get3A_81 = arith.index_cast %mul3A_68 : i32 to index
        %get3A_82 = tpu.vector_load %arg7[%get3A_80, %get3A_81] {strides = array<i32>} : memref<16x2048xf32, #tpu.memory_space<vmem>>, vector<1x16xf32>,
        %get3A_83 = vector.shape_cast %get3A_82 : vector<1x16xf32> to vector<16xf32>
        %add3A_84 = arith.addf %add3A_78, %get3A_83 : vector<16xf32>
        %get3A_85 = arith.constant 3 : i32
        %get3A_86 = arith.index_cast %get3A_85 : i32 to index
        %get3A_87 = arith.index_cast %mul3A_68 : i32 to index
        %get3A_88 = tpu.vector_load %arg7[%get3A_86, %get3A_87] {strides = array<i32>} : memref<16x2048xf32, #tpu.memory_space<vmem>>, vector<1x16xf32>,
        %get3A_89 = vector.shape_cast %get3A_88 : vector<1x16xf32> to vector<16xf32>
        %add3A_90 = arith.addf %add3A_84, %get3A_89 : vector<16xf32>
        %get3A_91 = arith.constant 4 : i32
        %get3A_92 = arith.index_cast %get3A_91 : i32 to index
        %get3A_93 = arith.index_cast %mul3A_68 : i32 to index
        %get3A_94 = tpu.vector_load %arg7[%get3A_92, %get3A_93] {strides = array<i32>} : memref<16x2048xf32, #tpu.memory_space<vmem>>, vector<1x16xf32>,
        %get3A_95 = vector.shape_cast %get3A_94 : vector<1x16xf32> to vector<16xf32>
        %add3A_96 = arith.addf %add3A_90, %get3A_95 : vector<16xf32>
        %get3A_97 = arith.constant 5 : i32
        %get3A_98 = arith.index_cast %get3A_97 : i32 to index
        %get3A_99 = arith.index_cast %mul3A_68 : i32 to index
        %get3A_100 = tpu.vector_load %arg7[%get3A_98, %get3A_99] {strides = array<i32>} : memref<16x2048xf32, #tpu.memory_space<vmem>>, vector<1x16xf32>,
        %get3A_101 = vector.shape_cast %get3A_100 : vector<1x16xf32> to vector<16xf32>
        %add3A_102 = arith.addf %add3A_96, %get3A_101 : vector<16xf32>
        %get3A_103 = arith.constant 6 : i32
        %get3A_104 = arith.index_cast %get3A_103 : i32 to index
        %get3A_105 = arith.index_cast %mul3A_68 : i32 to index
        %get3A_106 = tpu.vector_load %arg7[%get3A_104, %get3A_105] {strides = array<i32>} : memref<16x2048xf32, #tpu.memory_space<vmem>>, vector<1x16xf32>,
        %get3A_107 = vector.shape_cast %get3A_106 : vector<1x16xf32> to vector<16xf32>
        %add3A_108 = arith.addf %add3A_102, %get3A_107 : vector<16xf32>
        %get3A_109 = arith.constant 7 : i32
        %get3A_110 = arith.index_cast %get3A_109 : i32 to index
        %get3A_111 = arith.index_cast %mul3A_68 : i32 to index
        %get3A_112 = tpu.vector_load %arg7[%get3A_110, %get3A_111] {strides = array<i32>} : memref<16x2048xf32, #tpu.memory_space<vmem>>, vector<1x16xf32>,
        %get3A_113 = vector.shape_cast %get3A_112 : vector<1x16xf32> to vector<16xf32>
        %add3A_114 = arith.addf %add3A_108, %get3A_113 : vector<16xf32>
        %swap3A = arith.constant 0 : i32
        %swap3A_115 = arith.index_cast %swap3A : i32 to index
        %swap3A_116 = arith.index_cast %mul3A_68 : i32 to index
        %swap3A_117 = tpu.vector_load %arg8[%swap3A_115, %swap3A_116] {strides = array<i32>} : memref<2x2048xf32, #tpu.memory_space<vmem>>, vector<1x16xf32>,
        %swap3A_118 = vector.shape_cast %swap3A_117 : vector<1x16xf32> to vector<16xf32>
        %swap3A_119 = vector.shape_cast %add3A_114 : vector<16xf32> to vector<1x16xf32>
        tpu.vector_store %arg8[%swap3A_115, %swap3A_116], %swap3A_119 {strides = array<i32>} : memref<2x2048xf32, #tpu.memory_space<vmem>>, vector<1x16xf32>,
        %get3A_120 = arith.constant 8 : i32
        %get3A_121 = arith.index_cast %get3A_120 : i32 to index
        %get3A_122 = arith.index_cast %mul3A_68 : i32 to index
        %get3A_123 = tpu.vector_load %arg7[%get3A_121, %get3A_122] {strides = array<i32>} : memref<16x2048xf32, #tpu.memory_space<vmem>>, vector<1x16xf32>,
        %get3A_124 = vector.shape_cast %get3A_123 : vector<1x16xf32> to vector<16xf32>
        %get3A_125 = arith.constant 9 : i32
        %get3A_126 = arith.index_cast %get3A_125 : i32 to index
        %get3A_127 = arith.index_cast %mul3A_68 : i32 to index
        %get3A_128 = tpu.vector_load %arg7[%get3A_126, %get3A_127] {strides = array<i32>} : memref<16x2048xf32, #tpu.memory_space<vmem>>, vector<1x16xf32>,
        %get3A_129 = vector.shape_cast %get3A_128 : vector<1x16xf32> to vector<16xf32>
        %add3A_130 = arith.addf %get3A_124, %get3A_129 : vector<16xf32>
        %get3A_131 = arith.constant 10 : i32
        %get3A_132 = arith.index_cast %get3A_131 : i32 to index
        %get3A_133 = arith.index_cast %mul3A_68 : i32 to index
        %get3A_134 = tpu.vector_load %arg7[%get3A_132, %get3A_133] {strides = array<i32>} : memref<16x2048xf32, #tpu.memory_space<vmem>>, vector<1x16xf32>,
        %get3A_135 = vector.shape_cast %get3A_134 : vector<1x16xf32> to vector<16xf32>
        %add3A_136 = arith.addf %add3A_130, %get3A_135 : vector<16xf32>
        %get3A_137 = arith.constant 11 : i32
        %get3A_138 = arith.index_cast %get3A_137 : i32 to index
        %get3A_139 = arith.index_cast %mul3A_68 : i32 to index
        %get3A_140 = tpu.vector_load %arg7[%get3A_138, %get3A_139] {strides = array<i32>} : memref<16x2048xf32, #tpu.memory_space<vmem>>, vector<1x16xf32>,
        %get3A_141 = vector.shape_cast %get3A_140 : vector<1x16xf32> to vector<16xf32>
        %add3A_142 = arith.addf %add3A_136, %get3A_141 : vector<16xf32>
        %get3A_143 = arith.constant 12 : i32
        %get3A_144 = arith.index_cast %get3A_143 : i32 to index
        %get3A_145 = arith.index_cast %mul3A_68 : i32 to index
        %get3A_146 = tpu.vector_load %arg7[%get3A_144, %get3A_145] {strides = array<i32>} : memref<16x2048xf32, #tpu.memory_space<vmem>>, vector<1x16xf32>,
        %get3A_147 = vector.shape_cast %get3A_146 : vector<1x16xf32> to vector<16xf32>
        %add3A_148 = arith.addf %add3A_142, %get3A_147 : vector<16xf32>
        %get3A_149 = arith.constant 13 : i32
        %get3A_150 = arith.index_cast %get3A_149 : i32 to index
        %get3A_151 = arith.index_cast %mul3A_68 : i32 to index
        %get3A_152 = tpu.vector_load %arg7[%get3A_150, %get3A_151] {strides = array<i32>} : memref<16x2048xf32, #tpu.memory_space<vmem>>, vector<1x16xf32>,
        %get3A_153 = vector.shape_cast %get3A_152 : vector<1x16xf32> to vector<16xf32>
        %add3A_154 = arith.addf %add3A_148, %get3A_153 : vector<16xf32>
        %get3A_155 = arith.constant 14 : i32
        %get3A_156 = arith.index_cast %get3A_155 : i32 to index
        %get3A_157 = arith.index_cast %mul3A_68 : i32 to index
        %get3A_158 = tpu.vector_load %arg7[%get3A_156, %get3A_157] {strides = array<i32>} : memref<16x2048xf32, #tpu.memory_space<vmem>>, vector<1x16xf32>,
        %get3A_159 = vector.shape_cast %get3A_158 : vector<1x16xf32> to vector<16xf32>
        %add3A_160 = arith.addf %add3A_154, %get3A_159 : vector<16xf32>
        %get3A_161 = arith.constant 15 : i32
        %get3A_162 = arith.index_cast %get3A_161 : i32 to index
        %get3A_163 = arith.index_cast %mul3A_68 : i32 to index
        %get3A_164 = tpu.vector_load %arg7[%get3A_162, %get3A_163] {strides = array<i32>} : memref<16x2048xf32, #tpu.memory_space<vmem>>, vector<1x16xf32>,
        %get3A_165 = vector.shape_cast %get3A_164 : vector<1x16xf32> to vector<16xf32>
        %add3A_166 = arith.addf %add3A_160, %get3A_165 : vector<16xf32>
        %swap3A_167 = arith.constant 1 : i32
        %swap3A_168 = arith.index_cast %swap3A_167 : i32 to index
        %swap3A_169 = arith.index_cast %mul3A_68 : i32 to index
        %swap3A_170 = tpu.vector_load %arg8[%swap3A_168, %swap3A_169] {strides = array<i32>} : memref<2x2048xf32, #tpu.memory_space<vmem>>, vector<1x16xf32>,
        %swap3A_171 = vector.shape_cast %swap3A_170 : vector<1x16xf32> to vector<16xf32>
        %swap3A_172 = vector.shape_cast %add3A_166 : vector<16xf32> to vector<1x16xf32>
        tpu.vector_store %arg8[%swap3A_168, %swap3A_169], %swap3A_172 {strides = array<i32>} : memref<2x2048xf32, #tpu.memory_space<vmem>>, vector<1x16xf32>,
      }
      %scan3A_65 = arith.constant 128 : i32
      "tpu.region"() ({
        %run_scoped3A = tpu.sem_alloc : memref<!tpu.dma_semaphore, #tpu.memory_space<semaphore_mem>>
        %dma_start3A_66 = arith.constant 0 : i32
        %dma_start3A_67 = tpu.memref_slice %arg4[%add3A_59, %dma_start3A_66] : memref<4096x2048xf32, #tpu.memory_space<hbm>> -> memref<2x2048xf32, #tpu.memory_space<hbm>>
        %dma_start3A_68 = arith.constant 0 : i32
        %dma_start3A_69 = tpu.memref_slice %arg4[%add3A_59, %dma_start3A_68] : memref<4096x2048xf32, #tpu.memory_space<hbm>> -> memref<2x2048xf32, #tpu.memory_space<hbm>>
        tpu.enqueue_dma source(%arg8 : memref<2x2048xf32, #tpu.memory_space<vmem>>) target(%dma_start3A_69 : memref<2x2048xf32, #tpu.memory_space<hbm>>) target_semaphore(%run_scoped3A : memref<!tpu.dma_semaphore, #tpu.memory_space<semaphore_mem>>)
        %dma_wait3A_70 = arith.constant 0 : i32
        %dma_wait3A_71 = tpu.memref_slice %arg4[%add3A_59, %dma_wait3A_70] : memref<4096x2048xf32, #tpu.memory_space<hbm>> -> memref<2x2048xf32, #tpu.memory_space<hbm>>
        %dma_wait3A_72 = arith.constant 0 : i32
        %dma_wait3A_73 = tpu.memref_slice %arg4[%add3A_59, %dma_wait3A_72] : memref<4096x2048xf32, #tpu.memory_space<hbm>> -> memref<2x2048xf32, #tpu.memory_space<hbm>>
        tpu.wait_dma2 semaphore(%run_scoped3A : memref<!tpu.dma_semaphore, #tpu.memory_space<semaphore_mem>>) src(%arg8 : memref<2x2048xf32, #tpu.memory_space<vmem>>) dst(%dma_wait3A_73 : memref<2x2048xf32, #tpu.memory_space<hbm>>)
        tpu.yield
      }) : () -> ()
    }
    %scan3A_13 = arith.constant 32 : i32
    return
  }
}

module attributes {stable_mosaic.version = 14 : i64} {
  func.func @_ffn_body(%arg0: i32, %arg1: memref<193xi32, #tpu.memory_space<smem>>, %arg2: memref<256x2048xf32, #tpu.memory_space<vmem>>, %arg3: memref<1x1x256xf32, #tpu.memory_space<vmem>>, %arg4: memref<1x2048x1024xf32, #tpu.memory_space<vmem>>, %arg5: memref<1x2048x1024xf32, #tpu.memory_space<vmem>>, %arg6: memref<1x1024x2048xf32, #tpu.memory_space<vmem>>, %arg7: memref<256x2048xf32, #tpu.memory_space<vmem>>) attributes {dimension_semantics = [#tpu.dimension_semantics<arbitrary>], iteration_bounds = array<i64: 192>, scalar_prefetch = 1 : i64, scratch_operands = 0 : i64, tpu.core_type = #tpu.core_type<tc>, window_params = [{transform_indices = @transform_0, window_bounds = array<i64: 256, 2048>}, {transform_indices = @transform_1, window_bounds = array<i64: 1, 1, 256>}, {transform_indices = @transform_2, window_bounds = array<i64: 1, 2048, 1024>}, {transform_indices = @transform_3, window_bounds = array<i64: 1, 2048, 1024>}, {transform_indices = @transform_4, window_bounds = array<i64: 1, 1024, 2048>}, {transform_indices = @transform_5, window_bounds = array<i64: 256, 2048>}]} {
    %get3A = arith.constant 192 : index
    %get3A_0 = memref.load %arg1[%get3A] : memref<193xi32, #tpu.memory_space<smem>>
    %lt3A = arith.cmpi slt, %arg0, %get3A_0 : i32
    %convert_element_type3A = arith.extui %lt3A : i1 to i32
    %cond3A = arith.constant 0 : i32
    %cond3A_1 = arith.cmpi ne, %convert_element_type3A, %cond3A : i32
    scf.if %cond3A_1 {
      %get3A_2 = arith.constant 0 : index
      %get3A_3 = arith.constant 0 : index
      %get3A_4 = vector.load %arg2[%get3A_2, %get3A_3] : memref<256x2048xf32, #tpu.memory_space<vmem>>, vector<256x2048xf32>
      %convert_element_type3A_5 = arith.truncf %get3A_4 : vector<256x2048xf32> to vector<256x2048xbf16>
      %get3A_6 = arith.constant 0 : index
      %get3A_7 = arith.constant 0 : index
      %get3A_8 = arith.constant 0 : index
      %get3A_9 = vector.load %arg4[%get3A_6, %get3A_7, %get3A_8] : memref<1x2048x1024xf32, #tpu.memory_space<vmem>>, vector<1x2048x1024xf32>
      %get3A_10 = vector.shape_cast %get3A_9 : vector<1x2048x1024xf32> to vector<2048x1024xf32>
      %convert_element_type3A_11 = arith.truncf %get3A_10 : vector<2048x1024xf32> to vector<2048x1024xbf16>
      %dot_general3A = arith.constant dense<0.000000e+00> : vector<256x1024xf32>
      %dot_general3A_12 = tpu.matmul %convert_element_type3A_5, %convert_element_type3A_11, %dot_general3A {dimension_numbers = #tpu.dot_dimension_numbers<[1], [0], [0], [1], [0, 0, 1, 1], [], []>, transpose_lhs_hint = false} : vector<256x2048xbf16>, vector<2048x1024xbf16>, vector<256x1024xf32> -> vector<256x1024xf32>
      %get3A_13 = arith.constant 0 : index
      %get3A_14 = arith.constant 0 : index
      %get3A_15 = arith.constant 0 : index
      %get3A_16 = vector.load %arg5[%get3A_13, %get3A_14, %get3A_15] : memref<1x2048x1024xf32, #tpu.memory_space<vmem>>, vector<1x2048x1024xf32>
      %get3A_17 = vector.shape_cast %get3A_16 : vector<1x2048x1024xf32> to vector<2048x1024xf32>
      %convert_element_type3A_18 = arith.truncf %get3A_17 : vector<2048x1024xf32> to vector<2048x1024xbf16>
      %dot_general3A_19 = arith.constant dense<0.000000e+00> : vector<256x1024xf32>
      %dot_general3A_20 = tpu.matmul %convert_element_type3A_5, %convert_element_type3A_18, %dot_general3A_19 {dimension_numbers = #tpu.dot_dimension_numbers<[1], [0], [0], [1], [0, 0, 1, 1], [], []>, transpose_lhs_hint = false} : vector<256x2048xbf16>, vector<2048x1024xbf16>, vector<256x1024xf32> -> vector<256x1024xf32>
      %logistic3A = arith.negf %dot_general3A_12 : vector<256x1024xf32>
      %logistic3A_21 = math.exp %logistic3A : vector<256x1024xf32>
      %logistic3A_22 = arith.constant 1.000000e+00 : f32
      %logistic3A_23 = vector.broadcast %logistic3A_22 : f32 to vector<256x1024xf32>
      %logistic3A_24 = arith.addf %logistic3A_23, %logistic3A_21 : vector<256x1024xf32>
      %logistic3A_25 = arith.divf %logistic3A_23, %logistic3A_24 : vector<256x1024xf32>
      %mul3A = arith.mulf %dot_general3A_12, %logistic3A_25 : vector<256x1024xf32>
      %mul3A_26 = arith.mulf %mul3A, %dot_general3A_20 : vector<256x1024xf32>
      %convert_element_type3A_27 = arith.truncf %mul3A_26 : vector<256x1024xf32> to vector<256x1024xbf16>
      %get3A_28 = arith.constant 0 : index
      %get3A_29 = arith.constant 0 : index
      %get3A_30 = arith.constant 0 : index
      %get3A_31 = vector.load %arg6[%get3A_28, %get3A_29, %get3A_30] : memref<1x1024x2048xf32, #tpu.memory_space<vmem>>, vector<1x1024x2048xf32>
      %get3A_32 = vector.shape_cast %get3A_31 : vector<1x1024x2048xf32> to vector<1024x2048xf32>
      %convert_element_type3A_33 = arith.truncf %get3A_32 : vector<1024x2048xf32> to vector<1024x2048xbf16>
      %dot_general3A_34 = arith.constant dense<0.000000e+00> : vector<256x2048xf32>
      %dot_general3A_35 = tpu.matmul %convert_element_type3A_27, %convert_element_type3A_33, %dot_general3A_34 {dimension_numbers = #tpu.dot_dimension_numbers<[1], [0], [0], [1], [0, 0, 1, 1], [], []>, transpose_lhs_hint = false} : vector<256x1024xbf16>, vector<1024x2048xbf16>, vector<256x2048xf32> -> vector<256x2048xf32>
      %get3A_36 = arith.constant 0 : index
      %get3A_37 = arith.constant 0 : index
      %get3A_38 = arith.constant 0 : index
      %get3A_39 = vector.load %arg3[%get3A_36, %get3A_37, %get3A_38] : memref<1x1x256xf32, #tpu.memory_space<vmem>>, vector<1x1x256xf32>
      %get3A_40 = vector.shape_cast %get3A_39 : vector<1x1x256xf32> to vector<256xf32>
      %broadcast_in_dim3A = vector.shape_cast %get3A_40 : vector<256xf32> to vector<256x1xf32>
      %mul3A_41 = vector.broadcast %broadcast_in_dim3A : vector<256x1xf32> to vector<256x2048xf32>
      %mul3A_42 = arith.mulf %dot_general3A_35, %mul3A_41 : vector<256x2048xf32>
      %swap3A = arith.constant 0 : index
      %swap3A_43 = arith.constant 0 : index
      %swap3A_44 = vector.load %arg7[%swap3A, %swap3A_43] : memref<256x2048xf32, #tpu.memory_space<vmem>>, vector<256x2048xf32>
      tpu.vector_store %arg7[%swap3A, %swap3A_43], %mul3A_42 {strides = array<i32>} : memref<256x2048xf32, #tpu.memory_space<vmem>>, vector<256x2048xf32>,
    } else {
    }
    return
  }
  func.func @transform_0(%arg0: i32, %arg1: memref<193xi32, #tpu.memory_space<smem>>) -> (i32, i32) {
    %get3A = arith.constant 192 : index
    %get3A_0 = memref.load %arg1[%get3A] : memref<193xi32, #tpu.memory_space<smem>>
    %sub3A = arith.constant 1 : i32
    %sub3A_1 = arith.subi %get3A_0, %sub3A : i32
    %min3A = arith.minsi %arg0, %sub3A_1 : i32
    %c0_i32 = arith.constant 0 : i32
    %c0_i32_2 = arith.constant 0 : i32
    return %min3A, %c0_i32 : i32, i32
  }
  func.func @transform_1(%arg0: i32, %arg1: memref<193xi32, #tpu.memory_space<smem>>) -> (i32, i32, i32) {
    %get3A = arith.constant 192 : index
    %get3A_0 = memref.load %arg1[%get3A] : memref<193xi32, #tpu.memory_space<smem>>
    %sub3A = arith.constant 1 : i32
    %sub3A_1 = arith.subi %get3A_0, %sub3A : i32
    %min3A = arith.minsi %arg0, %sub3A_1 : i32
    %c0_i32 = arith.constant 0 : i32
    %c0_i32_2 = arith.constant 0 : i32
    %c0_i32_3 = arith.constant 0 : i32
    return %min3A, %c0_i32, %c0_i32_2 : i32, i32, i32
  }
  func.func @transform_2(%arg0: i32, %arg1: memref<193xi32, #tpu.memory_space<smem>>) -> (i32, i32, i32) {
    %get3A = arith.index_cast %arg0 : i32 to index
    %get3A_0 = memref.load %arg1[%get3A] : memref<193xi32, #tpu.memory_space<smem>>
    %c0_i32 = arith.constant 0 : i32
    %c0_i32_1 = arith.constant 0 : i32
    %c0_i32_2 = arith.constant 0 : i32
    return %get3A_0, %c0_i32, %c0_i32_1 : i32, i32, i32
  }
  func.func @transform_3(%arg0: i32, %arg1: memref<193xi32, #tpu.memory_space<smem>>) -> (i32, i32, i32) {
    %get3A = arith.index_cast %arg0 : i32 to index
    %get3A_0 = memref.load %arg1[%get3A] : memref<193xi32, #tpu.memory_space<smem>>
    %c0_i32 = arith.constant 0 : i32
    %c0_i32_1 = arith.constant 0 : i32
    %c0_i32_2 = arith.constant 0 : i32
    return %get3A_0, %c0_i32, %c0_i32_1 : i32, i32, i32
  }
  func.func @transform_4(%arg0: i32, %arg1: memref<193xi32, #tpu.memory_space<smem>>) -> (i32, i32, i32) {
    %get3A = arith.index_cast %arg0 : i32 to index
    %get3A_0 = memref.load %arg1[%get3A] : memref<193xi32, #tpu.memory_space<smem>>
    %c0_i32 = arith.constant 0 : i32
    %c0_i32_1 = arith.constant 0 : i32
    %c0_i32_2 = arith.constant 0 : i32
    return %get3A_0, %c0_i32, %c0_i32_1 : i32, i32, i32
  }
  func.func @transform_5(%arg0: i32, %arg1: memref<193xi32, #tpu.memory_space<smem>>) -> (i32, i32) {
    %get3A = arith.constant 192 : index
    %get3A_0 = memref.load %arg1[%get3A] : memref<193xi32, #tpu.memory_space<smem>>
    %sub3A = arith.constant 1 : i32
    %sub3A_1 = arith.subi %get3A_0, %sub3A : i32
    %min3A = arith.minsi %arg0, %sub3A_1 : i32
    %c0_i32 = arith.constant 0 : i32
    %c0_i32_2 = arith.constant 0 : i32
    return %min3A, %c0_i32 : i32, i32
  }
}

</mosaic_0001>

<sc_bundles>
// kernel: kernel.5.cloned.1.call-start
scs
__scs_entry_jumppad:
0x0: {  	(pc) =	sbr.rel $0x88, $3  }
0x1: {  	(tag) =	ssettag $0x0;
	lr =	simm.s32 $0x1  }
0x2: {  	[smem:$0x3F9B] =	sst lr;
	_ =	strace $0xD0000000  }
0x3: {  	_ = 	snop  }
0x4: {  	_ = 	snop  }
0x5: {  	_ = 	snop  }
0x6: {  	_ = 	snop  }
0x7: {  	_ = 	snop  }
__scs_overlays_trampoline_lowered:
0x8: {  	[smem:$0x3FAA] =	sst s0  }
0x9: {  	[smem:$0x3FAB] =	sst s1  }
0xa: {  	[smem:$0x3FAC] =	sst s2  }
0xb: {  	[smem:$0x3FAD] =	sst s3  }
0xc: {  	[smem:$0x3FAE] =	sst s4  }
0xd: {  	[smem:$0x3FAF] =	sst s5  }
0xe: {  	[smem:$0x3FB0] =	sst s6  }
0xf: {  	[smem:$0x3FB1] =	sst s7  }
0x10: {  	[smem:$0x3FB2] =	sst s8  }
0x11: {  	[smem:$0x3FB3] =	sst s9;
	s0 =	simm.s32 @!p0 $0x0  }
0x12: {  	s1 =	sld [smem:$0x3F99];
	s0 =	simm.s32 @p0 $0x1  }
0x13: {  	[smem:$0x3FB4] =	sst s0;
	s0 =	simm.s32 @!p1 $0x0  }
0x14: {  	s2 =	sld [smem:$0x3F98];
	s0 =	simm.s32 @p1 $0x1  }
0x15: {  	[smem:$0x3FB5] =	sst s0;
	s0 =	simm.s32 @!p2 $0x0  }
0x16: {  	s3 =	sld [smem:$0x3FDB];
	s0 =	simm.s32 @p2 $0x1  }
0x17: {  	s4 =	simm.s32 $0x1BF5;
	[smem:$0x3FB7] =	sst s0  }
0x18: {  	s0 =	sld [smem:$0x3F9A];
	_ =	swait.ge [sflag:s4], $0x0  }
0x19: {  	s7 =	sld [smem:$0x3F9B]  }
0x1a: {  	s8 =	sadd.s32 $0xFFFFE003, lr  }
0x1b: {  	s9 =	sadd.s32 $0xFFFFFEF7, lr;
	s5 =	simm.s32 $0xFFFFFFFF;
	p2 =	slt.u32 s8, $0xFFFFF086  }
0x1c: {  	p1 =	slt.u32 s9, $0xF7A;
	s5 =	simm.s32 @!p2 $0x0  }
0x1d: {  	s5 =	simm.s32 @p1 $0x1;
	p0 =	seq.s32 s7, s2  }
0x1e: {  	s7 =	smul.u32 @!p0 $0xF7A, s2;
	p2 =	seq.s32 @!p0 s5, $0x0  }
0x1f: {  	s9 =	smul.u32 $0xF7A, s1;
	s8 =	simm.s32 @!p0 $0x1BF5;
	p2 =	por !p2, p0  }
0x20: {  	[sflag:s8] =	ssyncset.s32 @!p0 $0xFFFFF086;
	s6 =	sadd.s32 @!p0 s3, s7;
	s7 =	simm.s32 @!p0 $0x108  }
0x21: {  	s3 =	sadd.s32 s3, s9;
	s6 =	sadd.s32 @!p0 $0x88, s6;
	s7 =	simm.s32 @p2 $0x1082  }
0x22: {  	[simem:s7], [sflag:s8] =	dma.local @!p0 [hbm:s6], $0xF7A  }
0x23: {  	s9 =	sor.u32 $0xD0000000, s2;
	s6 =	simm.s32 $0x108;
	_ =	swait.ge @!p0 [sflag:s8], $0x0  }
0x24: {  	s3 =	sadd.s32 $0x88, s3;
	s6 =	simm.s32 @!p1 $0x1082;
	[sflag:s4] =	ssyncset.s32 $0xFFFFF086  }
0x25: {  	[simem:s6], [sflag:s4] =	dma.local [hbm:s3], $0xF7A  }
0x26: {  	[smem:$0x3F9B] =	sst s1;
	(tag) =	ssettag s2;
	_ =	strace s9  }
0x27: {  	s1 =	sld [smem:$0x3FAB]  }
0x28: {  	s2 =	sld [smem:$0x3FAC]  }
0x29: {  	s4 =	sld [smem:$0x3FAE]  }
0x2a: {  	p0 =	seq.s32 s5, $0x0;
	s5 =	sld [smem:$0x3FAF]  }
0x2b: {  	s6 =	sld [smem:$0x3FB0]  }
0x2c: {  	s7 =	sld [smem:$0x3FB1]  }
0x2d: {  	s3 =	simm.s32 $0x108;
	s8 =	sld [smem:$0x3FB2]  }
0x2e: {  	s3 =	simm.s32 @!p0 $0x1082;
	s9 =	sld [smem:$0x3FB3]  }
0x2f: {  	lr =	sadd.s32 s0, s3;
	s0 =	sld [smem:$0x3FAA]  }
0x30: {  	s3 =	sld [smem:$0x3FAD]  }
0x31: {  	[smem:$0x3FB6] =	sst s10  }
0x32: {  	s10 =	sld [smem:$0x3FB4];
	_ =	sdelay $0x3  }
0x33: {  	p0 =	seq.s32 s10, $0x1;
	s10 =	sld [smem:$0x3FB6];
	_ =	sdelay $0x3  }
0x34: {  	[smem:$0x3FB6] =	sst s10  }
0x35: {  	s10 =	sld [smem:$0x3FB5];
	_ =	sdelay $0x3  }
0x36: {  	p1 =	seq.s32 s10, $0x1;
	s10 =	sld [smem:$0x3FB6];
	_ =	sdelay $0x3  }
0x37: {  	[smem:$0x3FB6] =	sst s10  }
0x38: {  	s10 =	sld [smem:$0x3FB7]  }
0x39: {  	_ = 	snop;
	(pc) =	sbr.ind lr, $3  }
0x3a: {  	_ = 	snop  }
0x3b: {  	_ = 	snop  }
0x3c: {  	p2 =	seq.s32 s10, $0x1;
	s10 =	sld [smem:$0x3FB6]  }
0x3d: {  	_ =	shalt  }
0x3e: {  	_ =	shalt  }
0x3f: {  	_ =	shalt  }
0x40: {  	_ =	shalt  }
0x41: {  	_ =	shalt  }
0x42: {  	_ =	shalt  }
0x43: {  	_ =	shalt  }
0x44: {  	_ =	shalt  }
0x45: {  	_ =	shalt  }
0x46: {  	_ =	shalt  }
0x47: {  	_ =	shalt  }
0x48: {  	_ =	shalt  }
0x49: {  	_ =	shalt  }
0x4a: {  	_ =	shalt  }
0x4b: {  	_ =	shalt  }
0x4c: {  	_ =	shalt  }
0x4d: {  	_ =	shalt  }
0x4e: {  	_ =	shalt  }
0x4f: {  	_ =	shalt  }
0x50: {  	_ =	shalt  }
0x51: {  	_ =	shalt  }
0x52: {  	_ =	shalt  }
0x53: {  	_ =	shalt  }
0x54: {  	_ =	shalt  }
0x55: {  	_ =	shalt  }
0x56: {  	_ =	shalt  }
0x57: {  	_ =	shalt  }
0x58: {  	_ =	shalt  }
0x59: {  	_ =	shalt  }
0x5a: {  	_ =	shalt  }
0x5b: {  	_ =	shalt  }
0x5c: {  	_ =	shalt  }
0x5d: {  	_ =	shalt  }
0x5e: {  	_ =	shalt  }
0x5f: {  	_ =	shalt  }
0x60: {  	_ =	shalt  }
0x61: {  	_ =	shalt  }
0x62: {  	_ =	shalt  }
0x63: {  	_ =	shalt  }
0x64: {  	_ =	shalt  }
0x65: {  	_ =	shalt  }
0x66: {  	_ =	shalt  }
0x67: {  	_ =	shalt  }
0x68: {  	_ =	shalt  }
0x69: {  	_ =	shalt  }
0x6a: {  	_ =	shalt  }
0x6b: {  	_ =	shalt  }
0x6c: {  	_ =	shalt  }
0x6d: {  	_ =	shalt  }
0x6e: {  	_ =	shalt  }
0x6f: {  	_ =	shalt  }
0x70: {  	_ =	shalt  }
0x71: {  	_ =	shalt  }
0x72: {  	_ =	shalt  }
0x73: {  	_ =	shalt  }
0x74: {  	_ =	shalt  }
0x75: {  	_ =	shalt  }
0x76: {  	_ =	shalt  }
0x77: {  	_ =	shalt  }
0x78: {  	_ =	shalt  }
0x79: {  	_ =	shalt  }
0x7a: {  	_ =	shalt  }
0x7b: {  	_ =	shalt  }
0x7c: {  	_ =	shalt  }
0x7d: {  	_ =	shalt  }
0x7e: {  	_ =	shalt  }
0x7f: {  	_ =	shalt  }
0x80: {  	_ =	shalt  }
0x81: {  	_ =	shalt  }
0x82: {  	_ =	shalt  }
0x83: {  	_ =	shalt  }
0x84: {  	_ =	shalt  }
0x85: {  	_ =	shalt  }
0x86: {  	_ =	shalt  }
0x87: {  	_ =	shalt  }
.Lfunc_end0:
.L_simem_size_0:
called_computation_lowered:
.L_overlay_start_0:
0x88: {  	s2 =	sld [smem:$0x3FD9]  }
0x89: {  	s3 =	sld [smem:$0x3FFE];
	_ =	sdelay $0x1  }
0x8a: {  	s1 =	srdreg.scid  }
0x8b: {  	s0 =	sand.u32 $0x1, s1  }
0x8c: {  	s17 =	sshll.u32 s0, $0xA;
	s2 =	sadd.s32 s3, s2  }
0x8d: {  	s2 =	sadd.s32 s2, s17  }
0x8e: {  	[smem:$0x3FC2] =	sst s2  }
0x8f: {  	_ = 	snop  }
0x90: {  	s2 =	sld [smem:$0x3FC9]  }
0x91: {  	s18 =	sld [smem:$0x3FD0];
	(tm) =	ssettm $0x1  }
0x92: {  	s4 =	sld [smem:$0x3FFB];
	_ =	sdelay $0x3  }
0x93: {  	_ =	strace s4  }
0x94: {  	s4 =	sld [smem:$0x3FFC];
	_ =	sdelay $0x3  }
0x95: {  	_ =	strace s4  }
0x96: {  	s4 =	sld [smem:$0x3FFD];
	_ =	sdelay $0x3  }
0x97: {  	_ =	strace s4  }
0x98: {  	_ =	strace $0x8FFFFFFF  }
0x99: {  	s19 =	sld [smem:$0x3FDB];
	_ =	sdelay $0x1  }
0x9a: {  	s5 =	simm.s32 $_scs_section_size  }
0x9b: {  	s6 =	simm.s32 $_size__tile_overlayer_lowered;
	s7 =	simm.s32 $_tile_overlayer_lowered  }
0x9c: {  	s22 =	simm.s32 $0x1BFF;
	s21 =	sshll.u32 s7, $0x1;
	s4 =	sadd.s32 s5, s19  }
0x9d: {  	s8 =	simm.s32 $0x0;
	s20 =	sshll.u32 s6, $0x1;
	s6 =	sadd.s32 s21, s4  }
0x9e: {  	[timem:s8], [sflag:s22] =	dma.local [hbm:s6], s20  }
0x9f: {  	_ =	swait.ge [sflag:s22], s20  }
0xa0: {  	s5 =	ssub.s32 $0x0, s20;
	[sflag:s22] =	ssyncset.done $0x0  }
0xa1: {  	[sflag:s22] =	ssyncadd.s32 s5;
	_ =	sdelay $0x1  }
0xa2: {  	s23 =	simm.s32 $0x1B8B  }
0xa3: {  	_ =	swait.ge [sflag:s23], $0x1  }
0xa4: {  	[sflag:s23] =	ssyncset.done $0x0  }
0xa5: {  	s25 =	simm.s32 $0x1B8E;
	s24 =	sld [smem:$0x3FFE];
	[sflag:s23] =	ssyncadd.s32 $0xFFFFFFFF  }
0xa6: {  	s26 =	simm.s32 $execute0_lowered;
	[smem:$0x3FD2] =	sst s25  }
0xa7: {  	s6 =	sshll.u32 s26, $0x1;
	_ =	strace $0x80000046;
	[dreg:$0x1] =	wrdreg $0xFFFFFFFF  }
0xa8: {  	s28 =	simm.s32 $_size_execute0_lowered;
	s4 =	sadd.s32 s4, s6;
	[dreg:$0x0] =	wrdreg $0x0  }
0xa9: {  	s6 =	sshll.u32 s28, $0x1;
	[dreg:$0x2] =	wrdreg s4  }
0xaa: {  	[dreg:$0x3] =	wrdreg s6  }
0xab: {  	[dreg:$0x4] =	wrdreg $0xC0  }
0xac: {  	_ =	task [dreg:s8], $0x5FFFF  }
0xad: {  	[dreg:$0x1] =	wrdreg $0xFFFFFFFF  }
0xae: {  	[dreg:$0x0] =	wrdreg $0x60  }
0xaf: {  	[dreg:$0x2] =	wrdreg s2  }
0xb0: {  	[dreg:$0x3] =	wrdreg s18  }
0xb1: {  	[dreg:$0x4] =	wrdreg s24  }
0xb2: {  	[dreg:$0x5] =	wrdreg $0x9  }
0xb3: {  	_ =	task.clear_ibuf [dreg:s8], $0x6FFFF;
	_ =	strace $0x90000046  }
0xb4: {  	s29 =	simm.s32 $0x9;
	_ =	strace $0x80000048  }
0xb5: {  	_ =	swait.ge [sflag:s29], $0x1  }
0xb6: {  	[sflag:s29] =	ssyncadd.s32 $0xFFFFFFFF  }
0xb7: {  	_ =	strace $0x90000048  }
0xb8: {  	_ =	sfence  }
0xb9: {  	s30 =	sld [smem:$0x0];
	_ =	sdelay $0x2  }
0xba: {  	s31 =	sshll.u32 s1, $0xD;
	s1 =	sshrl.u32 s1, $0x2  }
0xbb: {  	s3 =	sand.u32 $0x4000, s31;
	s1 =	sadd.s32 s1, s30  }
0xbc: {  	s0 =	sor.u32 s3, s0;
	s1 =	sshll.u32 s1, $0x11  }
0xbd: {  	s0 =	sor.u32 s1, s0  }
0xbe: {  	s0 =	sadd.s32 $0x8F2B, s0  }
0xbf: {  	[sflag:s0] =	ssyncadd.remote.s32 $0x1  }
0xc0: {  	_ =	sfence.sel $0xFFFF  }
0xc1: {  	[dreg:$0x0] =	wrdreg $0xFFFFFFFF;
	(pc) =	sbr.abs _section_cstart, $3  }
0xc2: {  	[dreg:$0x1] =	wrdreg $0xFFFFFFFF  }
0xc3: {  	_ =	task.clear_ibuf [dreg:s8], $0x2FFFF;
	_ =	strace $0x9FFFFFFF  }
0xc4: {  	(tm) =	ssettm $0x7FFFFFFF  }
0xc5: {  	_ =	shalt  }
tec
execute0_lowered:
.L_overlay_start_1:
0x0: {  	(tag) =	ssettag $0x1  }
0x1: {  	s0 =	rddreg [dreg:$0x0]  }
0x2: {  	s1 =	rddreg [dreg:$0x1];
	s3 =	srdreg.scid  }
0x3: {  	s13 =	stileid.u32;
	s2 =	rddreg [dreg:$0x2];
	s19 =	simm.s32 $0x4000  }
0x4: {  	s23 =	simm.s32 $0xC000;
	s21 =	simm.s32 $0x1;
	s22 =	simm.s32 $0x7800  }
0x5: {  	s16 =	simm.s32 $0x2;
	s5 =	sand.u32 $0x1, s3;
	s4 =	sshll.u32 s13, $0x1  }
0x6: {  	s3 =	simm.s32 $0x0;
	s11 =	sadd.s32 $0x10E00, s2;
	s12 =	sadd.s32 $0x10F00, s2  }
0x7: {  	s29 =	sshll.u32 s13, $0x10;
	s13 =	sadd.s32 $0x11000, s2;
	s14 =	sadd.s32 $0x11100, s2  }
0x8: {  	s6 =	sor.u32 s5, s4;
	[smem:$0x7FF] =	sst s3;
	s8 =	ssub.s32 $0x2, s5  }
0x9: {  	s4 =	sadd.s32 $0x10A00, s2;
	s30 =	sshll.u32 s5, $0xF;
	s7 =	sshll.u32 s6, $0xA  }
0xa: {  	_ =	strace $0x80000047;
	s10 =	sshrl.u32 s8, $0x1;
	s6 =	sshll.u32 s6, $0xF  }
0xb: {  	s9 =	sadd.s32 s7, s2;
	s15 =	ssub.s32 s8, s10;
	s1 =	sadd.s32 s1, s7  }
0xc: {  	s28 =	sadd.s32 s0, s6;
	s8 =	sadd.s32 $0x10B00, s2;
	[dreg:$0x4] =	wrdreg s1  }
0xd: {  	s0 =	sadd.s32 s29, s0;
	s26 =	sadd.s32 $0x7A00, s9;
	[dreg:$0x6] =	wrdreg s28  }
0xe: {  	v2 =	vlaneseq.u32;
	s31 =	smax.u32 s15, $0x1;
	s0 =	sadd.s32 s30, s0;
	[dreg:$0x5] =	wrdreg s26  }
0xf: {  	vm0 =	vmmov $0xffff;
	v1 =	vshrl.u32 v2, $0x3;
	s10 =	sadd.s32 $0x10D00, s2;
	[dreg:$0x7] =	wrdreg s31;
	s0 =	sadd.s32 $0x2000, s0  }
0x10: {  	v0 =	vand.u32 $0x7, v2;
	v2 =	vor.u32 $0x8, v2;
	v1 =	vmul.u32 $0x8, v1;
	s7 =	simm.s32 $0x0;
	s9 =	sadd.s32 $0x10C00, s2;
	[dreg:$0x8] =	wrdreg s0  }
.LBB2_1:
0x11: {  	[dreg:$0x9] =	wrdreg s7  }
0x12: {  	s6 =	rddreg [dreg:$0x4];
	s29 =	simm.s32 $0x3  }
0x13: {  	[tilespmem:s3], [sflag:$0x3] =	stream.linear.gather [hbm4b:s6+s3], $0x2000, $0x38;
	[tilespmem:$0x14000] =	vst v63  }
0x14: {  	_ =	swait.ge [sflag:s29], $0x2000  }
0x15: {  	[sflag:s29] =	ssyncset.done $0x0  }
0x16: {  	s17 =	simm.s32 $0x2000;
	s30 =	rddreg [dreg:$0x5];
	[sflag:s29] =	ssyncadd.s32 $0xFFFFE000  }
0x17: {  	[tilespmem:s17], [sflag:$0x3] =	stream.linear.gather [hbm4b:s30+s3], $0x2000, $0x38;
	[tilespmem:$0x14000] =	vst v63  }
0x18: {  	_ =	swait.ge [sflag:s29], $0x2000  }
0x19: {  	[sflag:s29] =	ssyncset.done $0x0;
	s31 =	rddreg [dreg:$0x6]  }
0x1a: {  	s6 =	simm.s32 $0x0;
	s7 =	rddreg [dreg:$0x8];
	[sflag:s29] =	ssyncadd.s32 $0xFFFFE000  }
0x1b: {  	[tilespmem:s19], [sflag:$0x1] =	stream.linear.gather [hbm4b:s31+s3], $0x8000, $0x38;
	[tilespmem:$0x14000] =	vst v63  }
.LBB2_2:
0x1c: {  	[dreg:$0xb] =	wrdreg s6  }
0x1d: {  	[dreg:$0xa] =	wrdreg s7;
	s17 =	sadd.s32 $0xFFFFF000, s7  }
0x1e: {  	[tilespmem:s23], [sflag:$0x2] =	stream.linear.gather [hbm4b:s17+s3], $0x8000, $0x38;
	[tilespmem:$0x14000] =	vst v63  }
0x1f: {  	_ =	swait.ge [sflag:s21], $0x8000  }
0x20: {  	[sflag:s21] =	ssyncset.done $0x0  }
0x21: {  	s17 =	sshra.s32 s6, $0x2;
	[sflag:s21] =	ssyncadd.s32 $0xFFFF8000  }
0x22: {  	v3 =	vld [tilespmem:s17+$0x0];
	_ =	sdelay $0x4  }
0x23: {  	v4 =	vshll.u32 v3, $0x4  }
0x24: {  	v3 =	vand.u32 $0x7, v3;
	v4 =	vand.u32 $0xFFFFFF80, v4  }
0x25: {  	v3 =	vor.u32 v3, v4  }
0x26: {  	v4 =	vperm.xlane v3, v0;
	_ =	sdelay $0x1  }
0x27: {  	v4 =	vadd.s32 v1, v4;
	_ =	sdelay $0x4  }
0x28: {  	[hbm4b:s4+s3] =	stream.indirect_vreg.scatter [tilespmem:s19], [sflag:$0x1], $0x80, v4, vm0, $0xb8;
	[tilespmem:$0x14000] =	vst v63  }
0x29: {  	s0 =	simm.s32 $0x4800  }
0x2a: {  	[hbm4b:s8+s3] =	stream.indirect_vreg.scatter [tilespmem:s0], [sflag:$0x1], $0x80, v4, vm0, $0xb8;
	[tilespmem:$0x14000] =	vst v63  }
0x2b: {  	s1 =	simm.s32 $0x5000  }
0x2c: {  	[hbm4b:s9+s3] =	stream.indirect_vreg.scatter [tilespmem:s1], [sflag:$0x1], $0x80, v4, vm0, $0xb8;
	[tilespmem:$0x14000] =	vst v63  }
0x2d: {  	s5 =	simm.s32 $0x5800  }
0x2e: {  	[hbm4b:s10+s3] =	stream.indirect_vreg.scatter [tilespmem:s5], [sflag:$0x1], $0x80, v4, vm0, $0xb8;
	[tilespmem:$0x14000] =	vst v63  }
0x2f: {  	s1 =	simm.s32 $0x6000  }
0x30: {  	[hbm4b:s11+s3] =	stream.indirect_vreg.scatter [tilespmem:s1], [sflag:$0x1], $0x80, v4, vm0, $0xb8;
	[tilespmem:$0x14000] =	vst v63  }
0x31: {  	v3 =	vperm.xlane v3, v2;
	s0 =	simm.s32 $0x6800  }
0x32: {  	[hbm4b:s12+s3] =	stream.indirect_vreg.scatter [tilespmem:s0], [sflag:$0x1], $0x80, v4, vm0, $0xb8;
	[tilespmem:$0x14000] =	vst v63  }
0x33: {  	s6 =	simm.s32 $0x7000;
	v3 =	vadd.s32 v1, v3  }
0x34: {  	[hbm4b:s13+s3] =	stream.indirect_vreg.scatter [tilespmem:s6], [sflag:$0x1], $0x80, v4, vm0, $0xb8;
	[tilespmem:$0x14000] =	vst v63  }
0x35: {  	_ = 	snop  }
0x36: {  	[hbm4b:s14+s3] =	stream.indirect_vreg.scatter [tilespmem:s22], [sflag:$0x1], $0x80, v4, vm0, $0xb8;
	[tilespmem:$0x14000] =	vst v63  }
0x37: {  	s7 =	simm.s32 $0x8000  }
0x38: {  	[hbm4b:s4+s3] =	stream.indirect_vreg.scatter [tilespmem:s7], [sflag:$0x1], $0x80, v3, vm0, $0xb8;
	[tilespmem:$0x14000] =	vst v63  }
0x39: {  	s15 =	simm.s32 $0x8800  }
0x3a: {  	[hbm4b:s8+s3] =	stream.indirect_vreg.scatter [tilespmem:s15], [sflag:$0x1], $0x80, v3, vm0, $0xb8;
	[tilespmem:$0x14000] =	vst v63  }
0x3b: {  	s18 =	simm.s32 $0x9000  }
0x3c: {  	[hbm4b:s9+s3] =	stream.indirect_vreg.scatter [tilespmem:s18], [sflag:$0x1], $0x80, v3, vm0, $0xb8;
	[tilespmem:$0x14000] =	vst v63  }
0x3d: {  	s19 =	simm.s32 $0x9800  }
0x3e: {  	[hbm4b:s10+s3] =	stream.indirect_vreg.scatter [tilespmem:s19], [sflag:$0x1], $0x80, v3, vm0, $0xb8;
	[tilespmem:$0x14000] =	vst v63  }
0x3f: {  	s20 =	simm.s32 $0xA000  }
0x40: {  	[hbm4b:s11+s3] =	stream.indirect_vreg.scatter [tilespmem:s20], [sflag:$0x1], $0x80, v3, vm0, $0xb8;
	[tilespmem:$0x14000] =	vst v63  }
0x41: {  	s22 =	simm.s32 $0xA800  }
0x42: {  	[hbm4b:s12+s3] =	stream.indirect_vreg.scatter [tilespmem:s22], [sflag:$0x1], $0x80, v3, vm0, $0xb8;
	[tilespmem:$0x14000] =	vst v63  }
0x43: {  	s15 =	simm.s32 $0xB000  }
0x44: {  	[hbm4b:s13+s3] =	stream.indirect_vreg.scatter [tilespmem:s15], [sflag:$0x1], $0x80, v3, vm0, $0xb8;
	[tilespmem:$0x14000] =	vst v63  }
0x45: {  	s6 =	simm.s32 $0xB800  }
0x46: {  	[hbm4b:s14+s3] =	stream.indirect_vreg.scatter [tilespmem:s6], [sflag:$0x1], $0x80, v3, vm0, $0xb8;
	[tilespmem:$0x14000] =	vst v63  }
0x47: {  	s23 =	sadd.s32 $0x2000, s17;
	s7 =	simm.s32 $0x10  }
0x48: {  	[hbm4b:s2+s7] =	stream.indirect.scatter [tilespmem:s23], [sflag:$0x1], $0x1, s17, s7, $0xb8;
	[tilespmem:$0x14000] =	vst v63  }
0x49: {  	v3 =	vld [tilespmem:s17+$0x400];
	_ =	sdelay $0x4  }
0x4a: {  	v49 =	vshll.u32 v3, $0x4  }
0x4b: {  	v3 =	vand.u32 $0x7, v3;
	v4 =	vand.u32 $0xFFFFFF80, v49  }
0x4c: {  	v3 =	vor.u32 v3, v4  }
0x4d: {  	v4 =	vperm.xlane v3, v0;
	_ =	sdelay $0x1  }
0x4e: {  	v4 =	vadd.s32 v1, v4;
	_ =	sdelay $0x3  }
0x4f: {  	s30 =	simm.s32 $0x4000  }
0x50: {  	[hbm4b:s4+s3] =	stream.indirect_vreg.scatter [tilespmem:s30], [sflag:$0x1], $0x80, v4, vm0, $0xb8;
	[tilespmem:$0x14000] =	vst v63  }
0x51: {  	s24 =	simm.s32 $0x4800  }
0x52: {  	[hbm4b:s8+s3] =	stream.indirect_vreg.scatter [tilespmem:s24], [sflag:$0x1], $0x80, v4, vm0, $0xb8;
	[tilespmem:$0x14000] =	vst v63  }
0x53: {  	s25 =	simm.s32 $0x5000  }
0x54: {  	[hbm4b:s9+s3] =	stream.indirect_vreg.scatter [tilespmem:s25], [sflag:$0x1], $0x80, v4, vm0, $0xb8;
	[tilespmem:$0x14000] =	vst v63  }
0x55: {  	s26 =	simm.s32 $0x5800  }
0x56: {  	[hbm4b:s10+s3] =	stream.indirect_vreg.scatter [tilespmem:s26], [sflag:$0x1], $0x80, v4, vm0, $0xb8;
	[tilespmem:$0x14000] =	vst v63  }
0x57: {  	s28 =	simm.s32 $0x6000  }
0x58: {  	[hbm4b:s11+s3] =	stream.indirect_vreg.scatter [tilespmem:s28], [sflag:$0x1], $0x80, v4, vm0, $0xb8;
	[tilespmem:$0x14000] =	vst v63  }
0x59: {  	s29 =	simm.s32 $0x6800;
	v3 =	vperm.xlane v3, v2  }
0x5a: {  	[hbm4b:s12+s3] =	stream.indirect_vreg.scatter [tilespmem:s29], [sflag:$0x1], $0x80, v4, vm0, $0xb8;
	[tilespmem:$0x14000] =	vst v63  }
0x5b: {  	s22 =	simm.s32 $0x7000;
	v3 =	vadd.s32 v1, v3  }
0x5c: {  	[hbm4b:s13+s3] =	stream.indirect_vreg.scatter [tilespmem:s22], [sflag:$0x1], $0x80, v4, vm0, $0xb8;
	[tilespmem:$0x14000] =	vst v63  }
0x5d: {  	s23 =	simm.s32 $0x7800  }
0x5e: {  	[hbm4b:s14+s3] =	stream.indirect_vreg.scatter [tilespmem:s23], [sflag:$0x1], $0x80, v4, vm0, $0xb8;
	[tilespmem:$0x14000] =	vst v63  }
0x5f: {  	s31 =	simm.s32 $0x8000  }
0x60: {  	[hbm4b:s4+s3] =	stream.indirect_vreg.scatter [tilespmem:s31], [sflag:$0x1], $0x80, v3, vm0, $0xb8;
	[tilespmem:$0x14000] =	vst v63  }
0x61: {  	s1 =	simm.s32 $0x8800  }
0x62: {  	[hbm4b:s8+s3] =	stream.indirect_vreg.scatter [tilespmem:s1], [sflag:$0x1], $0x80, v3, vm0, $0xb8;
	[tilespmem:$0x14000] =	vst v63  }
0x63: {  	s0 =	simm.s32 $0x9000  }
0x64: {  	[hbm4b:s9+s3] =	stream.indirect_vreg.scatter [tilespmem:s0], [sflag:$0x1], $0x80, v3, vm0, $0xb8;
	[tilespmem:$0x14000] =	vst v63  }
0x65: {  	s18 =	simm.s32 $0x9800  }
0x66: {  	[hbm4b:s10+s3] =	stream.indirect_vreg.scatter [tilespmem:s18], [sflag:$0x1], $0x80, v3, vm0, $0xb8;
	[tilespmem:$0x14000] =	vst v63  }
0x67: {  	s5 =	simm.s32 $0xA000  }
0x68: {  	[hbm4b:s11+s3] =	stream.indirect_vreg.scatter [tilespmem:s5], [sflag:$0x1], $0x80, v3, vm0, $0xb8;
	[tilespmem:$0x14000] =	vst v63  }
0x69: {  	s20 =	simm.s32 $0xA800  }
0x6a: {  	[hbm4b:s12+s3] =	stream.indirect_vreg.scatter [tilespmem:s20], [sflag:$0x1], $0x80, v3, vm0, $0xb8;
	[tilespmem:$0x14000] =	vst v63  }
0x6b: {  	_ = 	snop  }
0x6c: {  	[hbm4b:s13+s3] =	stream.indirect_vreg.scatter [tilespmem:s15], [sflag:$0x1], $0x80, v3, vm0, $0xb8;
	[tilespmem:$0x14000] =	vst v63  }
0x6d: {  	_ = 	snop  }
0x6e: {  	[hbm4b:s14+s3] =	stream.indirect_vreg.scatter [tilespmem:s6], [sflag:$0x1], $0x80, v3, vm0, $0xb8;
	[tilespmem:$0x14000] =	vst v63  }
0x6f: {  	s22 =	sadd.s32 $0x400, s17;
	s20 =	sadd.s32 $0x2400, s17  }
0x70: {  	[hbm4b:s2+s7] =	stream.indirect.scatter [tilespmem:s20], [sflag:$0x1], $0x1, s22, s7, $0xb8;
	[tilespmem:$0x14000] =	vst v63  }
0x71: {  	v3 =	vld [tilespmem:s17+$0x800];
	_ =	sdelay $0x4  }
0x72: {  	v50 =	vshll.u32 v3, $0x4  }
0x73: {  	v3 =	vand.u32 $0x7, v3;
	v4 =	vand.u32 $0xFFFFFF80, v50  }
0x74: {  	v3 =	vor.u32 v3, v4  }
0x75: {  	v4 =	vperm.xlane v3, v0;
	_ =	sdelay $0x1  }
0x76: {  	v4 =	vadd.s32 v1, v4;
	_ =	sdelay $0x4  }
0x77: {  	[hbm4b:s4+s3] =	stream.indirect_vreg.scatter [tilespmem:s30], [sflag:$0x1], $0x80, v4, vm0, $0xb8;
	[tilespmem:$0x14000] =	vst v63  }
0x78: {  	_ = 	snop  }
0x79: {  	[hbm4b:s8+s3] =	stream.indirect_vreg.scatter [tilespmem:s24], [sflag:$0x1], $0x80, v4, vm0, $0xb8;
	[tilespmem:$0x14000] =	vst v63  }
0x7a: {  	_ = 	snop  }
0x7b: {  	[hbm4b:s9+s3] =	stream.indirect_vreg.scatter [tilespmem:s25], [sflag:$0x1], $0x80, v4, vm0, $0xb8;
	[tilespmem:$0x14000] =	vst v63  }
0x7c: {  	_ = 	snop  }
0x7d: {  	[hbm4b:s10+s3] =	stream.indirect_vreg.scatter [tilespmem:s26], [sflag:$0x1], $0x80, v4, vm0, $0xb8;
	[tilespmem:$0x14000] =	vst v63  }
0x7e: {  	_ = 	snop  }
0x7f: {  	[hbm4b:s11+s3] =	stream.indirect_vreg.scatter [tilespmem:s28], [sflag:$0x1], $0x80, v4, vm0, $0xb8;
	[tilespmem:$0x14000] =	vst v63  }
0x80: {  	v3 =	vperm.xlane v3, v2  }
0x81: {  	[hbm4b:s12+s3] =	stream.indirect_vreg.scatter [tilespmem:s29], [sflag:$0x1], $0x80, v4, vm0, $0xb8;
	[tilespmem:$0x14000] =	vst v63  }
0x82: {  	v3 =	vadd.s32 v1, v3;
	s29 =	simm.s32 $0x7000  }
0x83: {  	[hbm4b:s13+s3] =	stream.indirect_vreg.scatter [tilespmem:s29], [sflag:$0x1], $0x80, v4, vm0, $0xb8;
	[tilespmem:$0x14000] =	vst v63  }
0x84: {  	s20 =	simm.s32 $0x7800  }
0x85: {  	[hbm4b:s14+s3] =	stream.indirect_vreg.scatter [tilespmem:s20], [sflag:$0x1], $0x80, v4, vm0, $0xb8;
	[tilespmem:$0x14000] =	vst v63  }
0x86: {  	_ = 	snop  }
0x87: {  	[hbm4b:s4+s3] =	stream.indirect_vreg.scatter [tilespmem:s31], [sflag:$0x1], $0x80, v3, vm0, $0xb8;
	[tilespmem:$0x14000] =	vst v63  }
0x88: {  	_ = 	snop  }
0x89: {  	[hbm4b:s8+s3] =	stream.indirect_vreg.scatter [tilespmem:s1], [sflag:$0x1], $0x80, v3, vm0, $0xb8;
	[tilespmem:$0x14000] =	vst v63  }
0x8a: {  	_ = 	snop  }
0x8b: {  	[hbm4b:s9+s3] =	stream.indirect_vreg.scatter [tilespmem:s0], [sflag:$0x1], $0x80, v3, vm0, $0xb8;
	[tilespmem:$0x14000] =	vst v63  }
0x8c: {  	_ = 	snop  }
0x8d: {  	[hbm4b:s10+s3] =	stream.indirect_vreg.scatter [tilespmem:s18], [sflag:$0x1], $0x80, v3, vm0, $0xb8;
	[tilespmem:$0x14000] =	vst v63  }
0x8e: {  	_ = 	snop  }
0x8f: {  	[hbm4b:s11+s3] =	stream.indirect_vreg.scatter [tilespmem:s5], [sflag:$0x1], $0x80, v3, vm0, $0xb8;
	[tilespmem:$0x14000] =	vst v63  }
0x90: {  	s5 =	simm.s32 $0xA800  }
0x91: {  	[hbm4b:s12+s3] =	stream.indirect_vreg.scatter [tilespmem:s5], [sflag:$0x1], $0x80, v3, vm0, $0xb8;
	[tilespmem:$0x14000] =	vst v63  }
0x92: {  	_ = 	snop  }
0x93: {  	[hbm4b:s13+s3] =	stream.indirect_vreg.scatter [tilespmem:s15], [sflag:$0x1], $0x80, v3, vm0, $0xb8;
	[tilespmem:$0x14000] =	vst v63  }
0x94: {  	_ = 	snop  }
0x95: {  	[hbm4b:s14+s3] =	stream.indirect_vreg.scatter [tilespmem:s6], [sflag:$0x1], $0x80, v3, vm0, $0xb8;
	[tilespmem:$0x14000] =	vst v63  }
0x96: {  	s22 =	sadd.s32 $0x800, s17;
	s20 =	sadd.s32 $0x2800, s17  }
0x97: {  	[hbm4b:s2+s7] =	stream.indirect.scatter [tilespmem:s20], [sflag:$0x1], $0x1, s22, s7, $0xb8;
	[tilespmem:$0x14000] =	vst v63  }
0x98: {  	v3 =	vld [tilespmem:s17+$0xC00];
	_ =	sdelay $0x4  }
0x99: {  	v51 =	vshll.u32 v3, $0x4  }
0x9a: {  	v3 =	vand.u32 $0x7, v3;
	v4 =	vand.u32 $0xFFFFFF80, v51  }
0x9b: {  	v3 =	vor.u32 v3, v4  }
0x9c: {  	v4 =	vperm.xlane v3, v0;
	_ =	sdelay $0x1  }
0x9d: {  	v4 =	vadd.s32 v1, v4;
	_ =	sdelay $0x4  }
0x9e: {  	[hbm4b:s4+s3] =	stream.indirect_vreg.scatter [tilespmem:s30], [sflag:$0x1], $0x80, v4, vm0, $0xb8;
	[tilespmem:$0x14000] =	vst v63  }
0x9f: {  	_ = 	snop  }
0xa0: {  	[hbm4b:s8+s3] =	stream.indirect_vreg.scatter [tilespmem:s24], [sflag:$0x1], $0x80, v4, vm0, $0xb8;
	[tilespmem:$0x14000] =	vst v63  }
0xa1: {  	_ = 	snop  }
0xa2: {  	[hbm4b:s9+s3] =	stream.indirect_vreg.scatter [tilespmem:s25], [sflag:$0x1], $0x80, v4, vm0, $0xb8;
	[tilespmem:$0x14000] =	vst v63  }
0xa3: {  	_ = 	snop  }
0xa4: {  	[hbm4b:s10+s3] =	stream.indirect_vreg.scatter [tilespmem:s26], [sflag:$0x1], $0x80, v4, vm0, $0xb8;
	[tilespmem:$0x14000] =	vst v63  }
0xa5: {  	_ = 	snop  }
0xa6: {  	[hbm4b:s11+s3] =	stream.indirect_vreg.scatter [tilespmem:s28], [sflag:$0x1], $0x80, v4, vm0, $0xb8;
	[tilespmem:$0x14000] =	vst v63  }
0xa7: {  	v3 =	vperm.xlane v3, v2;
	s28 =	simm.s32 $0x6800  }
0xa8: {  	[hbm4b:s12+s3] =	stream.indirect_vreg.scatter [tilespmem:s28], [sflag:$0x1], $0x80, v4, vm0, $0xb8;
	[tilespmem:$0x14000] =	vst v63  }
0xa9: {  	v3 =	vadd.s32 v1, v3  }
0xaa: {  	[hbm4b:s13+s3] =	stream.indirect_vreg.scatter [tilespmem:s29], [sflag:$0x1], $0x80, v4, vm0, $0xb8;
	[tilespmem:$0x14000] =	vst v63  }
0xab: {  	s20 =	simm.s32 $0x7800  }
0xac: {  	[hbm4b:s14+s3] =	stream.indirect_vreg.scatter [tilespmem:s20], [sflag:$0x1], $0x80, v4, vm0, $0xb8;
	[tilespmem:$0x14000] =	vst v63  }
0xad: {  	_ = 	snop  }
0xae: {  	[hbm4b:s4+s3] =	stream.indirect_vreg.scatter [tilespmem:s31], [sflag:$0x1], $0x80, v3, vm0, $0xb8;
	[tilespmem:$0x14000] =	vst v63  }
0xaf: {  	_ = 	snop  }
0xb0: {  	[hbm4b:s8+s3] =	stream.indirect_vreg.scatter [tilespmem:s1], [sflag:$0x1], $0x80, v3, vm0, $0xb8;
	[tilespmem:$0x14000] =	vst v63  }
0xb1: {  	_ = 	snop  }
0xb2: {  	[hbm4b:s9+s3] =	stream.indirect_vreg.scatter [tilespmem:s0], [sflag:$0x1], $0x80, v3, vm0, $0xb8;
	[tilespmem:$0x14000] =	vst v63  }
0xb3: {  	_ = 	snop  }
0xb4: {  	[hbm4b:s10+s3] =	stream.indirect_vreg.scatter [tilespmem:s18], [sflag:$0x1], $0x80, v3, vm0, $0xb8;
	[tilespmem:$0x14000] =	vst v63  }
0xb5: {  	s18 =	simm.s32 $0xA000  }
0xb6: {  	[hbm4b:s11+s3] =	stream.indirect_vreg.scatter [tilespmem:s18], [sflag:$0x1], $0x80, v3, vm0, $0xb8;
	[tilespmem:$0x14000] =	vst v63  }
0xb7: {  	_ = 	snop  }
0xb8: {  	[hbm4b:s12+s3] =	stream.indirect_vreg.scatter [tilespmem:s5], [sflag:$0x1], $0x80, v3, vm0, $0xb8;
	[tilespmem:$0x14000] =	vst v63  }
0xb9: {  	_ = 	snop  }
0xba: {  	[hbm4b:s13+s3] =	stream.indirect_vreg.scatter [tilespmem:s15], [sflag:$0x1], $0x80, v3, vm0, $0xb8;
	[tilespmem:$0x14000] =	vst v63  }
0xbb: {  	_ = 	snop  }
0xbc: {  	[hbm4b:s14+s3] =	stream.indirect_vreg.scatter [tilespmem:s6], [sflag:$0x1], $0x80, v3, vm0, $0xb8;
	[tilespmem:$0x14000] =	vst v63  }
0xbd: {  	s22 =	sadd.s32 $0xC00, s17;
	s20 =	sadd.s32 $0x2C00, s17  }
0xbe: {  	[hbm4b:s2+s7] =	stream.indirect.scatter [tilespmem:s20], [sflag:$0x1], $0x1, s22, s7, $0xb8;
	[tilespmem:$0x14000] =	vst v63  }
0xbf: {  	v3 =	vld [tilespmem:s17+$0x1000];
	_ =	sdelay $0x4  }
0xc0: {  	v52 =	vshll.u32 v3, $0x4  }
0xc1: {  	v3 =	vand.u32 $0x7, v3;
	v4 =	vand.u32 $0xFFFFFF80, v52  }
0xc2: {  	v3 =	vor.u32 v3, v4  }
0xc3: {  	v4 =	vperm.xlane v3, v0;
	_ =	sdelay $0x1  }
0xc4: {  	v4 =	vadd.s32 v1, v4;
	_ =	sdelay $0x4  }
0xc5: {  	[hbm4b:s4+s3] =	stream.indirect_vreg.scatter [tilespmem:s30], [sflag:$0x1], $0x80, v4, vm0, $0xb8;
	[tilespmem:$0x14000] =	vst v63  }
0xc6: {  	_ = 	snop  }
0xc7: {  	[hbm4b:s8+s3] =	stream.indirect_vreg.scatter [tilespmem:s24], [sflag:$0x1], $0x80, v4, vm0, $0xb8;
	[tilespmem:$0x14000] =	vst v63  }
0xc8: {  	_ = 	snop  }
0xc9: {  	[hbm4b:s9+s3] =	stream.indirect_vreg.scatter [tilespmem:s25], [sflag:$0x1], $0x80, v4, vm0, $0xb8;
	[tilespmem:$0x14000] =	vst v63  }
0xca: {  	_ = 	snop  }
0xcb: {  	[hbm4b:s10+s3] =	stream.indirect_vreg.scatter [tilespmem:s26], [sflag:$0x1], $0x80, v4, vm0, $0xb8;
	[tilespmem:$0x14000] =	vst v63  }
0xcc: {  	s26 =	simm.s32 $0x6000  }
0xcd: {  	[hbm4b:s11+s3] =	stream.indirect_vreg.scatter [tilespmem:s26], [sflag:$0x1], $0x80, v4, vm0, $0xb8;
	[tilespmem:$0x14000] =	vst v63  }
0xce: {  	v3 =	vperm.xlane v3, v2  }
0xcf: {  	[hbm4b:s12+s3] =	stream.indirect_vreg.scatter [tilespmem:s28], [sflag:$0x1], $0x80, v4, vm0, $0xb8;
	[tilespmem:$0x14000] =	vst v63  }
0xd0: {  	v3 =	vadd.s32 v1, v3  }
0xd1: {  	[hbm4b:s13+s3] =	stream.indirect_vreg.scatter [tilespmem:s29], [sflag:$0x1], $0x80, v4, vm0, $0xb8;
	[tilespmem:$0x14000] =	vst v63  }
0xd2: {  	s20 =	simm.s32 $0x7800  }
0xd3: {  	[hbm4b:s14+s3] =	stream.indirect_vreg.scatter [tilespmem:s20], [sflag:$0x1], $0x80, v4, vm0, $0xb8;
	[tilespmem:$0x14000] =	vst v63  }
0xd4: {  	_ = 	snop  }
0xd5: {  	[hbm4b:s4+s3] =	stream.indirect_vreg.scatter [tilespmem:s31], [sflag:$0x1], $0x80, v3, vm0, $0xb8;
	[tilespmem:$0x14000] =	vst v63  }
0xd6: {  	_ = 	snop  }
0xd7: {  	[hbm4b:s8+s3] =	stream.indirect_vreg.scatter [tilespmem:s1], [sflag:$0x1], $0x80, v3, vm0, $0xb8;
	[tilespmem:$0x14000] =	vst v63  }
0xd8: {  	_ = 	snop  }
0xd9: {  	[hbm4b:s9+s3] =	stream.indirect_vreg.scatter [tilespmem:s0], [sflag:$0x1], $0x80, v3, vm0, $0xb8;
	[tilespmem:$0x14000] =	vst v63  }
0xda: {  	s0 =	simm.s32 $0x9800  }
0xdb: {  	[hbm4b:s10+s3] =	stream.indirect_vreg.scatter [tilespmem:s0], [sflag:$0x1], $0x80, v3, vm0, $0xb8;
	[tilespmem:$0x14000] =	vst v63  }
0xdc: {  	_ = 	snop  }
0xdd: {  	[hbm4b:s11+s3] =	stream.indirect_vreg.scatter [tilespmem:s18], [sflag:$0x1], $0x80, v3, vm0, $0xb8;
	[tilespmem:$0x14000] =	vst v63  }
0xde: {  	_ = 	snop  }
0xdf: {  	[hbm4b:s12+s3] =	stream.indirect_vreg.scatter [tilespmem:s5], [sflag:$0x1], $0x80, v3, vm0, $0xb8;
	[tilespmem:$0x14000] =	vst v63  }
0xe0: {  	_ = 	snop  }
0xe1: {  	[hbm4b:s13+s3] =	stream.indirect_vreg.scatter [tilespmem:s15], [sflag:$0x1], $0x80, v3, vm0, $0xb8;
	[tilespmem:$0x14000] =	vst v63  }
0xe2: {  	_ = 	snop  }
0xe3: {  	[hbm4b:s14+s3] =	stream.indirect_vreg.scatter [tilespmem:s6], [sflag:$0x1], $0x80, v3, vm0, $0xb8;
	[tilespmem:$0x14000] =	vst v63  }
0xe4: {  	s22 =	sadd.s32 $0x1000, s17;
	s20 =	sadd.s32 $0x3000, s17  }
0xe5: {  	[hbm4b:s2+s7] =	stream.indirect.scatter [tilespmem:s20], [sflag:$0x1], $0x1, s22, s7, $0xb8;
	[tilespmem:$0x14000] =	vst v63  }
0xe6: {  	v3 =	vld [tilespmem:s17+$0x1400];
	_ =	sdelay $0x4  }
0xe7: {  	v53 =	vshll.u32 v3, $0x4  }
0xe8: {  	v3 =	vand.u32 $0x7, v3;
	v4 =	vand.u32 $0xFFFFFF80, v53  }
0xe9: {  	v3 =	vor.u32 v3, v4  }
0xea: {  	v4 =	vperm.xlane v3, v0;
	_ =	sdelay $0x1  }
0xeb: {  	v4 =	vadd.s32 v1, v4;
	_ =	sdelay $0x4  }
0xec: {  	[hbm4b:s4+s3] =	stream.indirect_vreg.scatter [tilespmem:s30], [sflag:$0x1], $0x80, v4, vm0, $0xb8;
	[tilespmem:$0x14000] =	vst v63  }
0xed: {  	_ = 	snop  }
0xee: {  	[hbm4b:s8+s3] =	stream.indirect_vreg.scatter [tilespmem:s24], [sflag:$0x1], $0x80, v4, vm0, $0xb8;
	[tilespmem:$0x14000] =	vst v63  }
0xef: {  	_ = 	snop  }
0xf0: {  	[hbm4b:s9+s3] =	stream.indirect_vreg.scatter [tilespmem:s25], [sflag:$0x1], $0x80, v4, vm0, $0xb8;
	[tilespmem:$0x14000] =	vst v63  }
0xf1: {  	s25 =	simm.s32 $0x5800  }
0xf2: {  	[hbm4b:s10+s3] =	stream.indirect_vreg.scatter [tilespmem:s25], [sflag:$0x1], $0x80, v4, vm0, $0xb8;
	[tilespmem:$0x14000] =	vst v63  }
0xf3: {  	_ = 	snop  }
0xf4: {  	[hbm4b:s11+s3] =	stream.indirect_vreg.scatter [tilespmem:s26], [sflag:$0x1], $0x80, v4, vm0, $0xb8;
	[tilespmem:$0x14000] =	vst v63  }
0xf5: {  	v3 =	vperm.xlane v3, v2  }
0xf6: {  	[hbm4b:s12+s3] =	stream.indirect_vreg.scatter [tilespmem:s28], [sflag:$0x1], $0x80, v4, vm0, $0xb8;
	[tilespmem:$0x14000] =	vst v63  }
0xf7: {  	v3 =	vadd.s32 v1, v3  }
0xf8: {  	[hbm4b:s13+s3] =	stream.indirect_vreg.scatter [tilespmem:s29], [sflag:$0x1], $0x80, v4, vm0, $0xb8;
	[tilespmem:$0x14000] =	vst v63  }
0xf9: {  	s20 =	simm.s32 $0x7800  }
0xfa: {  	[hbm4b:s14+s3] =	stream.indirect_vreg.scatter [tilespmem:s20], [sflag:$0x1], $0x80, v4, vm0, $0xb8;
	[tilespmem:$0x14000] =	vst v63  }
0xfb: {  	_ = 	snop  }
0xfc: {  	[hbm4b:s4+s3] =	stream.indirect_vreg.scatter [tilespmem:s31], [sflag:$0x1], $0x80, v3, vm0, $0xb8;
	[tilespmem:$0x14000] =	vst v63  }
0xfd: {  	_ = 	snop  }
0xfe: {  	[hbm4b:s8+s3] =	stream.indirect_vreg.scatter [tilespmem:s1], [sflag:$0x1], $0x80, v3, vm0, $0xb8;
	[tilespmem:$0x14000] =	vst v63  }
0xff: {  	s1 =	simm.s32 $0x9000  }
0x100: {  	[hbm4b:s9+s3] =	stream.indirect_vreg.scatter [tilespmem:s1], [sflag:$0x1], $0x80, v3, vm0, $0xb8;
	[tilespmem:$0x14000] =	vst v63  }
0x101: {  	_ = 	snop  }
0x102: {  	[hbm4b:s10+s3] =	stream.indirect_vreg.scatter [tilespmem:s0], [sflag:$0x1], $0x80, v3, vm0, $0xb8;
	[tilespmem:$0x14000] =	vst v63  }
0x103: {  	_ = 	snop  }
0x104: {  	[hbm4b:s11+s3] =	stream.indirect_vreg.scatter [tilespmem:s18], [sflag:$0x1], $0x80, v3, vm0, $0xb8;
	[tilespmem:$0x14000] =	vst v63  }
0x105: {  	_ = 	snop  }
0x106: {  	[hbm4b:s12+s3] =	stream.indirect_vreg.scatter [tilespmem:s5], [sflag:$0x1], $0x80, v3, vm0, $0xb8;
	[tilespmem:$0x14000] =	vst v63  }
0x107: {  	_ = 	snop  }
0x108: {  	[hbm4b:s13+s3] =	stream.indirect_vreg.scatter [tilespmem:s15], [sflag:$0x1], $0x80, v3, vm0, $0xb8;
	[tilespmem:$0x14000] =	vst v63  }
0x109: {  	_ = 	snop  }
0x10a: {  	[hbm4b:s14+s3] =	stream.indirect_vreg.scatter [tilespmem:s6], [sflag:$0x1], $0x80, v3, vm0, $0xb8;
	[tilespmem:$0x14000] =	vst v63  }
0x10b: {  	s22 =	sadd.s32 $0x1400, s17;
	s20 =	sadd.s32 $0x3400, s17  }
0x10c: {  	[hbm4b:s2+s7] =	stream.indirect.scatter [tilespmem:s20], [sflag:$0x1], $0x1, s22, s7, $0xb8;
	[tilespmem:$0x14000] =	vst v63  }
0x10d: {  	v3 =	vld [tilespmem:s17+$0x1800];
	_ =	sdelay $0x4  }
0x10e: {  	v54 =	vshll.u32 v3, $0x4  }
0x10f: {  	v3 =	vand.u32 $0x7, v3;
	v4 =	vand.u32 $0xFFFFFF80, v54  }
0x110: {  	v3 =	vor.u32 v3, v4  }
0x111: {  	v4 =	vperm.xlane v3, v0;
	_ =	sdelay $0x1  }
0x112: {  	v4 =	vadd.s32 v1, v4;
	_ =	sdelay $0x4  }
0x113: {  	[hbm4b:s4+s3] =	stream.indirect_vreg.scatter [tilespmem:s30], [sflag:$0x1], $0x80, v4, vm0, $0xb8;
	[tilespmem:$0x14000] =	vst v63  }
0x114: {  	_ = 	snop  }
0x115: {  	[hbm4b:s8+s3] =	stream.indirect_vreg.scatter [tilespmem:s24], [sflag:$0x1], $0x80, v4, vm0, $0xb8;
	[tilespmem:$0x14000] =	vst v63  }
0x116: {  	s24 =	simm.s32 $0x5000  }
0x117: {  	[hbm4b:s9+s3] =	stream.indirect_vreg.scatter [tilespmem:s24], [sflag:$0x1], $0x80, v4, vm0, $0xb8;
	[tilespmem:$0x14000] =	vst v63  }
0x118: {  	_ = 	snop  }
0x119: {  	[hbm4b:s10+s3] =	stream.indirect_vreg.scatter [tilespmem:s25], [sflag:$0x1], $0x80, v4, vm0, $0xb8;
	[tilespmem:$0x14000] =	vst v63  }
0x11a: {  	_ = 	snop  }
0x11b: {  	[hbm4b:s11+s3] =	stream.indirect_vreg.scatter [tilespmem:s26], [sflag:$0x1], $0x80, v4, vm0, $0xb8;
	[tilespmem:$0x14000] =	vst v63  }
0x11c: {  	v3 =	vperm.xlane v3, v2  }
0x11d: {  	[hbm4b:s12+s3] =	stream.indirect_vreg.scatter [tilespmem:s28], [sflag:$0x1], $0x80, v4, vm0, $0xb8;
	[tilespmem:$0x14000] =	vst v63  }
0x11e: {  	v3 =	vadd.s32 v1, v3  }
0x11f: {  	[hbm4b:s13+s3] =	stream.indirect_vreg.scatter [tilespmem:s29], [sflag:$0x1], $0x80, v4, vm0, $0xb8;
	[tilespmem:$0x14000] =	vst v63  }
0x120: {  	s20 =	simm.s32 $0x7800  }
0x121: {  	[hbm4b:s14+s3] =	stream.indirect_vreg.scatter [tilespmem:s20], [sflag:$0x1], $0x80, v4, vm0, $0xb8;
	[tilespmem:$0x14000] =	vst v63  }
0x122: {  	_ = 	snop  }
0x123: {  	[hbm4b:s4+s3] =	stream.indirect_vreg.scatter [tilespmem:s31], [sflag:$0x1], $0x80, v3, vm0, $0xb8;
	[tilespmem:$0x14000] =	vst v63  }
0x124: {  	s31 =	simm.s32 $0x8800  }
0x125: {  	[hbm4b:s8+s3] =	stream.indirect_vreg.scatter [tilespmem:s31], [sflag:$0x1], $0x80, v3, vm0, $0xb8;
	[tilespmem:$0x14000] =	vst v63  }
0x126: {  	_ = 	snop  }
0x127: {  	[hbm4b:s9+s3] =	stream.indirect_vreg.scatter [tilespmem:s1], [sflag:$0x1], $0x80, v3, vm0, $0xb8;
	[tilespmem:$0x14000] =	vst v63  }
0x128: {  	_ = 	snop  }
0x129: {  	[hbm4b:s10+s3] =	stream.indirect_vreg.scatter [tilespmem:s0], [sflag:$0x1], $0x80, v3, vm0, $0xb8;
	[tilespmem:$0x14000] =	vst v63  }
0x12a: {  	_ = 	snop  }
0x12b: {  	[hbm4b:s11+s3] =	stream.indirect_vreg.scatter [tilespmem:s18], [sflag:$0x1], $0x80, v3, vm0, $0xb8;
	[tilespmem:$0x14000] =	vst v63  }
0x12c: {  	_ = 	snop  }
0x12d: {  	[hbm4b:s12+s3] =	stream.indirect_vreg.scatter [tilespmem:s5], [sflag:$0x1], $0x80, v3, vm0, $0xb8;
	[tilespmem:$0x14000] =	vst v63  }
0x12e: {  	_ = 	snop  }
0x12f: {  	[hbm4b:s13+s3] =	stream.indirect_vreg.scatter [tilespmem:s15], [sflag:$0x1], $0x80, v3, vm0, $0xb8;
	[tilespmem:$0x14000] =	vst v63  }
0x130: {  	_ = 	snop  }
0x131: {  	[hbm4b:s14+s3] =	stream.indirect_vreg.scatter [tilespmem:s6], [sflag:$0x1], $0x80, v3, vm0, $0xb8;
	[tilespmem:$0x14000] =	vst v63  }
0x132: {  	s22 =	sadd.s32 $0x1800, s17;
	s20 =	sadd.s32 $0x3800, s17  }
0x133: {  	[hbm4b:s2+s7] =	stream.indirect.scatter [tilespmem:s20], [sflag:$0x1], $0x1, s22, s7, $0xb8;
	[tilespmem:$0x14000] =	vst v63  }
0x134: {  	v3 =	vld [tilespmem:s17+$0x1C00];
	_ =	sdelay $0x4  }
0x135: {  	v55 =	vshll.u32 v3, $0x4  }
0x136: {  	v3 =	vand.u32 $0x7, v3;
	v4 =	vand.u32 $0xFFFFFF80, v55  }
0x137: {  	v3 =	vor.u32 v3, v4  }
0x138: {  	v4 =	vperm.xlane v3, v0;
	_ =	sdelay $0x1  }
0x139: {  	v4 =	vadd.s32 v1, v4;
	_ =	sdelay $0x4  }
0x13a: {  	[hbm4b:s4+s3] =	stream.indirect_vreg.scatter [tilespmem:s30], [sflag:$0x1], $0x80, v4, vm0, $0xb8;
	[tilespmem:$0x14000] =	vst v63  }
0x13b: {  	s22 =	simm.s32 $0x4800  }
0x13c: {  	[hbm4b:s8+s3] =	stream.indirect_vreg.scatter [tilespmem:s22], [sflag:$0x1], $0x80, v4, vm0, $0xb8;
	[tilespmem:$0x14000] =	vst v63  }
0x13d: {  	_ = 	snop  }
0x13e: {  	[hbm4b:s9+s3] =	stream.indirect_vreg.scatter [tilespmem:s24], [sflag:$0x1], $0x80, v4, vm0, $0xb8;
	[tilespmem:$0x14000] =	vst v63  }
0x13f: {  	_ = 	snop  }
0x140: {  	[hbm4b:s10+s3] =	stream.indirect_vreg.scatter [tilespmem:s25], [sflag:$0x1], $0x80, v4, vm0, $0xb8;
	[tilespmem:$0x14000] =	vst v63  }
0x141: {  	_ = 	snop  }
0x142: {  	[hbm4b:s11+s3] =	stream.indirect_vreg.scatter [tilespmem:s26], [sflag:$0x1], $0x80, v4, vm0, $0xb8;
	[tilespmem:$0x14000] =	vst v63  }
0x143: {  	v3 =	vperm.xlane v3, v2  }
0x144: {  	[hbm4b:s12+s3] =	stream.indirect_vreg.scatter [tilespmem:s28], [sflag:$0x1], $0x80, v4, vm0, $0xb8;
	[tilespmem:$0x14000] =	vst v63  }
0x145: {  	v3 =	vadd.s32 v1, v3  }
0x146: {  	[hbm4b:s13+s3] =	stream.indirect_vreg.scatter [tilespmem:s29], [sflag:$0x1], $0x80, v4, vm0, $0xb8;
	[tilespmem:$0x14000] =	vst v63  }
0x147: {  	s29 =	simm.s32 $0x7800  }
0x148: {  	[hbm4b:s14+s3] =	stream.indirect_vreg.scatter [tilespmem:s29], [sflag:$0x1], $0x80, v4, vm0, $0xb8;
	[tilespmem:$0x14000] =	vst v63  }
0x149: {  	s30 =	simm.s32 $0x8000  }
0x14a: {  	[hbm4b:s4+s3] =	stream.indirect_vreg.scatter [tilespmem:s30], [sflag:$0x1], $0x80, v3, vm0, $0xb8;
	[tilespmem:$0x14000] =	vst v63  }
0x14b: {  	_ = 	snop  }
0x14c: {  	[hbm4b:s8+s3] =	stream.indirect_vreg.scatter [tilespmem:s31], [sflag:$0x1], $0x80, v3, vm0, $0xb8;
	[tilespmem:$0x14000] =	vst v63  }
0x14d: {  	_ = 	snop  }
0x14e: {  	[hbm4b:s9+s3] =	stream.indirect_vreg.scatter [tilespmem:s1], [sflag:$0x1], $0x80, v3, vm0, $0xb8;
	[tilespmem:$0x14000] =	vst v63  }
0x14f: {  	_ = 	snop  }
0x150: {  	[hbm4b:s10+s3] =	stream.indirect_vreg.scatter [tilespmem:s0], [sflag:$0x1], $0x80, v3, vm0, $0xb8;
	[tilespmem:$0x14000] =	vst v63  }
0x151: {  	_ = 	snop  }
0x152: {  	[hbm4b:s11+s3] =	stream.indirect_vreg.scatter [tilespmem:s18], [sflag:$0x1], $0x80, v3, vm0, $0xb8;
	[tilespmem:$0x14000] =	vst v63  }
0x153: {  	_ = 	snop  }
0x154: {  	[hbm4b:s12+s3] =	stream.indirect_vreg.scatter [tilespmem:s5], [sflag:$0x1], $0x80, v3, vm0, $0xb8;
	[tilespmem:$0x14000] =	vst v63  }
0x155: {  	_ = 	snop  }
0x156: {  	[hbm4b:s13+s3] =	stream.indirect_vreg.scatter [tilespmem:s15], [sflag:$0x1], $0x80, v3, vm0, $0xb8;
	[tilespmem:$0x14000] =	vst v63  }
0x157: {  	s7 =	rddreg [dreg:$0xa]  }
0x158: {  	[hbm4b:s14+s3] =	stream.indirect_vreg.scatter [tilespmem:s6], [sflag:$0x1], $0x80, v3, vm0, $0xb8;
	[tilespmem:$0x14000] =	vst v63  }
0x159: {  	s31 =	simm.s32 $0x10;
	s1 =	sadd.s32 $0x1C00, s17;
	s5 =	sadd.s32 $0x3C00, s17  }
0x15a: {  	[hbm4b:s2+s31] =	stream.indirect.scatter [tilespmem:s5], [sflag:$0x1], $0x1, s1, s31, $0xb8;
	[tilespmem:$0x14000] =	vst v63  }
0x15b: {  	s6 =	rddreg [dreg:$0xb];
	_ =	swait.ge [sflag:s21], $0x8000  }
0x15c: {  	[sflag:s21] =	ssyncset.done $0x0  }
0x15d: {  	[sflag:s21] =	ssyncadd.s32 $0xFFFF8000  }
0x15e: {  	_ =	swait.ge [sflag:s21], $0x10  }
0x15f: {  	[sflag:s21] =	ssyncset.done $0x0  }
0x160: {  	[sflag:s21] =	ssyncadd.s32 $0xFFFFFFF0  }
0x161: {  	_ =	swait.ge [sflag:s21], $0x8000  }
0x162: {  	[sflag:s21] =	ssyncset.done $0x0  }
0x163: {  	[sflag:s21] =	ssyncadd.s32 $0xFFFF8000  }
0x164: {  	_ =	swait.ge [sflag:s21], $0x10  }
0x165: {  	[sflag:s21] =	ssyncset.done $0x0  }
0x166: {  	[sflag:s21] =	ssyncadd.s32 $0xFFFFFFF0  }
0x167: {  	_ =	swait.ge [sflag:s21], $0x8000  }
0x168: {  	[sflag:s21] =	ssyncset.done $0x0  }
0x169: {  	[sflag:s21] =	ssyncadd.s32 $0xFFFF8000  }
0x16a: {  	_ =	swait.ge [sflag:s21], $0x10  }
0x16b: {  	[sflag:s21] =	ssyncset.done $0x0  }
0x16c: {  	[sflag:s21] =	ssyncadd.s32 $0xFFFFFFF0  }
0x16d: {  	_ =	swait.ge [sflag:s21], $0x8000  }
0x16e: {  	[sflag:s21] =	ssyncset.done $0x0  }
0x16f: {  	[sflag:s21] =	ssyncadd.s32 $0xFFFF8000  }
0x170: {  	_ =	swait.ge [sflag:s21], $0x10  }
0x171: {  	[sflag:s21] =	ssyncset.done $0x0  }
0x172: {  	[sflag:s21] =	ssyncadd.s32 $0xFFFFFFF0  }
0x173: {  	_ =	swait.ge [sflag:s21], $0x8000  }
0x174: {  	[sflag:s21] =	ssyncset.done $0x0  }
0x175: {  	[sflag:s21] =	ssyncadd.s32 $0xFFFF8000  }
0x176: {  	_ =	swait.ge [sflag:s21], $0x10  }
0x177: {  	[sflag:s21] =	ssyncset.done $0x0  }
0x178: {  	[sflag:s21] =	ssyncadd.s32 $0xFFFFFFF0  }
0x179: {  	_ =	swait.ge [sflag:s21], $0x8000  }
0x17a: {  	[sflag:s21] =	ssyncset.done $0x0  }
0x17b: {  	[sflag:s21] =	ssyncadd.s32 $0xFFFF8000  }
0x17c: {  	_ =	swait.ge [sflag:s21], $0x10  }
0x17d: {  	[sflag:s21] =	ssyncset.done $0x0  }
0x17e: {  	[sflag:s21] =	ssyncadd.s32 $0xFFFFFFF0  }
0x17f: {  	_ =	swait.ge [sflag:s21], $0x8000  }
0x180: {  	[sflag:s21] =	ssyncset.done $0x0  }
0x181: {  	[sflag:s21] =	ssyncadd.s32 $0xFFFF8000  }
0x182: {  	_ =	swait.ge [sflag:s21], $0x10  }
0x183: {  	[sflag:s21] =	ssyncset.done $0x0  }
0x184: {  	[sflag:s21] =	ssyncadd.s32 $0xFFFFFFF0  }
0x185: {  	_ =	swait.ge [sflag:s21], $0x8000  }
0x186: {  	[sflag:s21] =	ssyncset.done $0x0  }
0x187: {  	[sflag:s21] =	ssyncadd.s32 $0xFFFF8000  }
0x188: {  	_ =	swait.ge [sflag:s21], $0x10  }
0x189: {  	p0 =	seq.s32 s6, $0xC00;
	[sflag:s21] =	ssyncset.done $0x0  }
0x18a: {  	s19 =	simm.s32 @!p0 $0x0;
	s22 =	simm.s32 @!p0 $0x4000;
	[sflag:s21] =	ssyncadd.s32 $0xFFFFFFF0  }
0x18b: {  	[tilespmem:s22], [sflag:$0x1] =	stream.linear.gather @!p0 [hbm4b:s7+s19], $0x8000, $0x38;
	[tilespmem:$0x14000] =	vst v63  }
0x18c: {  	_ =	swait.ge [sflag:s16], $0x8000  }
0x18d: {  	[sflag:s16] =	ssyncset.done $0x0  }
0x18e: {  	[sflag:s16] =	ssyncadd.s32 $0xFFFF8000  }
0x18f: {  	v3 =	vld [tilespmem:s17+$0x80];
	_ =	sdelay $0x4  }
0x190: {  	v56 =	vshll.u32 v3, $0x4  }
0x191: {  	v3 =	vand.u32 $0x7, v3;
	v4 =	vand.u32 $0xFFFFFF80, v56  }
0x192: {  	v3 =	vor.u32 v3, v4  }
0x193: {  	v4 =	vperm.xlane v3, v0;
	_ =	sdelay $0x1  }
0x194: {  	v4 =	vadd.s32 v1, v4;
	_ =	sdelay $0x3  }
0x195: {  	s23 =	simm.s32 $0xC000  }
0x196: {  	[hbm4b:s4+s3] =	stream.indirect_vreg.scatter [tilespmem:s23], [sflag:$0x2], $0x80, v4, vm0, $0xb8;
	[tilespmem:$0x14000] =	vst v63  }
0x197: {  	s15 =	simm.s32 $0xC800  }
0x198: {  	[hbm4b:s8+s3] =	stream.indirect_vreg.scatter [tilespmem:s15], [sflag:$0x2], $0x80, v4, vm0, $0xb8;
	[tilespmem:$0x14000] =	vst v63  }
0x199: {  	s30 =	simm.s32 $0xD000  }
0x19a: {  	[hbm4b:s9+s3] =	stream.indirect_vreg.scatter [tilespmem:s30], [sflag:$0x2], $0x80, v4, vm0, $0xb8;
	[tilespmem:$0x14000] =	vst v63  }
0x19b: {  	s24 =	simm.s32 $0xD800  }
0x19c: {  	[hbm4b:s10+s3] =	stream.indirect_vreg.scatter [tilespmem:s24], [sflag:$0x2], $0x80, v4, vm0, $0xb8;
	[tilespmem:$0x14000] =	vst v63  }
0x19d: {  	s31 =	simm.s32 $0xE000  }
0x19e: {  	[hbm4b:s11+s3] =	stream.indirect_vreg.scatter [tilespmem:s31], [sflag:$0x2], $0x80, v4, vm0, $0xb8;
	[tilespmem:$0x14000] =	vst v63  }
0x19f: {  	s25 =	simm.s32 $0xE800;
	v3 =	vperm.xlane v3, v2  }
0x1a0: {  	[hbm4b:s12+s3] =	stream.indirect_vreg.scatter [tilespmem:s25], [sflag:$0x2], $0x80, v4, vm0, $0xb8;
	[tilespmem:$0x14000] =	vst v63  }
0x1a1: {  	s18 =	simm.s32 $0xF000;
	v3 =	vadd.s32 v1, v3  }
0x1a2: {  	[hbm4b:s13+s3] =	stream.indirect_vreg.scatter [tilespmem:s18], [sflag:$0x2], $0x80, v4, vm0, $0xb8;
	[tilespmem:$0x14000] =	vst v63  }
0x1a3: {  	s26 =	simm.s32 $0xF800  }
0x1a4: {  	[hbm4b:s14+s3] =	stream.indirect_vreg.scatter [tilespmem:s26], [sflag:$0x2], $0x80, v4, vm0, $0xb8;
	[tilespmem:$0x14000] =	vst v63  }
0x1a5: {  	s19 =	simm.s32 $0x10000  }
0x1a6: {  	[hbm4b:s4+s3] =	stream.indirect_vreg.scatter [tilespmem:s19], [sflag:$0x2], $0x80, v3, vm0, $0xb8;
	[tilespmem:$0x14000] =	vst v63  }
0x1a7: {  	s28 =	simm.s32 $0x10800  }
0x1a8: {  	[hbm4b:s8+s3] =	stream.indirect_vreg.scatter [tilespmem:s28], [sflag:$0x2], $0x80, v3, vm0, $0xb8;
	[tilespmem:$0x14000] =	vst v63  }
0x1a9: {  	s18 =	simm.s32 $0x11000  }
0x1aa: {  	[hbm4b:s9+s3] =	stream.indirect_vreg.scatter [tilespmem:s18], [sflag:$0x2], $0x80, v3, vm0, $0xb8;
	[tilespmem:$0x14000] =	vst v63  }
0x1ab: {  	s29 =	simm.s32 $0x11800  }
0x1ac: {  	[hbm4b:s10+s3] =	stream.indirect_vreg.scatter [tilespmem:s29], [sflag:$0x2], $0x80, v3, vm0, $0xb8;
	[tilespmem:$0x14000] =	vst v63  }
0x1ad: {  	s5 =	simm.s32 $0x12000  }
0x1ae: {  	[hbm4b:s11+s3] =	stream.indirect_vreg.scatter [tilespmem:s5], [sflag:$0x2], $0x80, v3, vm0, $0xb8;
	[tilespmem:$0x14000] =	vst v63  }
0x1af: {  	s15 =	simm.s32 $0x12800  }
0x1b0: {  	[hbm4b:s12+s3] =	stream.indirect_vreg.scatter [tilespmem:s15], [sflag:$0x2], $0x80, v3, vm0, $0xb8;
	[tilespmem:$0x14000] =	vst v63  }
0x1b1: {  	s22 =	simm.s32 $0x13000  }
0x1b2: {  	[hbm4b:s13+s3] =	stream.indirect_vreg.scatter [tilespmem:s22], [sflag:$0x2], $0x80, v3, vm0, $0xb8;
	[tilespmem:$0x14000] =	vst v63  }
0x1b3: {  	s19 =	simm.s32 $0x13800  }
0x1b4: {  	[hbm4b:s14+s3] =	stream.indirect_vreg.scatter [tilespmem:s19], [sflag:$0x2], $0x80, v3, vm0, $0xb8;
	[tilespmem:$0x14000] =	vst v63  }
0x1b5: {  	s0 =	simm.s32 $0x10;
	s22 =	sadd.s32 $0x2080, s17;
	s19 =	sadd.s32 $0x80, s17  }
0x1b6: {  	[hbm4b:s2+s0] =	stream.indirect.scatter [tilespmem:s22], [sflag:$0x2], $0x1, s19, s0, $0xb8;
	[tilespmem:$0x14000] =	vst v63  }
0x1b7: {  	v3 =	vld [tilespmem:s17+$0x480];
	_ =	sdelay $0x4  }
0x1b8: {  	v57 =	vshll.u32 v3, $0x4  }
0x1b9: {  	v3 =	vand.u32 $0x7, v3;
	v4 =	vand.u32 $0xFFFFFF80, v57  }
0x1ba: {  	v3 =	vor.u32 v3, v4  }
0x1bb: {  	v4 =	vperm.xlane v3, v0;
	_ =	sdelay $0x1  }
0x1bc: {  	v4 =	vadd.s32 v1, v4;
	_ =	sdelay $0x4  }
0x1bd: {  	[hbm4b:s4+s3] =	stream.indirect_vreg.scatter [tilespmem:s23], [sflag:$0x2], $0x80, v4, vm0, $0xb8;
	[tilespmem:$0x14000] =	vst v63  }
0x1be: {  	s20 =	simm.s32 $0xC800  }
0x1bf: {  	[hbm4b:s8+s3] =	stream.indirect_vreg.scatter [tilespmem:s20], [sflag:$0x2], $0x80, v4, vm0, $0xb8;
	[tilespmem:$0x14000] =	vst v63  }
0x1c0: {  	_ = 	snop  }
0x1c1: {  	[hbm4b:s9+s3] =	stream.indirect_vreg.scatter [tilespmem:s30], [sflag:$0x2], $0x80, v4, vm0, $0xb8;
	[tilespmem:$0x14000] =	vst v63  }
0x1c2: {  	_ = 	snop  }
0x1c3: {  	[hbm4b:s10+s3] =	stream.indirect_vreg.scatter [tilespmem:s24], [sflag:$0x2], $0x80, v4, vm0, $0xb8;
	[tilespmem:$0x14000] =	vst v63  }
0x1c4: {  	_ = 	snop  }
0x1c5: {  	[hbm4b:s11+s3] =	stream.indirect_vreg.scatter [tilespmem:s31], [sflag:$0x2], $0x80, v4, vm0, $0xb8;
	[tilespmem:$0x14000] =	vst v63  }
0x1c6: {  	v3 =	vperm.xlane v3, v2  }
0x1c7: {  	[hbm4b:s12+s3] =	stream.indirect_vreg.scatter [tilespmem:s25], [sflag:$0x2], $0x80, v4, vm0, $0xb8;
	[tilespmem:$0x14000] =	vst v63  }
0x1c8: {  	s1 =	simm.s32 $0xF000;
	v3 =	vadd.s32 v1, v3  }
0x1c9: {  	[hbm4b:s13+s3] =	stream.indirect_vreg.scatter [tilespmem:s1], [sflag:$0x2], $0x80, v4, vm0, $0xb8;
	[tilespmem:$0x14000] =	vst v63  }
0x1ca: {  	_ = 	snop  }
0x1cb: {  	[hbm4b:s14+s3] =	stream.indirect_vreg.scatter [tilespmem:s26], [sflag:$0x2], $0x80, v4, vm0, $0xb8;
	[tilespmem:$0x14000] =	vst v63  }
0x1cc: {  	s1 =	simm.s32 $0x10000  }
0x1cd: {  	[hbm4b:s4+s3] =	stream.indirect_vreg.scatter [tilespmem:s1], [sflag:$0x2], $0x80, v3, vm0, $0xb8;
	[tilespmem:$0x14000] =	vst v63  }
0x1ce: {  	_ = 	snop  }
0x1cf: {  	[hbm4b:s8+s3] =	stream.indirect_vreg.scatter [tilespmem:s28], [sflag:$0x2], $0x80, v3, vm0, $0xb8;
	[tilespmem:$0x14000] =	vst v63  }
0x1d0: {  	_ = 	snop  }
0x1d1: {  	[hbm4b:s9+s3] =	stream.indirect_vreg.scatter [tilespmem:s18], [sflag:$0x2], $0x80, v3, vm0, $0xb8;
	[tilespmem:$0x14000] =	vst v63  }
0x1d2: {  	_ = 	snop  }
0x1d3: {  	[hbm4b:s10+s3] =	stream.indirect_vreg.scatter [tilespmem:s29], [sflag:$0x2], $0x80, v3, vm0, $0xb8;
	[tilespmem:$0x14000] =	vst v63  }
0x1d4: {  	_ = 	snop  }
0x1d5: {  	[hbm4b:s11+s3] =	stream.indirect_vreg.scatter [tilespmem:s5], [sflag:$0x2], $0x80, v3, vm0, $0xb8;
	[tilespmem:$0x14000] =	vst v63  }
0x1d6: {  	_ = 	snop  }
0x1d7: {  	[hbm4b:s12+s3] =	stream.indirect_vreg.scatter [tilespmem:s15], [sflag:$0x2], $0x80, v3, vm0, $0xb8;
	[tilespmem:$0x14000] =	vst v63  }
0x1d8: {  	s20 =	simm.s32 $0x13000  }
0x1d9: {  	[hbm4b:s13+s3] =	stream.indirect_vreg.scatter [tilespmem:s20], [sflag:$0x2], $0x80, v3, vm0, $0xb8;
	[tilespmem:$0x14000] =	vst v63  }
0x1da: {  	s22 =	simm.s32 $0x13800  }
0x1db: {  	[hbm4b:s14+s3] =	stream.indirect_vreg.scatter [tilespmem:s22], [sflag:$0x2], $0x80, v3, vm0, $0xb8;
	[tilespmem:$0x14000] =	vst v63  }
0x1dc: {  	s19 =	sadd.s32 $0x480, s17;
	s22 =	sadd.s32 $0x2480, s17  }
0x1dd: {  	[hbm4b:s2+s0] =	stream.indirect.scatter [tilespmem:s22], [sflag:$0x2], $0x1, s19, s0, $0xb8;
	[tilespmem:$0x14000] =	vst v63  }
0x1de: {  	v3 =	vld [tilespmem:s17+$0x880];
	_ =	sdelay $0x4  }
0x1df: {  	v58 =	vshll.u32 v3, $0x4  }
0x1e0: {  	v3 =	vand.u32 $0x7, v3;
	v4 =	vand.u32 $0xFFFFFF80, v58  }
0x1e1: {  	v3 =	vor.u32 v3, v4  }
0x1e2: {  	v4 =	vperm.xlane v3, v0;
	_ =	sdelay $0x1  }
0x1e3: {  	v4 =	vadd.s32 v1, v4;
	_ =	sdelay $0x4  }
0x1e4: {  	[hbm4b:s4+s3] =	stream.indirect_vreg.scatter [tilespmem:s23], [sflag:$0x2], $0x80, v4, vm0, $0xb8;
	[tilespmem:$0x14000] =	vst v63  }
0x1e5: {  	s22 =	simm.s32 $0xC800  }
0x1e6: {  	[hbm4b:s8+s3] =	stream.indirect_vreg.scatter [tilespmem:s22], [sflag:$0x2], $0x80, v4, vm0, $0xb8;
	[tilespmem:$0x14000] =	vst v63  }
0x1e7: {  	_ = 	snop  }
0x1e8: {  	[hbm4b:s9+s3] =	stream.indirect_vreg.scatter [tilespmem:s30], [sflag:$0x2], $0x80, v4, vm0, $0xb8;
	[tilespmem:$0x14000] =	vst v63  }
0x1e9: {  	_ = 	snop  }
0x1ea: {  	[hbm4b:s10+s3] =	stream.indirect_vreg.scatter [tilespmem:s24], [sflag:$0x2], $0x80, v4, vm0, $0xb8;
	[tilespmem:$0x14000] =	vst v63  }
0x1eb: {  	_ = 	snop  }
0x1ec: {  	[hbm4b:s11+s3] =	stream.indirect_vreg.scatter [tilespmem:s31], [sflag:$0x2], $0x80, v4, vm0, $0xb8;
	[tilespmem:$0x14000] =	vst v63  }
0x1ed: {  	v3 =	vperm.xlane v3, v2  }
0x1ee: {  	[hbm4b:s12+s3] =	stream.indirect_vreg.scatter [tilespmem:s25], [sflag:$0x2], $0x80, v4, vm0, $0xb8;
	[tilespmem:$0x14000] =	vst v63  }
0x1ef: {  	v3 =	vadd.s32 v1, v3;
	s22 =	simm.s32 $0xF000  }
0x1f0: {  	[hbm4b:s13+s3] =	stream.indirect_vreg.scatter [tilespmem:s22], [sflag:$0x2], $0x80, v4, vm0, $0xb8;
	[tilespmem:$0x14000] =	vst v63  }
0x1f1: {  	_ = 	snop  }
0x1f2: {  	[hbm4b:s14+s3] =	stream.indirect_vreg.scatter [tilespmem:s26], [sflag:$0x2], $0x80, v4, vm0, $0xb8;
	[tilespmem:$0x14000] =	vst v63  }
0x1f3: {  	_ = 	snop  }
0x1f4: {  	[hbm4b:s4+s3] =	stream.indirect_vreg.scatter [tilespmem:s1], [sflag:$0x2], $0x80, v3, vm0, $0xb8;
	[tilespmem:$0x14000] =	vst v63  }
0x1f5: {  	_ = 	snop  }
0x1f6: {  	[hbm4b:s8+s3] =	stream.indirect_vreg.scatter [tilespmem:s28], [sflag:$0x2], $0x80, v3, vm0, $0xb8;
	[tilespmem:$0x14000] =	vst v63  }
0x1f7: {  	_ = 	snop  }
0x1f8: {  	[hbm4b:s9+s3] =	stream.indirect_vreg.scatter [tilespmem:s18], [sflag:$0x2], $0x80, v3, vm0, $0xb8;
	[tilespmem:$0x14000] =	vst v63  }
0x1f9: {  	_ = 	snop  }
0x1fa: {  	[hbm4b:s10+s3] =	stream.indirect_vreg.scatter [tilespmem:s29], [sflag:$0x2], $0x80, v3, vm0, $0xb8;
	[tilespmem:$0x14000] =	vst v63  }
0x1fb: {  	_ = 	snop  }
0x1fc: {  	[hbm4b:s11+s3] =	stream.indirect_vreg.scatter [tilespmem:s5], [sflag:$0x2], $0x80, v3, vm0, $0xb8;
	[tilespmem:$0x14000] =	vst v63  }
0x1fd: {  	_ = 	snop  }
0x1fe: {  	[hbm4b:s12+s3] =	stream.indirect_vreg.scatter [tilespmem:s15], [sflag:$0x2], $0x80, v3, vm0, $0xb8;
	[tilespmem:$0x14000] =	vst v63  }
0x1ff: {  	_ = 	snop  }
0x200: {  	[hbm4b:s13+s3] =	stream.indirect_vreg.scatter [tilespmem:s20], [sflag:$0x2], $0x80, v3, vm0, $0xb8;
	[tilespmem:$0x14000] =	vst v63  }
0x201: {  	s22 =	simm.s32 $0x13800  }
0x202: {  	[hbm4b:s14+s3] =	stream.indirect_vreg.scatter [tilespmem:s22], [sflag:$0x2], $0x80, v3, vm0, $0xb8;
	[tilespmem:$0x14000] =	vst v63  }
0x203: {  	s0 =	simm.s32 $0x10;
	s19 =	sadd.s32 $0x880, s17;
	s22 =	sadd.s32 $0x2880, s17  }
0x204: {  	[hbm4b:s2+s0] =	stream.indirect.scatter [tilespmem:s22], [sflag:$0x2], $0x1, s19, s0, $0xb8;
	[tilespmem:$0x14000] =	vst v63  }
0x205: {  	v3 =	vld [tilespmem:s17+$0xC80];
	_ =	sdelay $0x4  }
0x206: {  	v59 =	vshll.u32 v3, $0x4  }
0x207: {  	v3 =	vand.u32 $0x7, v3;
	v4 =	vand.u32 $0xFFFFFF80, v59  }
0x208: {  	v3 =	vor.u32 v3, v4  }
0x209: {  	v4 =	vperm.xlane v3, v0;
	_ =	sdelay $0x1  }
0x20a: {  	v4 =	vadd.s32 v1, v4;
	_ =	sdelay $0x4  }
0x20b: {  	[hbm4b:s4+s3] =	stream.indirect_vreg.scatter [tilespmem:s23], [sflag:$0x2], $0x80, v4, vm0, $0xb8;
	[tilespmem:$0x14000] =	vst v63  }
0x20c: {  	s22 =	simm.s32 $0xC800  }
0x20d: {  	[hbm4b:s8+s3] =	stream.indirect_vreg.scatter [tilespmem:s22], [sflag:$0x2], $0x80, v4, vm0, $0xb8;
	[tilespmem:$0x14000] =	vst v63  }
0x20e: {  	_ = 	snop  }
0x20f: {  	[hbm4b:s9+s3] =	stream.indirect_vreg.scatter [tilespmem:s30], [sflag:$0x2], $0x80, v4, vm0, $0xb8;
	[tilespmem:$0x14000] =	vst v63  }
0x210: {  	_ = 	snop  }
0x211: {  	[hbm4b:s10+s3] =	stream.indirect_vreg.scatter [tilespmem:s24], [sflag:$0x2], $0x80, v4, vm0, $0xb8;
	[tilespmem:$0x14000] =	vst v63  }
0x212: {  	_ = 	snop  }
0x213: {  	[hbm4b:s11+s3] =	stream.indirect_vreg.scatter [tilespmem:s31], [sflag:$0x2], $0x80, v4, vm0, $0xb8;
	[tilespmem:$0x14000] =	vst v63  }
0x214: {  	v3 =	vperm.xlane v3, v2  }
0x215: {  	[hbm4b:s12+s3] =	stream.indirect_vreg.scatter [tilespmem:s25], [sflag:$0x2], $0x80, v4, vm0, $0xb8;
	[tilespmem:$0x14000] =	vst v63  }
0x216: {  	v3 =	vadd.s32 v1, v3;
	s22 =	simm.s32 $0xF000  }
0x217: {  	[hbm4b:s13+s3] =	stream.indirect_vreg.scatter [tilespmem:s22], [sflag:$0x2], $0x80, v4, vm0, $0xb8;
	[tilespmem:$0x14000] =	vst v63  }
0x218: {  	_ = 	snop  }
0x219: {  	[hbm4b:s14+s3] =	stream.indirect_vreg.scatter [tilespmem:s26], [sflag:$0x2], $0x80, v4, vm0, $0xb8;
	[tilespmem:$0x14000] =	vst v63  }
0x21a: {  	s1 =	simm.s32 $0x10000  }
0x21b: {  	[hbm4b:s4+s3] =	stream.indirect_vreg.scatter [tilespmem:s1], [sflag:$0x2], $0x80, v3, vm0, $0xb8;
	[tilespmem:$0x14000] =	vst v63  }
0x21c: {  	_ = 	snop  }
0x21d: {  	[hbm4b:s8+s3] =	stream.indirect_vreg.scatter [tilespmem:s28], [sflag:$0x2], $0x80, v3, vm0, $0xb8;
	[tilespmem:$0x14000] =	vst v63  }
0x21e: {  	_ = 	snop  }
0x21f: {  	[hbm4b:s9+s3] =	stream.indirect_vreg.scatter [tilespmem:s18], [sflag:$0x2], $0x80, v3, vm0, $0xb8;
	[tilespmem:$0x14000] =	vst v63  }
0x220: {  	_ = 	snop  }
0x221: {  	[hbm4b:s10+s3] =	stream.indirect_vreg.scatter [tilespmem:s29], [sflag:$0x2], $0x80, v3, vm0, $0xb8;
	[tilespmem:$0x14000] =	vst v63  }
0x222: {  	_ = 	snop  }
0x223: {  	[hbm4b:s11+s3] =	stream.indirect_vreg.scatter [tilespmem:s5], [sflag:$0x2], $0x80, v3, vm0, $0xb8;
	[tilespmem:$0x14000] =	vst v63  }
0x224: {  	_ = 	snop  }
0x225: {  	[hbm4b:s12+s3] =	stream.indirect_vreg.scatter [tilespmem:s15], [sflag:$0x2], $0x80, v3, vm0, $0xb8;
	[tilespmem:$0x14000] =	vst v63  }
0x226: {  	s20 =	simm.s32 $0x13000  }
0x227: {  	[hbm4b:s13+s3] =	stream.indirect_vreg.scatter [tilespmem:s20], [sflag:$0x2], $0x80, v3, vm0, $0xb8;
	[tilespmem:$0x14000] =	vst v63  }
0x228: {  	s22 =	simm.s32 $0x13800  }
0x229: {  	[hbm4b:s14+s3] =	stream.indirect_vreg.scatter [tilespmem:s22], [sflag:$0x2], $0x80, v3, vm0, $0xb8;
	[tilespmem:$0x14000] =	vst v63  }
0x22a: {  	s0 =	simm.s32 $0x10;
	s19 =	sadd.s32 $0xC80, s17;
	s22 =	sadd.s32 $0x2C80, s17  }
0x22b: {  	[hbm4b:s2+s0] =	stream.indirect.scatter [tilespmem:s22], [sflag:$0x2], $0x1, s19, s0, $0xb8;
	[tilespmem:$0x14000] =	vst v63  }
0x22c: {  	v3 =	vld [tilespmem:s17+$0x1080];
	_ =	sdelay $0x4  }
0x22d: {  	v60 =	vshll.u32 v3, $0x4  }
0x22e: {  	v3 =	vand.u32 $0x7, v3;
	v4 =	vand.u32 $0xFFFFFF80, v60  }
0x22f: {  	v3 =	vor.u32 v3, v4  }
0x230: {  	v4 =	vperm.xlane v3, v0;
	_ =	sdelay $0x1  }
0x231: {  	v4 =	vadd.s32 v1, v4;
	_ =	sdelay $0x4  }
0x232: {  	[hbm4b:s4+s3] =	stream.indirect_vreg.scatter [tilespmem:s23], [sflag:$0x2], $0x80, v4, vm0, $0xb8;
	[tilespmem:$0x14000] =	vst v63  }
0x233: {  	s22 =	simm.s32 $0xC800  }
0x234: {  	[hbm4b:s8+s3] =	stream.indirect_vreg.scatter [tilespmem:s22], [sflag:$0x2], $0x80, v4, vm0, $0xb8;
	[tilespmem:$0x14000] =	vst v63  }
0x235: {  	_ = 	snop  }
0x236: {  	[hbm4b:s9+s3] =	stream.indirect_vreg.scatter [tilespmem:s30], [sflag:$0x2], $0x80, v4, vm0, $0xb8;
	[tilespmem:$0x14000] =	vst v63  }
0x237: {  	_ = 	snop  }
0x238: {  	[hbm4b:s10+s3] =	stream.indirect_vreg.scatter [tilespmem:s24], [sflag:$0x2], $0x80, v4, vm0, $0xb8;
	[tilespmem:$0x14000] =	vst v63  }
0x239: {  	_ = 	snop  }
0x23a: {  	[hbm4b:s11+s3] =	stream.indirect_vreg.scatter [tilespmem:s31], [sflag:$0x2], $0x80, v4, vm0, $0xb8;
	[tilespmem:$0x14000] =	vst v63  }
0x23b: {  	v3 =	vperm.xlane v3, v2  }
0x23c: {  	[hbm4b:s12+s3] =	stream.indirect_vreg.scatter [tilespmem:s25], [sflag:$0x2], $0x80, v4, vm0, $0xb8;
	[tilespmem:$0x14000] =	vst v63  }
0x23d: {  	v3 =	vadd.s32 v1, v3;
	s22 =	simm.s32 $0xF000  }
0x23e: {  	[hbm4b:s13+s3] =	stream.indirect_vreg.scatter [tilespmem:s22], [sflag:$0x2], $0x80, v4, vm0, $0xb8;
	[tilespmem:$0x14000] =	vst v63  }
0x23f: {  	_ = 	snop  }
0x240: {  	[hbm4b:s14+s3] =	stream.indirect_vreg.scatter [tilespmem:s26], [sflag:$0x2], $0x80, v4, vm0, $0xb8;
	[tilespmem:$0x14000] =	vst v63  }
0x241: {  	s1 =	simm.s32 $0x10000  }
0x242: {  	[hbm4b:s4+s3] =	stream.indirect_vreg.scatter [tilespmem:s1], [sflag:$0x2], $0x80, v3, vm0, $0xb8;
	[tilespmem:$0x14000] =	vst v63  }
0x243: {  	_ = 	snop  }
0x244: {  	[hbm4b:s8+s3] =	stream.indirect_vreg.scatter [tilespmem:s28], [sflag:$0x2], $0x80, v3, vm0, $0xb8;
	[tilespmem:$0x14000] =	vst v63  }
0x245: {  	_ = 	snop  }
0x246: {  	[hbm4b:s9+s3] =	stream.indirect_vreg.scatter [tilespmem:s18], [sflag:$0x2], $0x80, v3, vm0, $0xb8;
	[tilespmem:$0x14000] =	vst v63  }
0x247: {  	_ = 	snop  }
0x248: {  	[hbm4b:s10+s3] =	stream.indirect_vreg.scatter [tilespmem:s29], [sflag:$0x2], $0x80, v3, vm0, $0xb8;
	[tilespmem:$0x14000] =	vst v63  }
0x249: {  	_ = 	snop  }
0x24a: {  	[hbm4b:s11+s3] =	stream.indirect_vreg.scatter [tilespmem:s5], [sflag:$0x2], $0x80, v3, vm0, $0xb8;
	[tilespmem:$0x14000] =	vst v63  }
0x24b: {  	_ = 	snop  }
0x24c: {  	[hbm4b:s12+s3] =	stream.indirect_vreg.scatter [tilespmem:s15], [sflag:$0x2], $0x80, v3, vm0, $0xb8;
	[tilespmem:$0x14000] =	vst v63  }
0x24d: {  	s20 =	simm.s32 $0x13000  }
0x24e: {  	[hbm4b:s13+s3] =	stream.indirect_vreg.scatter [tilespmem:s20], [sflag:$0x2], $0x80, v3, vm0, $0xb8;
	[tilespmem:$0x14000] =	vst v63  }
0x24f: {  	s22 =	simm.s32 $0x13800  }
0x250: {  	[hbm4b:s14+s3] =	stream.indirect_vreg.scatter [tilespmem:s22], [sflag:$0x2], $0x80, v3, vm0, $0xb8;
	[tilespmem:$0x14000] =	vst v63  }
0x251: {  	s0 =	simm.s32 $0x10;
	s19 =	sadd.s32 $0x1080, s17;
	s22 =	sadd.s32 $0x3080, s17  }
0x252: {  	[hbm4b:s2+s0] =	stream.indirect.scatter [tilespmem:s22], [sflag:$0x2], $0x1, s19, s0, $0xb8;
	[tilespmem:$0x14000] =	vst v63  }
0x253: {  	v3 =	vld [tilespmem:s17+$0x1480];
	_ =	sdelay $0x4  }
0x254: {  	v61 =	vshll.u32 v3, $0x4  }
0x255: {  	v3 =	vand.u32 $0x7, v3;
	v4 =	vand.u32 $0xFFFFFF80, v61  }
0x256: {  	v3 =	vor.u32 v3, v4  }
0x257: {  	v4 =	vperm.xlane v3, v0;
	_ =	sdelay $0x1  }
0x258: {  	v4 =	vadd.s32 v1, v4;
	_ =	sdelay $0x4  }
0x259: {  	[hbm4b:s4+s3] =	stream.indirect_vreg.scatter [tilespmem:s23], [sflag:$0x2], $0x80, v4, vm0, $0xb8;
	[tilespmem:$0x14000] =	vst v63  }
0x25a: {  	s22 =	simm.s32 $0xC800  }
0x25b: {  	[hbm4b:s8+s3] =	stream.indirect_vreg.scatter [tilespmem:s22], [sflag:$0x2], $0x80, v4, vm0, $0xb8;
	[tilespmem:$0x14000] =	vst v63  }
0x25c: {  	_ = 	snop  }
0x25d: {  	[hbm4b:s9+s3] =	stream.indirect_vreg.scatter [tilespmem:s30], [sflag:$0x2], $0x80, v4, vm0, $0xb8;
	[tilespmem:$0x14000] =	vst v63  }
0x25e: {  	_ = 	snop  }
0x25f: {  	[hbm4b:s10+s3] =	stream.indirect_vreg.scatter [tilespmem:s24], [sflag:$0x2], $0x80, v4, vm0, $0xb8;
	[tilespmem:$0x14000] =	vst v63  }
0x260: {  	_ = 	snop  }
0x261: {  	[hbm4b:s11+s3] =	stream.indirect_vreg.scatter [tilespmem:s31], [sflag:$0x2], $0x80, v4, vm0, $0xb8;
	[tilespmem:$0x14000] =	vst v63  }
0x262: {  	v3 =	vperm.xlane v3, v2  }
0x263: {  	[hbm4b:s12+s3] =	stream.indirect_vreg.scatter [tilespmem:s25], [sflag:$0x2], $0x80, v4, vm0, $0xb8;
	[tilespmem:$0x14000] =	vst v63  }
0x264: {  	v3 =	vadd.s32 v1, v3;
	s22 =	simm.s32 $0xF000  }
0x265: {  	[hbm4b:s13+s3] =	stream.indirect_vreg.scatter [tilespmem:s22], [sflag:$0x2], $0x80, v4, vm0, $0xb8;
	[tilespmem:$0x14000] =	vst v63  }
0x266: {  	_ = 	snop  }
0x267: {  	[hbm4b:s14+s3] =	stream.indirect_vreg.scatter [tilespmem:s26], [sflag:$0x2], $0x80, v4, vm0, $0xb8;
	[tilespmem:$0x14000] =	vst v63  }
0x268: {  	s1 =	simm.s32 $0x10000  }
0x269: {  	[hbm4b:s4+s3] =	stream.indirect_vreg.scatter [tilespmem:s1], [sflag:$0x2], $0x80, v3, vm0, $0xb8;
	[tilespmem:$0x14000] =	vst v63  }
0x26a: {  	_ = 	snop  }
0x26b: {  	[hbm4b:s8+s3] =	stream.indirect_vreg.scatter [tilespmem:s28], [sflag:$0x2], $0x80, v3, vm0, $0xb8;
	[tilespmem:$0x14000] =	vst v63  }
0x26c: {  	_ = 	snop  }
0x26d: {  	[hbm4b:s9+s3] =	stream.indirect_vreg.scatter [tilespmem:s18], [sflag:$0x2], $0x80, v3, vm0, $0xb8;
	[tilespmem:$0x14000] =	vst v63  }
0x26e: {  	_ = 	snop  }
0x26f: {  	[hbm4b:s10+s3] =	stream.indirect_vreg.scatter [tilespmem:s29], [sflag:$0x2], $0x80, v3, vm0, $0xb8;
	[tilespmem:$0x14000] =	vst v63  }
0x270: {  	_ = 	snop  }
0x271: {  	[hbm4b:s11+s3] =	stream.indirect_vreg.scatter [tilespmem:s5], [sflag:$0x2], $0x80, v3, vm0, $0xb8;
	[tilespmem:$0x14000] =	vst v63  }
0x272: {  	_ = 	snop  }
0x273: {  	[hbm4b:s12+s3] =	stream.indirect_vreg.scatter [tilespmem:s15], [sflag:$0x2], $0x80, v3, vm0, $0xb8;
	[tilespmem:$0x14000] =	vst v63  }
0x274: {  	s20 =	simm.s32 $0x13000  }
0x275: {  	[hbm4b:s13+s3] =	stream.indirect_vreg.scatter [tilespmem:s20], [sflag:$0x2], $0x80, v3, vm0, $0xb8;
	[tilespmem:$0x14000] =	vst v63  }
0x276: {  	s22 =	simm.s32 $0x13800  }
0x277: {  	[hbm4b:s14+s3] =	stream.indirect_vreg.scatter [tilespmem:s22], [sflag:$0x2], $0x80, v3, vm0, $0xb8;
	[tilespmem:$0x14000] =	vst v63  }
0x278: {  	s0 =	simm.s32 $0x10;
	s19 =	sadd.s32 $0x1480, s17;
	s22 =	sadd.s32 $0x3480, s17  }
0x279: {  	[hbm4b:s2+s0] =	stream.indirect.scatter [tilespmem:s22], [sflag:$0x2], $0x1, s19, s0, $0xb8;
	[tilespmem:$0x14000] =	vst v63  }
0x27a: {  	v3 =	vld [tilespmem:s17+$0x1880];
	_ =	sdelay $0x4  }
0x27b: {  	v62 =	vshll.u32 v3, $0x4  }
0x27c: {  	v3 =	vand.u32 $0x7, v3;
	v4 =	vand.u32 $0xFFFFFF80, v62  }
0x27d: {  	v3 =	vor.u32 v3, v4  }
0x27e: {  	v4 =	vperm.xlane v3, v0;
	_ =	sdelay $0x1  }
0x27f: {  	v4 =	vadd.s32 v1, v4;
	_ =	sdelay $0x4  }
0x280: {  	[hbm4b:s4+s3] =	stream.indirect_vreg.scatter [tilespmem:s23], [sflag:$0x2], $0x80, v4, vm0, $0xb8;
	[tilespmem:$0x14000] =	vst v63  }
0x281: {  	s22 =	simm.s32 $0xC800  }
0x282: {  	[hbm4b:s8+s3] =	stream.indirect_vreg.scatter [tilespmem:s22], [sflag:$0x2], $0x80, v4, vm0, $0xb8;
	[tilespmem:$0x14000] =	vst v63  }
0x283: {  	_ = 	snop  }
0x284: {  	[hbm4b:s9+s3] =	stream.indirect_vreg.scatter [tilespmem:s30], [sflag:$0x2], $0x80, v4, vm0, $0xb8;
	[tilespmem:$0x14000] =	vst v63  }
0x285: {  	_ = 	snop  }
0x286: {  	[hbm4b:s10+s3] =	stream.indirect_vreg.scatter [tilespmem:s24], [sflag:$0x2], $0x80, v4, vm0, $0xb8;
	[tilespmem:$0x14000] =	vst v63  }
0x287: {  	_ = 	snop  }
0x288: {  	[hbm4b:s11+s3] =	stream.indirect_vreg.scatter [tilespmem:s31], [sflag:$0x2], $0x80, v4, vm0, $0xb8;
	[tilespmem:$0x14000] =	vst v63  }
0x289: {  	v3 =	vperm.xlane v3, v2  }
0x28a: {  	[hbm4b:s12+s3] =	stream.indirect_vreg.scatter [tilespmem:s25], [sflag:$0x2], $0x80, v4, vm0, $0xb8;
	[tilespmem:$0x14000] =	vst v63  }
0x28b: {  	s0 =	simm.s32 $0xF000;
	v3 =	vadd.s32 v1, v3  }
0x28c: {  	[hbm4b:s13+s3] =	stream.indirect_vreg.scatter [tilespmem:s0], [sflag:$0x2], $0x80, v4, vm0, $0xb8;
	[tilespmem:$0x14000] =	vst v63  }
0x28d: {  	_ = 	snop  }
0x28e: {  	[hbm4b:s14+s3] =	stream.indirect_vreg.scatter [tilespmem:s26], [sflag:$0x2], $0x80, v4, vm0, $0xb8;
	[tilespmem:$0x14000] =	vst v63  }
0x28f: {  	s1 =	simm.s32 $0x10000  }
0x290: {  	[hbm4b:s4+s3] =	stream.indirect_vreg.scatter [tilespmem:s1], [sflag:$0x2], $0x80, v3, vm0, $0xb8;
	[tilespmem:$0x14000] =	vst v63  }
0x291: {  	_ = 	snop  }
0x292: {  	[hbm4b:s8+s3] =	stream.indirect_vreg.scatter [tilespmem:s28], [sflag:$0x2], $0x80, v3, vm0, $0xb8;
	[tilespmem:$0x14000] =	vst v63  }
0x293: {  	_ = 	snop  }
0x294: {  	[hbm4b:s9+s3] =	stream.indirect_vreg.scatter [tilespmem:s18], [sflag:$0x2], $0x80, v3, vm0, $0xb8;
	[tilespmem:$0x14000] =	vst v63  }
0x295: {  	_ = 	snop  }
0x296: {  	[hbm4b:s10+s3] =	stream.indirect_vreg.scatter [tilespmem:s29], [sflag:$0x2], $0x80, v3, vm0, $0xb8;
	[tilespmem:$0x14000] =	vst v63  }
0x297: {  	_ = 	snop  }
0x298: {  	[hbm4b:s11+s3] =	stream.indirect_vreg.scatter [tilespmem:s5], [sflag:$0x2], $0x80, v3, vm0, $0xb8;
	[tilespmem:$0x14000] =	vst v63  }
0x299: {  	_ = 	snop  }
0x29a: {  	[hbm4b:s12+s3] =	stream.indirect_vreg.scatter [tilespmem:s15], [sflag:$0x2], $0x80, v3, vm0, $0xb8;
	[tilespmem:$0x14000] =	vst v63  }
0x29b: {  	s20 =	simm.s32 $0x13000  }
0x29c: {  	[hbm4b:s13+s3] =	stream.indirect_vreg.scatter [tilespmem:s20], [sflag:$0x2], $0x80, v3, vm0, $0xb8;
	[tilespmem:$0x14000] =	vst v63  }
0x29d: {  	s22 =	simm.s32 $0x13800  }
0x29e: {  	[hbm4b:s14+s3] =	stream.indirect_vreg.scatter [tilespmem:s22], [sflag:$0x2], $0x80, v3, vm0, $0xb8;
	[tilespmem:$0x14000] =	vst v63  }
0x29f: {  	s19 =	sadd.s32 $0x1880, s17;
	s0 =	simm.s32 $0x10;
	s22 =	sadd.s32 $0x3880, s17  }
0x2a0: {  	[hbm4b:s2+s0] =	stream.indirect.scatter [tilespmem:s22], [sflag:$0x2], $0x1, s19, s0, $0xb8;
	[tilespmem:$0x14000] =	vst v63  }
0x2a1: {  	v3 =	vld [tilespmem:s17+$0x1C80];
	_ =	sdelay $0x4  }
0x2a2: {  	v63 =	vshll.u32 v3, $0x4  }
0x2a3: {  	v3 =	vand.u32 $0x7, v3;
	v4 =	vand.u32 $0xFFFFFF80, v63  }
0x2a4: {  	v3 =	vor.u32 v3, v4  }
0x2a5: {  	v4 =	vperm.xlane v3, v0;
	_ =	sdelay $0x1  }
0x2a6: {  	v4 =	vadd.s32 v1, v4;
	_ =	sdelay $0x4  }
0x2a7: {  	[hbm4b:s4+s3] =	stream.indirect_vreg.scatter [tilespmem:s23], [sflag:$0x2], $0x80, v4, vm0, $0xb8;
	[tilespmem:$0x14000] =	vst v63  }
0x2a8: {  	s19 =	simm.s32 $0xC800  }
0x2a9: {  	[hbm4b:s8+s3] =	stream.indirect_vreg.scatter [tilespmem:s19], [sflag:$0x2], $0x80, v4, vm0, $0xb8;
	[tilespmem:$0x14000] =	vst v63  }
0x2aa: {  	_ = 	snop  }
0x2ab: {  	[hbm4b:s9+s3] =	stream.indirect_vreg.scatter [tilespmem:s30], [sflag:$0x2], $0x80, v4, vm0, $0xb8;
	[tilespmem:$0x14000] =	vst v63  }
0x2ac: {  	_ = 	snop  }
0x2ad: {  	[hbm4b:s10+s3] =	stream.indirect_vreg.scatter [tilespmem:s24], [sflag:$0x2], $0x80, v4, vm0, $0xb8;
	[tilespmem:$0x14000] =	vst v63  }
0x2ae: {  	_ = 	snop  }
0x2af: {  	[hbm4b:s11+s3] =	stream.indirect_vreg.scatter [tilespmem:s31], [sflag:$0x2], $0x80, v4, vm0, $0xb8;
	[tilespmem:$0x14000] =	vst v63  }
0x2b0: {  	v3 =	vperm.xlane v3, v2  }
0x2b1: {  	[hbm4b:s12+s3] =	stream.indirect_vreg.scatter [tilespmem:s25], [sflag:$0x2], $0x80, v4, vm0, $0xb8;
	[tilespmem:$0x14000] =	vst v63  }
0x2b2: {  	v3 =	vadd.s32 v1, v3;
	s25 =	simm.s32 $0xF000  }
0x2b3: {  	[hbm4b:s13+s3] =	stream.indirect_vreg.scatter [tilespmem:s25], [sflag:$0x2], $0x80, v4, vm0, $0xb8;
	[tilespmem:$0x14000] =	vst v63  }
0x2b4: {  	_ = 	snop  }
0x2b5: {  	[hbm4b:s14+s3] =	stream.indirect_vreg.scatter [tilespmem:s26], [sflag:$0x2], $0x80, v4, vm0, $0xb8;
	[tilespmem:$0x14000] =	vst v63  }
0x2b6: {  	s1 =	simm.s32 $0x10000  }
0x2b7: {  	[hbm4b:s4+s3] =	stream.indirect_vreg.scatter [tilespmem:s1], [sflag:$0x2], $0x80, v3, vm0, $0xb8;
	[tilespmem:$0x14000] =	vst v63  }
0x2b8: {  	_ = 	snop  }
0x2b9: {  	[hbm4b:s8+s3] =	stream.indirect_vreg.scatter [tilespmem:s28], [sflag:$0x2], $0x80, v3, vm0, $0xb8;
	[tilespmem:$0x14000] =	vst v63  }
0x2ba: {  	_ = 	snop  }
0x2bb: {  	[hbm4b:s9+s3] =	stream.indirect_vreg.scatter [tilespmem:s18], [sflag:$0x2], $0x80, v3, vm0, $0xb8;
	[tilespmem:$0x14000] =	vst v63  }
0x2bc: {  	_ = 	snop  }
0x2bd: {  	[hbm4b:s10+s3] =	stream.indirect_vreg.scatter [tilespmem:s29], [sflag:$0x2], $0x80, v3, vm0, $0xb8;
	[tilespmem:$0x14000] =	vst v63  }
0x2be: {  	_ = 	snop  }
0x2bf: {  	[hbm4b:s11+s3] =	stream.indirect_vreg.scatter [tilespmem:s5], [sflag:$0x2], $0x80, v3, vm0, $0xb8;
	[tilespmem:$0x14000] =	vst v63  }
0x2c0: {  	_ = 	snop  }
0x2c1: {  	[hbm4b:s12+s3] =	stream.indirect_vreg.scatter [tilespmem:s15], [sflag:$0x2], $0x80, v3, vm0, $0xb8;
	[tilespmem:$0x14000] =	vst v63  }
0x2c2: {  	s20 =	simm.s32 $0x13000  }
0x2c3: {  	[hbm4b:s13+s3] =	stream.indirect_vreg.scatter [tilespmem:s20], [sflag:$0x2], $0x80, v3, vm0, $0xb8;
	[tilespmem:$0x14000] =	vst v63  }
0x2c4: {  	s30 =	simm.s32 $0x13800  }
0x2c5: {  	[hbm4b:s14+s3] =	stream.indirect_vreg.scatter [tilespmem:s30], [sflag:$0x2], $0x80, v3, vm0, $0xb8;
	[tilespmem:$0x14000] =	vst v63  }
0x2c6: {  	s0 =	simm.s32 $0x10;
	s31 =	sadd.s32 $0x1C80, s17;
	s17 =	sadd.s32 $0x3C80, s17  }
0x2c7: {  	[hbm4b:s2+s0] =	stream.indirect.scatter [tilespmem:s17], [sflag:$0x2], $0x1, s31, s0, $0xb8;
	[tilespmem:$0x14000] =	vst v63  }
0x2c8: {  	_ =	swait.ge [sflag:s16], $0x8000  }
0x2c9: {  	[sflag:s16] =	ssyncset.done $0x0  }
0x2ca: {  	[sflag:s16] =	ssyncadd.s32 $0xFFFF8000  }
0x2cb: {  	_ =	swait.ge [sflag:s16], $0x10  }
0x2cc: {  	[sflag:s16] =	ssyncset.done $0x0  }
0x2cd: {  	[sflag:s16] =	ssyncadd.s32 $0xFFFFFFF0  }
0x2ce: {  	_ =	swait.ge [sflag:s16], $0x8000  }
0x2cf: {  	[sflag:s16] =	ssyncset.done $0x0  }
0x2d0: {  	[sflag:s16] =	ssyncadd.s32 $0xFFFF8000  }
0x2d1: {  	_ =	swait.ge [sflag:s16], $0x10  }
0x2d2: {  	[sflag:s16] =	ssyncset.done $0x0  }
0x2d3: {  	[sflag:s16] =	ssyncadd.s32 $0xFFFFFFF0  }
0x2d4: {  	_ =	swait.ge [sflag:s16], $0x8000  }
0x2d5: {  	[sflag:s16] =	ssyncset.done $0x0  }
0x2d6: {  	[sflag:s16] =	ssyncadd.s32 $0xFFFF8000  }
0x2d7: {  	_ =	swait.ge [sflag:s16], $0x10  }
0x2d8: {  	[sflag:s16] =	ssyncset.done $0x0  }
0x2d9: {  	[sflag:s16] =	ssyncadd.s32 $0xFFFFFFF0  }
0x2da: {  	_ =	swait.ge [sflag:s16], $0x8000  }
0x2db: {  	[sflag:s16] =	ssyncset.done $0x0  }
0x2dc: {  	[sflag:s16] =	ssyncadd.s32 $0xFFFF8000  }
0x2dd: {  	_ =	swait.ge [sflag:s16], $0x10  }
0x2de: {  	[sflag:s16] =	ssyncset.done $0x0  }
0x2df: {  	[sflag:s16] =	ssyncadd.s32 $0xFFFFFFF0  }
0x2e0: {  	_ =	swait.ge [sflag:s16], $0x8000  }
0x2e1: {  	[sflag:s16] =	ssyncset.done $0x0  }
0x2e2: {  	[sflag:s16] =	ssyncadd.s32 $0xFFFF8000  }
0x2e3: {  	_ =	swait.ge [sflag:s16], $0x10  }
0x2e4: {  	[sflag:s16] =	ssyncset.done $0x0  }
0x2e5: {  	[sflag:s16] =	ssyncadd.s32 $0xFFFFFFF0  }
0x2e6: {  	_ =	swait.ge [sflag:s16], $0x8000  }
0x2e7: {  	[sflag:s16] =	ssyncset.done $0x0  }
0x2e8: {  	[sflag:s16] =	ssyncadd.s32 $0xFFFF8000  }
0x2e9: {  	_ =	swait.ge [sflag:s16], $0x10  }
0x2ea: {  	[sflag:s16] =	ssyncset.done $0x0  }
0x2eb: {  	[sflag:s16] =	ssyncadd.s32 $0xFFFFFFF0  }
0x2ec: {  	_ =	swait.ge [sflag:s16], $0x8000  }
0x2ed: {  	[sflag:s16] =	ssyncset.done $0x0  }
0x2ee: {  	[sflag:s16] =	ssyncadd.s32 $0xFFFF8000  }
0x2ef: {  	_ =	swait.ge [sflag:s16], $0x10  }
0x2f0: {  	[sflag:s16] =	ssyncset.done $0x0  }
0x2f1: {  	s6 =	sadd.s32 $0x400, s6;
	[sflag:s16] =	ssyncadd.s32 $0xFFFFFFF0  }
0x2f2: {  	p0 =	sne.s32 s6, $0x1000;
	_ =	swait.ge [sflag:s16], $0x8000  }
.Ltmp0:
0x2f3: {  	[sflag:s16] =	ssyncset.done $0x0;
	(pc) =	sbr.rel @p0 .LBB2_2-.Ltmp0, $4  }
0x2f4: {  	[sflag:s16] =	ssyncadd.s32 $0xFFFF8000  }
0x2f5: {  	_ =	swait.ge [sflag:s16], $0x10  }
0x2f6: {  	s7 =	sadd.s32 $0x2000, s7;
	[sflag:s16] =	ssyncset.done $0x0  }
0x2f7: {  	s22 =	simm.s32 $0x7800;
	s19 =	simm.s32 $0x4000;
	[sflag:s16] =	ssyncadd.s32 $0xFFFFFFF0  }
0x2f8: {  	s7 =	rddreg [dreg:$0x9]  }
0x2f9: {  	s6 =	rddreg [dreg:$0x7];
	s7 =	sadd.s32 $0x1, s7  }
0x2fa: {  	p0 =	sne.s32 s7, s6  }
.Ltmp1:
0x2fb: {  	_ = 	snop;
	(pc) =	sbr.rel @p0 .LBB2_1-.Ltmp1, $1  }
0x2fc: {  	_ =	sdelay $0x3  }
0x2fd: {  	_ =	sfence.sel $0x180000  }
0x2fe: {  	[bflag:$0x0] =	sbarrier.arrive $0xFFFF  }
0x2ff: {  	_ =	strace $0x90000047  }
0x300: {  	s0 =	stileid.u32;
	[bflag:$0x2] =	sbarrier.arrive $0xFFFF  }
0x301: {  	p0 =	sne.s32 s0, $0x0;
	s0 =	rddreg [dreg:$0x3]  }
0x302: {  	s0 =	sadd.s32 @!p0 $0x100000, s0  }
0x303: {  	[sflag:s0] =	ssyncadd.tile.s32 @!p0 $0x1;
	_ =	shalt  }
.Lfunc_end2:
_tile_overlayer_lowered:
.L_overlay_start_2:
0x304: {  	(tag) =	ssettag $0x2  }
0x305: {  	s0 =	rddreg [dreg:$0x0];
	s2 =	stileid.u32  }
0x306: {  	s1 =	rddreg [dreg:$0x1];
	p0 =	sne.s32 s2, $0x0  }
0x307: {  	s3 =	rddreg [dreg:$0x2];
	[bflag:$0x3] =	sbarrier.arrive $0xFFFF;
	s2 =	simm.s32 @!p0 $0x1C03  }
0x308: {  	[timem:s3], [sflag:s2] =	dma.local @!p0 [hbm:s0], s1  }
0x309: {  	s0 =	simm.s32 @!p0 $0x3  }
0x30a: {  	_ =	swait.ge @!p0 [sflag:s0], s1  }
0x30b: {  	s1 =	ssub.s32 @!p0 $0x0, s1;
	[sflag:s0] =	ssyncset.done @!p0 $0x0  }
0x30c: {  	[sflag:s0] =	ssyncadd.s32 @!p0 s1  }
0x30d: {  	[bflag:$0x3] =	sbarrier.arrive $0xFFFF  }
0x30e: {  	_ =	shalt  }

// kernel: kernel.8.cloned.1.call-start
scs
__scs_entry_jumppad:
0x0: {  	(pc) =	sbr.rel $0x88, $3  }
0x1: {  	(tag) =	ssettag $0x0;
	lr =	simm.s32 $0x1  }
0x2: {  	[smem:$0x3F9B] =	sst lr;
	_ =	strace $0xD0000000  }
0x3: {  	_ = 	snop  }
0x4: {  	_ = 	snop  }
0x5: {  	_ = 	snop  }
0x6: {  	_ = 	snop  }
0x7: {  	_ = 	snop  }
__scs_overlays_trampoline_lowered:
0x8: {  	[smem:$0x3FAA] =	sst s0  }
0x9: {  	[smem:$0x3FAB] =	sst s1  }
0xa: {  	[smem:$0x3FAC] =	sst s2  }
0xb: {  	[smem:$0x3FAD] =	sst s3  }
0xc: {  	[smem:$0x3FAE] =	sst s4  }
0xd: {  	[smem:$0x3FAF] =	sst s5  }
0xe: {  	[smem:$0x3FB0] =	sst s6  }
0xf: {  	[smem:$0x3FB1] =	sst s7  }
0x10: {  	[smem:$0x3FB2] =	sst s8  }
0x11: {  	[smem:$0x3FB3] =	sst s9;
	s0 =	simm.s32 @!p0 $0x0  }
0x12: {  	s1 =	sld [smem:$0x3F99];
	s0 =	simm.s32 @p0 $0x1  }
0x13: {  	[smem:$0x3FB4] =	sst s0;
	s0 =	simm.s32 @!p1 $0x0  }
0x14: {  	s2 =	sld [smem:$0x3F98];
	s0 =	simm.s32 @p1 $0x1  }
0x15: {  	[smem:$0x3FB5] =	sst s0;
	s0 =	simm.s32 @!p2 $0x0  }
0x16: {  	s3 =	sld [smem:$0x3FDB];
	s0 =	simm.s32 @p2 $0x1  }
0x17: {  	s4 =	simm.s32 $0x1BF5;
	[smem:$0x3FB7] =	sst s0  }
0x18: {  	s0 =	sld [smem:$0x3F9A];
	_ =	swait.ge [sflag:s4], $0x0  }
0x19: {  	s7 =	sld [smem:$0x3F9B]  }
0x1a: {  	s8 =	sadd.s32 $0xFFFFE003, lr  }
0x1b: {  	s9 =	sadd.s32 $0xFFFFFEF7, lr;
	s5 =	simm.s32 $0xFFFFFFFF;
	p2 =	slt.u32 s8, $0xFFFFF086  }
0x1c: {  	p1 =	slt.u32 s9, $0xF7A;
	s5 =	simm.s32 @!p2 $0x0  }
0x1d: {  	s5 =	simm.s32 @p1 $0x1;
	p0 =	seq.s32 s7, s2  }
0x1e: {  	s7 =	smul.u32 @!p0 $0xF7A, s2;
	p2 =	seq.s32 @!p0 s5, $0x0  }
0x1f: {  	s9 =	smul.u32 $0xF7A, s1;
	s8 =	simm.s32 @!p0 $0x1BF5;
	p2 =	por !p2, p0  }
0x20: {  	[sflag:s8] =	ssyncset.s32 @!p0 $0xFFFFF086;
	s6 =	sadd.s32 @!p0 s3, s7;
	s7 =	simm.s32 @!p0 $0x108  }
0x21: {  	s3 =	sadd.s32 s3, s9;
	s6 =	sadd.s32 @!p0 $0x88, s6;
	s7 =	simm.s32 @p2 $0x1082  }
0x22: {  	[simem:s7], [sflag:s8] =	dma.local @!p0 [hbm:s6], $0xF7A  }
0x23: {  	s9 =	sor.u32 $0xD0000000, s2;
	s6 =	simm.s32 $0x108;
	_ =	swait.ge @!p0 [sflag:s8], $0x0  }
0x24: {  	s3 =	sadd.s32 $0x88, s3;
	s6 =	simm.s32 @!p1 $0x1082;
	[sflag:s4] =	ssyncset.s32 $0xFFFFF086  }
0x25: {  	[simem:s6], [sflag:s4] =	dma.local [hbm:s3], $0xF7A  }
0x26: {  	[smem:$0x3F9B] =	sst s1;
	(tag) =	ssettag s2;
	_ =	strace s9  }
0x27: {  	s1 =	sld [smem:$0x3FAB]  }
0x28: {  	s2 =	sld [smem:$0x3FAC]  }
0x29: {  	s4 =	sld [smem:$0x3FAE]  }
0x2a: {  	p0 =	seq.s32 s5, $0x0;
	s5 =	sld [smem:$0x3FAF]  }
0x2b: {  	s6 =	sld [smem:$0x3FB0]  }
0x2c: {  	s7 =	sld [smem:$0x3FB1]  }
0x2d: {  	s3 =	simm.s32 $0x108;
	s8 =	sld [smem:$0x3FB2]  }
0x2e: {  	s3 =	simm.s32 @!p0 $0x1082;
	s9 =	sld [smem:$0x3FB3]  }
0x2f: {  	lr =	sadd.s32 s0, s3;
	s0 =	sld [smem:$0x3FAA]  }
0x30: {  	s3 =	sld [smem:$0x3FAD]  }
0x31: {  	[smem:$0x3FB6] =	sst s10  }
0x32: {  	s10 =	sld [smem:$0x3FB4];
	_ =	sdelay $0x3  }
0x33: {  	p0 =	seq.s32 s10, $0x1;
	s10 =	sld [smem:$0x3FB6];
	_ =	sdelay $0x3  }
0x34: {  	[smem:$0x3FB6] =	sst s10  }
0x35: {  	s10 =	sld [smem:$0x3FB5];
	_ =	sdelay $0x3  }
0x36: {  	p1 =	seq.s32 s10, $0x1;
	s10 =	sld [smem:$0x3FB6];
	_ =	sdelay $0x3  }
0x37: {  	[smem:$0x3FB6] =	sst s10  }
0x38: {  	s10 =	sld [smem:$0x3FB7]  }
0x39: {  	_ = 	snop;
	(pc) =	sbr.ind lr, $3  }
0x3a: {  	_ = 	snop  }
0x3b: {  	_ = 	snop  }
0x3c: {  	p2 =	seq.s32 s10, $0x1;
	s10 =	sld [smem:$0x3FB6]  }
0x3d: {  	_ =	shalt  }
0x3e: {  	_ =	shalt  }
0x3f: {  	_ =	shalt  }
0x40: {  	_ =	shalt  }
0x41: {  	_ =	shalt  }
0x42: {  	_ =	shalt  }
0x43: {  	_ =	shalt  }
0x44: {  	_ =	shalt  }
0x45: {  	_ =	shalt  }
0x46: {  	_ =	shalt  }
0x47: {  	_ =	shalt  }
0x48: {  	_ =	shalt  }
0x49: {  	_ =	shalt  }
0x4a: {  	_ =	shalt  }
0x4b: {  	_ =	shalt  }
0x4c: {  	_ =	shalt  }
0x4d: {  	_ =	shalt  }
0x4e: {  	_ =	shalt  }
0x4f: {  	_ =	shalt  }
0x50: {  	_ =	shalt  }
0x51: {  	_ =	shalt  }
0x52: {  	_ =	shalt  }
0x53: {  	_ =	shalt  }
0x54: {  	_ =	shalt  }
0x55: {  	_ =	shalt  }
0x56: {  	_ =	shalt  }
0x57: {  	_ =	shalt  }
0x58: {  	_ =	shalt  }
0x59: {  	_ =	shalt  }
0x5a: {  	_ =	shalt  }
0x5b: {  	_ =	shalt  }
0x5c: {  	_ =	shalt  }
0x5d: {  	_ =	shalt  }
0x5e: {  	_ =	shalt  }
0x5f: {  	_ =	shalt  }
0x60: {  	_ =	shalt  }
0x61: {  	_ =	shalt  }
0x62: {  	_ =	shalt  }
0x63: {  	_ =	shalt  }
0x64: {  	_ =	shalt  }
0x65: {  	_ =	shalt  }
0x66: {  	_ =	shalt  }
0x67: {  	_ =	shalt  }
0x68: {  	_ =	shalt  }
0x69: {  	_ =	shalt  }
0x6a: {  	_ =	shalt  }
0x6b: {  	_ =	shalt  }
0x6c: {  	_ =	shalt  }
0x6d: {  	_ =	shalt  }
0x6e: {  	_ =	shalt  }
0x6f: {  	_ =	shalt  }
0x70: {  	_ =	shalt  }
0x71: {  	_ =	shalt  }
0x72: {  	_ =	shalt  }
0x73: {  	_ =	shalt  }
0x74: {  	_ =	shalt  }
0x75: {  	_ =	shalt  }
0x76: {  	_ =	shalt  }
0x77: {  	_ =	shalt  }
0x78: {  	_ =	shalt  }
0x79: {  	_ =	shalt  }
0x7a: {  	_ =	shalt  }
0x7b: {  	_ =	shalt  }
0x7c: {  	_ =	shalt  }
0x7d: {  	_ =	shalt  }
0x7e: {  	_ =	shalt  }
0x7f: {  	_ =	shalt  }
0x80: {  	_ =	shalt  }
0x81: {  	_ =	shalt  }
0x82: {  	_ =	shalt  }
0x83: {  	_ =	shalt  }
0x84: {  	_ =	shalt  }
0x85: {  	_ =	shalt  }
0x86: {  	_ =	shalt  }
0x87: {  	_ =	shalt  }
.Lfunc_end0:
.L_simem_size_0:
called_computation.1_lowered:
.L_overlay_start_0:
0x88: {  	s2 =	sld [smem:$0x3FD9]  }
0x89: {  	s3 =	sld [smem:$0x3FFE];
	_ =	sdelay $0x1  }
0x8a: {  	s1 =	srdreg.scid  }
0x8b: {  	s0 =	sand.u32 $0x1, s1  }
0x8c: {  	s17 =	sshll.u32 s0, $0xA;
	s2 =	sadd.s32 s3, s2  }
0x8d: {  	s2 =	sadd.s32 s2, s17  }
0x8e: {  	[smem:$0x3FC2] =	sst s2  }
0x8f: {  	_ = 	snop  }
0x90: {  	s2 =	sld [smem:$0x3FD0];
	(tm) =	ssettm $0x1  }
0x91: {  	s18 =	sld [smem:$0x3FFB];
	_ =	sdelay $0x3  }
0x92: {  	_ =	strace s18  }
0x93: {  	s3 =	sld [smem:$0x3FFC];
	_ =	sdelay $0x3  }
0x94: {  	_ =	strace s3  }
0x95: {  	s3 =	sld [smem:$0x3FFD];
	_ =	sdelay $0x3  }
0x96: {  	_ =	strace s3  }
0x97: {  	_ =	strace $0x8FFFFFFF  }
0x98: {  	s19 =	sld [smem:$0x3FDB];
	_ =	sdelay $0x1  }
0x99: {  	s4 =	simm.s32 $_scs_section_size  }
0x9a: {  	s5 =	simm.s32 $_size__tile_overlayer_lowered;
	s6 =	simm.s32 $_tile_overlayer_lowered  }
0x9b: {  	s22 =	simm.s32 $0x1BFF;
	s21 =	sshll.u32 s6, $0x1;
	s3 =	sadd.s32 s4, s19  }
0x9c: {  	s7 =	simm.s32 $0x0;
	s20 =	sshll.u32 s5, $0x1;
	s5 =	sadd.s32 s21, s3  }
0x9d: {  	[timem:s7], [sflag:s22] =	dma.local [hbm:s5], s20  }
0x9e: {  	_ =	swait.ge [sflag:s22], s20  }
0x9f: {  	s4 =	ssub.s32 $0x0, s20;
	[sflag:s22] =	ssyncset.done $0x0  }
0xa0: {  	[sflag:s22] =	ssyncadd.s32 s4;
	_ =	sdelay $0x1  }
0xa1: {  	s23 =	simm.s32 $0x1B8B  }
0xa2: {  	_ =	swait.ge [sflag:s23], $0x1  }
0xa3: {  	[sflag:s23] =	ssyncset.done $0x0  }
0xa4: {  	s25 =	simm.s32 $0x1B8E;
	s24 =	sld [smem:$0x3FFE];
	[sflag:s23] =	ssyncadd.s32 $0xFFFFFFFF  }
0xa5: {  	s26 =	simm.s32 $execute0_lowered;
	[smem:$0x3FD2] =	sst s25  }
0xa6: {  	s5 =	sshll.u32 s26, $0x1;
	_ =	strace $0x80000049;
	[dreg:$0x1] =	wrdreg $0xFFFFFFFF  }
0xa7: {  	s28 =	simm.s32 $_size_execute0_lowered;
	s3 =	sadd.s32 s3, s5;
	[dreg:$0x0] =	wrdreg $0x0  }
0xa8: {  	s5 =	sshll.u32 s28, $0x1;
	[dreg:$0x2] =	wrdreg s3  }
0xa9: {  	[dreg:$0x3] =	wrdreg s5  }
0xaa: {  	[dreg:$0x4] =	wrdreg $0xC0  }
0xab: {  	_ =	task [dreg:s7], $0x5FFFF  }
0xac: {  	[dreg:$0x1] =	wrdreg $0xFFFFFFFF  }
0xad: {  	[dreg:$0x0] =	wrdreg $0x60  }
0xae: {  	[dreg:$0x2] =	wrdreg s24  }
0xaf: {  	[dreg:$0x3] =	wrdreg s2  }
0xb0: {  	[dreg:$0x4] =	wrdreg $0x9  }
0xb1: {  	_ =	task.clear_ibuf [dreg:s7], $0x5FFFF;
	_ =	strace $0x90000049  }
0xb2: {  	s29 =	simm.s32 $0x9;
	_ =	strace $0x8000004B  }
0xb3: {  	_ =	swait.ge [sflag:s29], $0x1  }
0xb4: {  	[sflag:s29] =	ssyncadd.s32 $0xFFFFFFFF  }
0xb5: {  	_ =	strace $0x9000004B  }
0xb6: {  	_ =	sfence  }
0xb7: {  	s30 =	sld [smem:$0x0];
	_ =	sdelay $0x2  }
0xb8: {  	s31 =	sshll.u32 s1, $0xD;
	s1 =	sshrl.u32 s1, $0x2  }
0xb9: {  	s3 =	sand.u32 $0x4000, s31;
	s1 =	sadd.s32 s1, s30  }
0xba: {  	s0 =	sor.u32 s3, s0;
	s1 =	sshll.u32 s1, $0x11  }
0xbb: {  	s0 =	sor.u32 s1, s0  }
0xbc: {  	s0 =	sadd.s32 $0x8F2B, s0  }
0xbd: {  	[sflag:s0] =	ssyncadd.remote.s32 $0x1  }
0xbe: {  	_ =	sfence.sel $0xFFFF  }
0xbf: {  	[dreg:$0x0] =	wrdreg $0xFFFFFFFF;
	(pc) =	sbr.abs _section_cstart, $3  }
0xc0: {  	[dreg:$0x1] =	wrdreg $0xFFFFFFFF  }
0xc1: {  	_ =	task.clear_ibuf [dreg:s7], $0x2FFFF;
	_ =	strace $0x9FFFFFFF  }
0xc2: {  	(tm) =	ssettm $0x7FFFFFFF  }
0xc3: {  	_ =	shalt  }
tec
execute0_lowered:
.L_overlay_start_1:
0x0: {  	(tag) =	ssettag $0x1  }
0x1: {  	s0 =	rddreg [dreg:$0x0]  }
0x2: {  	s1 =	srdreg.scid;
	s3 =	stileid.u32  }
0x3: {  	s2 =	rddreg [dreg:$0x1];
	s4 =	simm.s32 $0x0;
	s15 =	simm.s32 $0x3  }
0x4: {  	s16 =	simm.s32 $0x400;
	s29 =	simm.s32 $0xE400;
	s30 =	simm.s32 $0xEC00  }
0x5: {  	s31 =	simm.s32 $0xF400;
	s14 =	simm.s32 $0x100;
	[smem:$0x7FF] =	sst s4  }
0x6: {  	s18 =	simm.s32 $0x0;
	s4 =	sadd.s32 $0xC10A00, s0;
	s6 =	sadd.s32 $0xC10B00, s0  }
0x7: {  	s1 =	sand.u32 $0x1, s1;
	s7 =	sadd.s32 $0xC10C00, s0;
	s8 =	sadd.s32 $0xC10D00, s0  }
0x8: {  	s3 =	sshll.u32 s3, $0x1;
	s9 =	sadd.s32 $0xC10E00, s0;
	s10 =	sadd.s32 $0xC10F00, s0  }
0x9: {  	s12 =	sadd.s32 $0xC11000, s0;
	s13 =	sadd.s32 $0xC11100, s0;
	s3 =	sor.u32 s1, s3  }
0xa: {  	_ =	strace $0x8000004A;
	s1 =	ssub.s32 $0x2, s1;
	s5 =	sshll.u32 s3, $0x7  }
0xb: {  	s25 =	sshrl.u32 s1, $0x1;
	s11 =	sadd.s32 s5, s0;
	s5 =	sshll.u32 s3, $0xF  }
0xc: {  	v2 =	vlaneseq.u32;
	s1 =	ssub.s32 s1, s25;
	s3 =	simm.s32 $0x10400;
	s26 =	sadd.s32 $0xFA00, s11  }
0xd: {  	vm0 =	vmmov $0xffff;
	v1 =	vshrl.u32 v2, $0x3;
	s0 =	simm.s32 $0x2;
	s28 =	smax.u32 s1, $0x1;
	[dreg:$0x3] =	wrdreg s26  }
0xe: {  	v0 =	vand.u32 $0x7, v2;
	v2 =	vor.u32 $0x8, v2;
	v1 =	vmul.u32 $0x8, v1;
	s1 =	simm.s32 $0xFC00;
	s11 =	simm.s32 $0x1;
	[dreg:$0x4] =	wrdreg s28  }
.LBB2_1:
0xf: {  	[dreg:$0x5] =	wrdreg s18  }
0x10: {  	s17 =	simm.s32 $0x0;
	s21 =	rddreg [dreg:$0x3]  }
0x11: {  	[tilespmem:s17], [sflag:$0x3] =	stream.linear.gather [hbm4b:s21+s17], $0x400, $0x38;
	[tilespmem:$0x11400] =	vst v63  }
0x12: {  	_ =	swait.ge [sflag:s15], $0x400  }
0x13: {  	[sflag:s15] =	ssyncset.done $0x0  }
0x14: {  	[sflag:s15] =	ssyncadd.s32 $0xFFFFFC00  }
0x15: {  	v3 =	vld [tilespmem:$0x0];
	_ =	sdelay $0x4  }
0x16: {  	v4 =	vshll.u32 v3, $0x4  }
0x17: {  	v3 =	vand.u32 $0x7, v3;
	v4 =	vand.u32 $0xFFFFFF80, v4  }
0x18: {  	v3 =	vor.u32 v3, v4  }
0x19: {  	v4 =	vperm.xlane v3, v0;
	_ =	sdelay $0x1  }
0x1a: {  	v4 =	vadd.s32 v1, v4;
	_ =	sdelay $0x4  }
0x1b: {  	[tilespmem:s16], [sflag:$0x1] =	stream.indirect_vreg.gather [hbm4b:s4+s17], $0x80, v4, vm0, $0xb8;
	[tilespmem:$0x11400] =	vst v63  }
0x1c: {  	s22 =	simm.s32 $0xC00  }
0x1d: {  	[tilespmem:s22], [sflag:$0x1] =	stream.indirect_vreg.gather [hbm4b:s6+s17], $0x80, v4, vm0, $0xb8;
	[tilespmem:$0x11400] =	vst v63  }
0x1e: {  	s23 =	simm.s32 $0x1400  }
0x1f: {  	[tilespmem:s23], [sflag:$0x1] =	stream.indirect_vreg.gather [hbm4b:s7+s17], $0x80, v4, vm0, $0xb8;
	[tilespmem:$0x11400] =	vst v63  }
0x20: {  	s24 =	simm.s32 $0x1C00  }
0x21: {  	[tilespmem:s24], [sflag:$0x1] =	stream.indirect_vreg.gather [hbm4b:s8+s17], $0x80, v4, vm0, $0xb8;
	[tilespmem:$0x11400] =	vst v63  }
0x22: {  	s25 =	simm.s32 $0x2400  }
0x23: {  	[tilespmem:s25], [sflag:$0x1] =	stream.indirect_vreg.gather [hbm4b:s9+s17], $0x80, v4, vm0, $0xb8;
	[tilespmem:$0x11400] =	vst v63  }
0x24: {  	s26 =	simm.s32 $0x2C00;
	v3 =	vperm.xlane v3, v2  }
0x25: {  	[tilespmem:s26], [sflag:$0x1] =	stream.indirect_vreg.gather [hbm4b:s10+s17], $0x80, v4, vm0, $0xb8;
	[tilespmem:$0x11400] =	vst v63  }
0x26: {  	s28 =	simm.s32 $0x3400;
	v3 =	vadd.s32 v1, v3  }
0x27: {  	[tilespmem:s28], [sflag:$0x1] =	stream.indirect_vreg.gather [hbm4b:s12+s17], $0x80, v4, vm0, $0xb8;
	[tilespmem:$0x11400] =	vst v63  }
0x28: {  	s19 =	simm.s32 $0x3C00  }
0x29: {  	[tilespmem:s19], [sflag:$0x1] =	stream.indirect_vreg.gather [hbm4b:s13+s17], $0x80, v4, vm0, $0xb8;
	[tilespmem:$0x11400] =	vst v63  }
0x2a: {  	s20 =	simm.s32 $0x4400  }
0x2b: {  	[tilespmem:s20], [sflag:$0x1] =	stream.indirect_vreg.gather [hbm4b:s4+s17], $0x80, v3, vm0, $0xb8;
	[tilespmem:$0x11400] =	vst v63  }
0x2c: {  	s21 =	simm.s32 $0x4C00  }
0x2d: {  	[tilespmem:s21], [sflag:$0x1] =	stream.indirect_vreg.gather [hbm4b:s6+s17], $0x80, v3, vm0, $0xb8;
	[tilespmem:$0x11400] =	vst v63  }
0x2e: {  	s22 =	simm.s32 $0x5400  }
0x2f: {  	[tilespmem:s22], [sflag:$0x1] =	stream.indirect_vreg.gather [hbm4b:s7+s17], $0x80, v3, vm0, $0xb8;
	[tilespmem:$0x11400] =	vst v63  }
0x30: {  	s23 =	simm.s32 $0x5C00  }
0x31: {  	[tilespmem:s23], [sflag:$0x1] =	stream.indirect_vreg.gather [hbm4b:s8+s17], $0x80, v3, vm0, $0xb8;
	[tilespmem:$0x11400] =	vst v63  }
0x32: {  	s24 =	simm.s32 $0x6400  }
0x33: {  	[tilespmem:s24], [sflag:$0x1] =	stream.indirect_vreg.gather [hbm4b:s9+s17], $0x80, v3, vm0, $0xb8;
	[tilespmem:$0x11400] =	vst v63  }
0x34: {  	s25 =	simm.s32 $0x6C00  }
0x35: {  	[tilespmem:s25], [sflag:$0x1] =	stream.indirect_vreg.gather [hbm4b:s10+s17], $0x80, v3, vm0, $0xb8;
	[tilespmem:$0x11400] =	vst v63  }
0x36: {  	s26 =	simm.s32 $0x7400  }
0x37: {  	[tilespmem:s26], [sflag:$0x1] =	stream.indirect_vreg.gather [hbm4b:s12+s17], $0x80, v3, vm0, $0xb8;
	[tilespmem:$0x11400] =	vst v63  }
0x38: {  	s28 =	simm.s32 $0x7C00  }
0x39: {  	[tilespmem:s28], [sflag:$0x1] =	stream.indirect_vreg.gather [hbm4b:s13+s17], $0x80, v3, vm0, $0xb8;
	[tilespmem:$0x11400] =	vst v63  }
0x3a: {  	s17 =	simm.s32 $0x0  }
.LBB2_2:
0x3b: {  	s18 =	sshllo.u32 s17, $0x1  }
0x3c: {  	s19 =	sshll.u32 s18, $0x4  }
0x3d: {  	s19 =	sand.u32 $0x3FFFFFF0, s19  }
0x3e: {  	v3 =	vld [tilespmem:s19+$0x0];
	_ =	sdelay $0x4  }
0x3f: {  	v4 =	vshll.u32 v3, $0x4  }
0x40: {  	v3 =	vand.u32 $0x7, v3;
	v4 =	vand.u32 $0xFFFFFF80, v4  }
0x41: {  	v3 =	vor.u32 v3, v4  }
0x42: {  	v4 =	vperm.xlane v3, v0;
	_ =	sdelay $0x1  }
0x43: {  	v4 =	vadd.s32 v1, v4;
	_ =	sdelay $0x3  }
0x44: {  	s20 =	simm.s32 $0x8400;
	s19 =	simm.s32 $0x0  }
0x45: {  	[tilespmem:s20], [sflag:$0x2] =	stream.indirect_vreg.gather [hbm4b:s4+s19], $0x80, v4, vm0, $0xb8;
	[tilespmem:$0x11400] =	vst v63  }
0x46: {  	s22 =	simm.s32 $0x8C00  }
0x47: {  	[tilespmem:s22], [sflag:$0x2] =	stream.indirect_vreg.gather [hbm4b:s6+s19], $0x80, v4, vm0, $0xb8;
	[tilespmem:$0x11400] =	vst v63  }
0x48: {  	s23 =	simm.s32 $0x9400  }
0x49: {  	[tilespmem:s23], [sflag:$0x2] =	stream.indirect_vreg.gather [hbm4b:s7+s19], $0x80, v4, vm0, $0xb8;
	[tilespmem:$0x11400] =	vst v63  }
0x4a: {  	s24 =	simm.s32 $0x9C00  }
0x4b: {  	[tilespmem:s24], [sflag:$0x2] =	stream.indirect_vreg.gather [hbm4b:s8+s19], $0x80, v4, vm0, $0xb8;
	[tilespmem:$0x11400] =	vst v63  }
0x4c: {  	s25 =	simm.s32 $0xA400  }
0x4d: {  	[tilespmem:s25], [sflag:$0x2] =	stream.indirect_vreg.gather [hbm4b:s9+s19], $0x80, v4, vm0, $0xb8;
	[tilespmem:$0x11400] =	vst v63  }
0x4e: {  	s26 =	simm.s32 $0xAC00;
	v3 =	vperm.xlane v3, v2  }
0x4f: {  	[tilespmem:s26], [sflag:$0x2] =	stream.indirect_vreg.gather [hbm4b:s10+s19], $0x80, v4, vm0, $0xb8;
	[tilespmem:$0x11400] =	vst v63  }
0x50: {  	s28 =	simm.s32 $0xB400;
	v3 =	vadd.s32 v1, v3  }
0x51: {  	[tilespmem:s28], [sflag:$0x2] =	stream.indirect_vreg.gather [hbm4b:s12+s19], $0x80, v4, vm0, $0xb8;
	[tilespmem:$0x11400] =	vst v63  }
0x52: {  	s21 =	simm.s32 $0xBC00  }
0x53: {  	[tilespmem:s21], [sflag:$0x2] =	stream.indirect_vreg.gather [hbm4b:s13+s19], $0x80, v4, vm0, $0xb8;
	[tilespmem:$0x11400] =	vst v63  }
0x54: {  	s22 =	simm.s32 $0xC400  }
0x55: {  	[tilespmem:s22], [sflag:$0x2] =	stream.indirect_vreg.gather [hbm4b:s4+s19], $0x80, v3, vm0, $0xb8;
	[tilespmem:$0x11400] =	vst v63  }
0x56: {  	s23 =	simm.s32 $0xCC00  }
0x57: {  	[tilespmem:s23], [sflag:$0x2] =	stream.indirect_vreg.gather [hbm4b:s6+s19], $0x80, v3, vm0, $0xb8;
	[tilespmem:$0x11400] =	vst v63  }
0x58: {  	s24 =	simm.s32 $0xD400  }
0x59: {  	[tilespmem:s24], [sflag:$0x2] =	stream.indirect_vreg.gather [hbm4b:s7+s19], $0x80, v3, vm0, $0xb8;
	[tilespmem:$0x11400] =	vst v63  }
0x5a: {  	s25 =	simm.s32 $0xDC00  }
0x5b: {  	[tilespmem:s25], [sflag:$0x2] =	stream.indirect_vreg.gather [hbm4b:s8+s19], $0x80, v3, vm0, $0xb8;
	[tilespmem:$0x11400] =	vst v63  }
0x5c: {  	_ = 	snop  }
0x5d: {  	[tilespmem:s29], [sflag:$0x2] =	stream.indirect_vreg.gather [hbm4b:s9+s19], $0x80, v3, vm0, $0xb8;
	[tilespmem:$0x11400] =	vst v63  }
0x5e: {  	_ = 	snop  }
0x5f: {  	[tilespmem:s30], [sflag:$0x2] =	stream.indirect_vreg.gather [hbm4b:s10+s19], $0x80, v3, vm0, $0xb8;
	[tilespmem:$0x11400] =	vst v63  }
0x60: {  	_ = 	snop  }
0x61: {  	[tilespmem:s31], [sflag:$0x2] =	stream.indirect_vreg.gather [hbm4b:s12+s19], $0x80, v3, vm0, $0xb8;
	[tilespmem:$0x11400] =	vst v63  }
0x62: {  	_ = 	snop  }
0x63: {  	[tilespmem:s1], [sflag:$0x2] =	stream.indirect_vreg.gather [hbm4b:s13+s19], $0x80, v3, vm0, $0xb8;
	[tilespmem:$0x11400] =	vst v63  }
0x64: {  	s26 =	simm.s32 $0x0;
	_ =	swait.ge [sflag:s11], $0x8000  }
0x65: {  	s20 =	sand.u32 $0x3FFFFC00, s26;
	s21 =	sand.u32 $0x70, s19;
	[sflag:s11] =	ssyncset.done $0x0  }
0x66: {  	s23 =	sor.u32 s21, s20;
	[sflag:s11] =	ssyncadd.s32 $0xFFFF8000  }
0x67: {  	v3 =	vld [tilespmem:s23+$0x400]  }
0x68: {  	v4 =	vld [tilespmem:s23+$0x480];
	_ =	sdelay $0x1  }
0x69: {  	v5 =	vld [tilespmem:s23+$0x500];
	_ =	sdelay $0x1  }
0x6a: {  	v6 =	vld [tilespmem:s23+$0x580]  }
0x6b: {  	v3 =	vadd.f32 v4, v3  }
0x6c: {  	v4 =	vld [tilespmem:s23+$0x600]  }
0x6d: {  	v3 =	vadd.f32 v5, v3  }
0x6e: {  	v5 =	vld [tilespmem:s23+$0x680]  }
0x6f: {  	v3 =	vadd.f32 v6, v3  }
0x70: {  	v6 =	vld [tilespmem:s23+$0x700]  }
0x71: {  	v3 =	vadd.f32 v4, v3  }
0x72: {  	v4 =	vld [tilespmem:s23+$0x780]  }
0x73: {  	v3 =	vadd.f32 v5, v3;
	_ =	sdelay $0x1  }
0x74: {  	v3 =	vadd.f32 v6, v3  }
0x75: {  	s28 =	simm.s32 $0x0  }
0x76: {  	s20 =	sand.u32 $0x3FFFFF00, s28;
	v3 =	vadd.f32 v4, v3  }
0x77: {  	s22 =	sor.u32 s21, s20  }
0x78: {  	[tilespmem:s22+$0x10400] =	vst v3  }
0x79: {  	v3 =	vld [tilespmem:s23+$0x4400]  }
0x7a: {  	v4 =	vld [tilespmem:s23+$0x4480];
	_ =	sdelay $0x1  }
0x7b: {  	v5 =	vld [tilespmem:s23+$0x4500];
	_ =	sdelay $0x1  }
0x7c: {  	v6 =	vld [tilespmem:s23+$0x4580]  }
0x7d: {  	v3 =	vadd.f32 v4, v3  }
0x7e: {  	v4 =	vld [tilespmem:s23+$0x4600]  }
0x7f: {  	v3 =	vadd.f32 v5, v3  }
0x80: {  	v5 =	vld [tilespmem:s23+$0x4680]  }
0x81: {  	v3 =	vadd.f32 v6, v3  }
0x82: {  	v6 =	vld [tilespmem:s23+$0x4700]  }
0x83: {  	v3 =	vadd.f32 v4, v3;
	_ =	sdelay $0x1  }
0x84: {  	v4 =	vadd.f32 v5, v3;
	v3 =	vld [tilespmem:s23+$0x4780];
	_ =	sdelay $0x1  }
0x85: {  	s20 =	simm.s32 $0x1;
	s23 =	simm.s32 $0x2;
	v4 =	vadd.f32 v6, v4  }
.LBB2_3:
0x86: {  	s24 =	sshll.u32 s20, $0x7  }
0x87: {  	s19 =	sadd.s32 $0x10, s19;
	s25 =	smov.u32 s23;
	s21 =	sadd.s32 $0x1, s23  }
0x88: {  	s22 =	sadd.s32 $0x10400, s22;
	s26 =	sand.u32 $0x70, s19;
	s24 =	sand.u32 $0x3FFFFC00, s24;
	v3 =	vadd.f32 v3, v4  }
0x89: {  	p0 =	sne.s32 s23, $0x7F;
	s23 =	sor.u32 s26, s24  }
0x8a: {  	[tilespmem:s22+$0x80] =	vst v3  }
0x8b: {  	v3 =	vld [tilespmem:s23+$0x400]  }
0x8c: {  	v4 =	vld [tilespmem:s23+$0x480];
	_ =	sdelay $0x1  }
0x8d: {  	v5 =	vld [tilespmem:s23+$0x500];
	_ =	sdelay $0x1  }
0x8e: {  	v6 =	vld [tilespmem:s23+$0x580]  }
0x8f: {  	v3 =	vadd.f32 v4, v3  }
0x90: {  	v4 =	vld [tilespmem:s23+$0x600]  }
0x91: {  	v3 =	vadd.f32 v5, v3  }
0x92: {  	v5 =	vld [tilespmem:s23+$0x680]  }
0x93: {  	v3 =	vadd.f32 v6, v3  }
0x94: {  	v6 =	vld [tilespmem:s23+$0x700]  }
0x95: {  	v3 =	vadd.f32 v4, v3  }
0x96: {  	v4 =	vld [tilespmem:s23+$0x780]  }
0x97: {  	v3 =	vadd.f32 v5, v3;
	_ =	sdelay $0x1  }
0x98: {  	v3 =	vadd.f32 v6, v3  }
0x99: {  	s22 =	sshll.u32 s20, $0x5;
	s20 =	smov.u32 s25  }
0x9a: {  	s22 =	sand.u32 $0x3FFFFF00, s22;
	v3 =	vadd.f32 v4, v3  }
0x9b: {  	s22 =	sor.u32 s26, s22  }
0x9c: {  	[tilespmem:s22+$0x10400] =	vst v3  }
0x9d: {  	v3 =	vld [tilespmem:s23+$0x4400]  }
0x9e: {  	v4 =	vld [tilespmem:s23+$0x4480];
	_ =	sdelay $0x1  }
0x9f: {  	v5 =	vld [tilespmem:s23+$0x4500]  }
0xa0: {  	v6 =	vld [tilespmem:s23+$0x4580];
	_ =	sdelay $0x1  }
0xa1: {  	v3 =	vadd.f32 v4, v3;
	v4 =	vld [tilespmem:s23+$0x4600];
	_ =	sdelay $0x1  }
0xa2: {  	v3 =	vadd.f32 v5, v3;
	v5 =	vld [tilespmem:s23+$0x4680];
	_ =	sdelay $0x1  }
0xa3: {  	v3 =	vadd.f32 v6, v3;
	v6 =	vld [tilespmem:s23+$0x4700];
	_ =	sdelay $0x1  }
.Ltmp0:
0xa4: {  	v4 =	vadd.f32 v4, v3;
	v3 =	vld [tilespmem:s23+$0x4780];
	(pc) =	sbr.rel @p0 .LBB2_3-.Ltmp0, $3  }
0xa5: {  	_ = 	snop  }
0xa6: {  	v4 =	vadd.f32 v5, v4;
	_ =	sdelay $0x1  }
0xa7: {  	s23 =	smov.u32 s21;
	v4 =	vadd.f32 v6, v4  }
0xa8: {  	_ = 	snop  }
0xa9: {  	s21 =	sshll.u32 s20, $0x7;
	s19 =	sadd.s32 $0x10, s19;
	v3 =	vadd.f32 v3, v4  }
0xaa: {  	s22 =	sadd.s32 $0x10400, s22;
	s19 =	sand.u32 $0x70, s19;
	s21 =	sand.u32 $0x3FFFFC00, s21  }
0xab: {  	s21 =	sor.u32 s19, s21;
	[tilespmem:s22+$0x80] =	vst v3  }
0xac: {  	v3 =	vld [tilespmem:s21+$0x400]  }
0xad: {  	v4 =	vld [tilespmem:s21+$0x480];
	_ =	sdelay $0x1  }
0xae: {  	v5 =	vld [tilespmem:s21+$0x500];
	_ =	sdelay $0x1  }
0xaf: {  	v6 =	vld [tilespmem:s21+$0x580]  }
0xb0: {  	v3 =	vadd.f32 v4, v3  }
0xb1: {  	v4 =	vld [tilespmem:s21+$0x600]  }
0xb2: {  	v3 =	vadd.f32 v5, v3  }
0xb3: {  	v5 =	vld [tilespmem:s21+$0x680]  }
0xb4: {  	v3 =	vadd.f32 v6, v3  }
0xb5: {  	v6 =	vld [tilespmem:s21+$0x700]  }
0xb6: {  	v3 =	vadd.f32 v4, v3  }
0xb7: {  	v4 =	vld [tilespmem:s21+$0x780]  }
0xb8: {  	v3 =	vadd.f32 v5, v3;
	_ =	sdelay $0x1  }
0xb9: {  	v3 =	vadd.f32 v6, v3  }
0xba: {  	s28 =	sshll.u32 s20, $0x5  }
0xbb: {  	s20 =	sand.u32 $0x3FFFFF00, s28;
	v3 =	vadd.f32 v4, v3  }
0xbc: {  	s19 =	sor.u32 s19, s20  }
0xbd: {  	[tilespmem:s19+$0x10400] =	vst v3  }
0xbe: {  	v3 =	vld [tilespmem:s21+$0x4400]  }
0xbf: {  	v4 =	vld [tilespmem:s21+$0x4480];
	_ =	sdelay $0x1  }
0xc0: {  	v5 =	vld [tilespmem:s21+$0x4500];
	_ =	sdelay $0x1  }
0xc1: {  	v6 =	vld [tilespmem:s21+$0x4580]  }
0xc2: {  	v3 =	vadd.f32 v4, v3  }
0xc3: {  	v4 =	vld [tilespmem:s21+$0x4600]  }
0xc4: {  	v3 =	vadd.f32 v5, v3  }
0xc5: {  	v5 =	vld [tilespmem:s21+$0x4680]  }
0xc6: {  	v3 =	vadd.f32 v6, v3  }
0xc7: {  	v6 =	vld [tilespmem:s21+$0x4700]  }
0xc8: {  	v3 =	vadd.f32 v4, v3  }
0xc9: {  	v4 =	vld [tilespmem:s21+$0x4780]  }
0xca: {  	v3 =	vadd.f32 v5, v3;
	_ =	sdelay $0x1  }
0xcb: {  	v3 =	vadd.f32 v6, v3  }
0xcc: {  	s22 =	sshll.u32 s17, $0x6;
	s21 =	sshll.u32 s17, $0xA  }
0xcd: {  	s20 =	sand.u32 $0x7800, s21;
	s21 =	sand.u32 $0x40, s22;
	v3 =	vadd.f32 v4, v3  }
0xce: {  	s23 =	sadd.s32 $0x10400, s19;
	s19 =	sor.u32 s5, s20;
	s24 =	sadd.s32 s2, s21  }
0xcf: {  	s20 =	sadd.s32 s19, s24;
	[tilespmem:s23+$0x80] =	vst v3  }
0xd0: {  	[hbm4b:s20+s14] =	stream.strided.scatter [tilespmem:s3], [sflag:$0x3], $0x1000, s16, s14, $0x38;
	[tilespmem:$0x11400] =	vst v63  }
0xd1: {  	p0 =	seq.s32 s17, $0x1F;
	_ =	swait.ge [sflag:s15], $0x1000  }
0xd2: {  	s20 =	sshll.u32 @!p0 s17, $0x5;
	[sflag:s15] =	ssyncset.done $0x0  }
0xd3: {  	s20 =	sand.u32 @!p0 $0x3FFFFFE0, s20;
	[sflag:s15] =	ssyncadd.s32 $0xFFFFF000  }
0xd4: {  	v3 =	vld @!p0 [tilespmem:s20+$0x20];
	_ =	sdelay $0x4  }
0xd5: {  	v4 =	vshll.u32 @!p0 v3, $0x4  }
0xd6: {  	v5 =	vlaneseq.u32 @!p0;
	v3 =	vand.u32 @!p0 $0x7, v3;
	v4 =	vand.u32 @!p0 $0xFFFFFF80, v4  }
0xd7: {  	v6 =	vshrl.u32 @!p0 v5, $0x3;
	v3 =	vor.u32 @!p0 v3, v4;
	v4 =	vand.u32 @!p0 $0x7, v5  }
0xd8: {  	v6 =	vmul.u32 @!p0 $0x8, v6;
	v4 =	vperm.xlane @!p0 v3, v4;
	_ =	sdelay $0x1  }
0xd9: {  	v4 =	vadd.s32 @!p0 v6, v4;
	_ =	sdelay $0x3  }
0xda: {  	vm1 =	vmmov @!p0 $0xffff;
	s21 =	simm.s32 @!p0 $0x400;
	s20 =	simm.s32 @!p0 $0x0  }
0xdb: {  	[tilespmem:s21], [sflag:$0x1] =	stream.indirect_vreg.gather @!p0 [hbm4b:s4+s20], $0x80, v4, vm1, $0xb8;
	[tilespmem:$0x11400] =	vst v63  }
0xdc: {  	s21 =	simm.s32 @!p0 $0xC00  }
0xdd: {  	[tilespmem:s21], [sflag:$0x1] =	stream.indirect_vreg.gather @!p0 [hbm4b:s6+s20], $0x80, v4, vm1, $0xb8;
	[tilespmem:$0x11400] =	vst v63  }
0xde: {  	s21 =	simm.s32 @!p0 $0x1400  }
0xdf: {  	[tilespmem:s21], [sflag:$0x1] =	stream.indirect_vreg.gather @!p0 [hbm4b:s7+s20], $0x80, v4, vm1, $0xb8;
	[tilespmem:$0x11400] =	vst v63  }
0xe0: {  	s21 =	simm.s32 @!p0 $0x1C00  }
0xe1: {  	[tilespmem:s21], [sflag:$0x1] =	stream.indirect_vreg.gather @!p0 [hbm4b:s8+s20], $0x80, v4, vm1, $0xb8;
	[tilespmem:$0x11400] =	vst v63  }
0xe2: {  	s21 =	simm.s32 @!p0 $0x2400  }
0xe3: {  	v5 =	vor.u32 @!p0 $0x8, v5;
	[tilespmem:s21], [sflag:$0x1] =	stream.indirect_vreg.gather @!p0 [hbm4b:s9+s20], $0x80, v4, vm1, $0xb8;
	[tilespmem:$0x11400] =	vst v63  }
0xe4: {  	v3 =	vperm.xlane @!p0 v3, v5;
	s21 =	simm.s32 @!p0 $0x2C00  }
0xe5: {  	[tilespmem:s21], [sflag:$0x1] =	stream.indirect_vreg.gather @!p0 [hbm4b:s10+s20], $0x80, v4, vm1, $0xb8;
	[tilespmem:$0x11400] =	vst v63  }
0xe6: {  	v3 =	vadd.s32 @!p0 v6, v3;
	s21 =	simm.s32 @!p0 $0x3400  }
0xe7: {  	[tilespmem:s21], [sflag:$0x1] =	stream.indirect_vreg.gather @!p0 [hbm4b:s12+s20], $0x80, v4, vm1, $0xb8;
	[tilespmem:$0x11400] =	vst v63  }
0xe8: {  	s21 =	simm.s32 @!p0 $0x3C00  }
0xe9: {  	[tilespmem:s21], [sflag:$0x1] =	stream.indirect_vreg.gather @!p0 [hbm4b:s13+s20], $0x80, v4, vm1, $0xb8;
	[tilespmem:$0x11400] =	vst v63  }
0xea: {  	s21 =	simm.s32 @!p0 $0x4400  }
0xeb: {  	[tilespmem:s21], [sflag:$0x1] =	stream.indirect_vreg.gather @!p0 [hbm4b:s4+s20], $0x80, v3, vm1, $0xb8;
	[tilespmem:$0x11400] =	vst v63  }
0xec: {  	s21 =	simm.s32 @!p0 $0x4C00  }
0xed: {  	[tilespmem:s21], [sflag:$0x1] =	stream.indirect_vreg.gather @!p0 [hbm4b:s6+s20], $0x80, v3, vm1, $0xb8;
	[tilespmem:$0x11400] =	vst v63  }
0xee: {  	s21 =	simm.s32 @!p0 $0x5400  }
0xef: {  	[tilespmem:s21], [sflag:$0x1] =	stream.indirect_vreg.gather @!p0 [hbm4b:s7+s20], $0x80, v3, vm1, $0xb8;
	[tilespmem:$0x11400] =	vst v63  }
0xf0: {  	s21 =	simm.s32 @!p0 $0x5C00  }
0xf1: {  	[tilespmem:s21], [sflag:$0x1] =	stream.indirect_vreg.gather @!p0 [hbm4b:s8+s20], $0x80, v3, vm1, $0xb8;
	[tilespmem:$0x11400] =	vst v63  }
0xf2: {  	s21 =	simm.s32 @!p0 $0x6400  }
0xf3: {  	[tilespmem:s21], [sflag:$0x1] =	stream.indirect_vreg.gather @!p0 [hbm4b:s9+s20], $0x80, v3, vm1, $0xb8;
	[tilespmem:$0x11400] =	vst v63  }
0xf4: {  	s21 =	simm.s32 @!p0 $0x6C00  }
0xf5: {  	[tilespmem:s21], [sflag:$0x1] =	stream.indirect_vreg.gather @!p0 [hbm4b:s10+s20], $0x80, v3, vm1, $0xb8;
	[tilespmem:$0x11400] =	vst v63  }
0xf6: {  	s21 =	simm.s32 @!p0 $0x7400  }
0xf7: {  	[tilespmem:s21], [sflag:$0x1] =	stream.indirect_vreg.gather @!p0 [hbm4b:s12+s20], $0x80, v3, vm1, $0xb8;
	[tilespmem:$0x11400] =	vst v63  }
0xf8: {  	s21 =	simm.s32 @!p0 $0x7C00  }
0xf9: {  	[tilespmem:s21], [sflag:$0x1] =	stream.indirect_vreg.gather @!p0 [hbm4b:s13+s20], $0x80, v3, vm1, $0xb8;
	[tilespmem:$0x11400] =	vst v63  }
0xfa: {  	s25 =	simm.s32 $0x0;
	s20 =	simm.s32 $0x0;
	_ =	swait.ge [sflag:s0], $0x8000  }
0xfb: {  	s21 =	sand.u32 $0x3FFFFC00, s25;
	s26 =	sand.u32 $0x70, s20;
	[sflag:s0] =	ssyncset.done $0x0  }
0xfc: {  	s25 =	sor.u32 s26, s21;
	[sflag:s0] =	ssyncadd.s32 $0xFFFF8000  }
0xfd: {  	v3 =	vld [tilespmem:s25+$0x8400]  }
0xfe: {  	v4 =	vld [tilespmem:s25+$0x8480];
	_ =	sdelay $0x1  }
0xff: {  	v5 =	vld [tilespmem:s25+$0x8500];
	_ =	sdelay $0x1  }
0x100: {  	v6 =	vld [tilespmem:s25+$0x8580]  }
0x101: {  	v3 =	vadd.f32 v4, v3  }
0x102: {  	v4 =	vld [tilespmem:s25+$0x8600]  }
0x103: {  	v3 =	vadd.f32 v5, v3  }
0x104: {  	v5 =	vld [tilespmem:s25+$0x8680]  }
0x105: {  	v3 =	vadd.f32 v6, v3  }
0x106: {  	v6 =	vld [tilespmem:s25+$0x8700]  }
0x107: {  	v3 =	vadd.f32 v4, v3  }
0x108: {  	v4 =	vld [tilespmem:s25+$0x8780]  }
0x109: {  	v3 =	vadd.f32 v5, v3;
	_ =	sdelay $0x1  }
0x10a: {  	v3 =	vadd.f32 v6, v3  }
0x10b: {  	s28 =	simm.s32 $0x0  }
0x10c: {  	s21 =	sand.u32 $0x3FFFFF00, s28;
	v3 =	vadd.f32 v4, v3  }
0x10d: {  	s23 =	sor.u32 s26, s21  }
0x10e: {  	[tilespmem:s23+$0x10400] =	vst v3  }
0x10f: {  	v3 =	vld [tilespmem:s25+$0xC400]  }
0x110: {  	v4 =	vld [tilespmem:s25+$0xC480];
	_ =	sdelay $0x1  }
0x111: {  	v5 =	vld [tilespmem:s25+$0xC500];
	_ =	sdelay $0x1  }
0x112: {  	v6 =	vld [tilespmem:s25+$0xC580]  }
0x113: {  	v3 =	vadd.f32 v4, v3  }
0x114: {  	v4 =	vld [tilespmem:s25+$0xC600]  }
0x115: {  	v3 =	vadd.f32 v5, v3  }
0x116: {  	v5 =	vld [tilespmem:s25+$0xC680]  }
0x117: {  	v3 =	vadd.f32 v6, v3  }
0x118: {  	v6 =	vld [tilespmem:s25+$0xC700]  }
0x119: {  	v3 =	vadd.f32 v4, v3;
	_ =	sdelay $0x1  }
0x11a: {  	v4 =	vadd.f32 v5, v3;
	v3 =	vld [tilespmem:s25+$0xC780];
	_ =	sdelay $0x1  }
0x11b: {  	s24 =	simm.s32 $0x2;
	s21 =	simm.s32 $0x1;
	v4 =	vadd.f32 v6, v4  }
.LBB2_5:
0x11c: {  	s25 =	sshll.u32 s21, $0x7  }
0x11d: {  	s20 =	sadd.s32 $0x10, s20;
	s26 =	smov.u32 s24;
	s22 =	sadd.s32 $0x1, s24  }
0x11e: {  	s23 =	sadd.s32 $0x10400, s23;
	s28 =	sand.u32 $0x70, s20;
	s25 =	sand.u32 $0x3FFFFC00, s25;
	v3 =	vadd.f32 v3, v4  }
0x11f: {  	p0 =	sne.s32 s24, $0x7F;
	s24 =	sor.u32 s28, s25  }
0x120: {  	[tilespmem:s23+$0x80] =	vst v3  }
0x121: {  	v3 =	vld [tilespmem:s24+$0x8400]  }
0x122: {  	v4 =	vld [tilespmem:s24+$0x8480];
	_ =	sdelay $0x1  }
0x123: {  	v5 =	vld [tilespmem:s24+$0x8500];
	_ =	sdelay $0x1  }
0x124: {  	v6 =	vld [tilespmem:s24+$0x8580]  }
0x125: {  	v3 =	vadd.f32 v4, v3  }
0x126: {  	v4 =	vld [tilespmem:s24+$0x8600]  }
0x127: {  	v3 =	vadd.f32 v5, v3  }
0x128: {  	v5 =	vld [tilespmem:s24+$0x8680]  }
0x129: {  	v3 =	vadd.f32 v6, v3  }
0x12a: {  	v6 =	vld [tilespmem:s24+$0x8700]  }
0x12b: {  	v3 =	vadd.f32 v4, v3  }
0x12c: {  	v4 =	vld [tilespmem:s24+$0x8780]  }
0x12d: {  	v3 =	vadd.f32 v5, v3;
	_ =	sdelay $0x1  }
0x12e: {  	v3 =	vadd.f32 v6, v3  }
0x12f: {  	s23 =	sshll.u32 s21, $0x5;
	s21 =	smov.u32 s26  }
0x130: {  	s23 =	sand.u32 $0x3FFFFF00, s23;
	v3 =	vadd.f32 v4, v3  }
0x131: {  	s23 =	sor.u32 s28, s23  }
0x132: {  	[tilespmem:s23+$0x10400] =	vst v3  }
0x133: {  	v3 =	vld [tilespmem:s24+$0xC400]  }
0x134: {  	v4 =	vld [tilespmem:s24+$0xC480];
	_ =	sdelay $0x1  }
0x135: {  	v5 =	vld [tilespmem:s24+$0xC500]  }
0x136: {  	v6 =	vld [tilespmem:s24+$0xC580];
	_ =	sdelay $0x1  }
0x137: {  	v3 =	vadd.f32 v4, v3;
	v4 =	vld [tilespmem:s24+$0xC600];
	_ =	sdelay $0x1  }
0x138: {  	v3 =	vadd.f32 v5, v3;
	v5 =	vld [tilespmem:s24+$0xC680];
	_ =	sdelay $0x1  }
0x139: {  	v3 =	vadd.f32 v6, v3;
	v6 =	vld [tilespmem:s24+$0xC700];
	_ =	sdelay $0x1  }
.Ltmp1:
0x13a: {  	v4 =	vadd.f32 v4, v3;
	v3 =	vld [tilespmem:s24+$0xC780];
	(pc) =	sbr.rel @p0 .LBB2_5-.Ltmp1, $3  }
0x13b: {  	_ = 	snop  }
0x13c: {  	v4 =	vadd.f32 v5, v4;
	_ =	sdelay $0x1  }
0x13d: {  	s24 =	smov.u32 s22;
	v4 =	vadd.f32 v6, v4  }
0x13e: {  	_ = 	snop  }
0x13f: {  	s22 =	sshll.u32 s21, $0x7;
	s20 =	sadd.s32 $0x10, s20;
	v3 =	vadd.f32 v3, v4  }
0x140: {  	s23 =	sadd.s32 $0x10400, s23;
	s20 =	sand.u32 $0x70, s20;
	s22 =	sand.u32 $0x3FFFFC00, s22  }
0x141: {  	s22 =	sor.u32 s20, s22;
	[tilespmem:s23+$0x80] =	vst v3  }
0x142: {  	v3 =	vld [tilespmem:s22+$0x8400]  }
0x143: {  	v52 =	vld [tilespmem:s22+$0x8480];
	_ =	sdelay $0x1  }
0x144: {  	v5 =	vld [tilespmem:s22+$0x8500];
	_ =	sdelay $0x1  }
0x145: {  	v6 =	vld [tilespmem:s22+$0x8580]  }
0x146: {  	v3 =	vadd.f32 v52, v3  }
0x147: {  	v53 =	vld [tilespmem:s22+$0x8600]  }
0x148: {  	v3 =	vadd.f32 v5, v3  }
0x149: {  	v54 =	vld [tilespmem:s22+$0x8680]  }
0x14a: {  	v3 =	vadd.f32 v6, v3  }
0x14b: {  	v55 =	vld [tilespmem:s22+$0x8700]  }
0x14c: {  	v3 =	vadd.f32 v53, v3  }
0x14d: {  	v56 =	vld [tilespmem:s22+$0x8780]  }
0x14e: {  	v3 =	vadd.f32 v54, v3;
	_ =	sdelay $0x1  }
0x14f: {  	v3 =	vadd.f32 v55, v3  }
0x150: {  	s28 =	sshll.u32 s21, $0x5  }
0x151: {  	s21 =	sand.u32 $0x3FFFFF00, s28;
	v3 =	vadd.f32 v56, v3  }
0x152: {  	s20 =	sor.u32 s20, s21  }
0x153: {  	[tilespmem:s20+$0x10400] =	vst v3  }
0x154: {  	v3 =	vld [tilespmem:s22+$0xC400]  }
0x155: {  	v57 =	vld [tilespmem:s22+$0xC480];
	_ =	sdelay $0x1  }
0x156: {  	v58 =	vld [tilespmem:s22+$0xC500];
	_ =	sdelay $0x1  }
0x157: {  	v59 =	vld [tilespmem:s22+$0xC580]  }
0x158: {  	v3 =	vadd.f32 v57, v3  }
0x159: {  	v60 =	vld [tilespmem:s22+$0xC600]  }
0x15a: {  	v3 =	vadd.f32 v58, v3  }
0x15b: {  	v61 =	vld [tilespmem:s22+$0xC680]  }
0x15c: {  	v3 =	vadd.f32 v59, v3  }
0x15d: {  	v62 =	vld [tilespmem:s22+$0xC700]  }
0x15e: {  	v3 =	vadd.f32 v60, v3  }
0x15f: {  	v63 =	vld [tilespmem:s22+$0xC780]  }
0x160: {  	v3 =	vadd.f32 v61, v3;
	_ =	sdelay $0x1  }
0x161: {  	v3 =	vadd.f32 v62, v3;
	_ =	sdelay $0x1  }
0x162: {  	s18 =	sshll.u32 s18, $0x5;
	s19 =	sadd.s32 s2, s19;
	s17 =	sadd.s32 $0x1, s17;
	v3 =	vadd.f32 v63, v3  }
0x163: {  	s18 =	sand.u32 $0x60, s18;
	p0 =	sne.s32 s17, $0x20;
	s20 =	sadd.s32 $0x10400, s20  }
.Ltmp2:
0x164: {  	s18 =	sadd.s32 s18, s19;
	[tilespmem:s20+$0x80] =	vst v3;
	(pc) =	sbr.rel @p0 .LBB2_2-.Ltmp2, $4  }
0x165: {  	[hbm4b:s18+s14] =	stream.strided.scatter [tilespmem:s3], [sflag:$0x3], $0x1000, s16, s14, $0x38;
	[tilespmem:$0x11400] =	vst v63  }
0x166: {  	_ =	swait.ge [sflag:s15], $0x1000  }
0x167: {  	[sflag:s15] =	ssyncset.done $0x0  }
0x168: {  	[sflag:s15] =	ssyncadd.s32 $0xFFFFF000  }
0x169: {  	s18 =	rddreg [dreg:$0x5]  }
0x16a: {  	s17 =	rddreg [dreg:$0x4];
	s18 =	sadd.s32 $0x1, s18  }
0x16b: {  	p0 =	sne.s32 s18, s17  }
.Ltmp3:
0x16c: {  	_ = 	snop;
	(pc) =	sbr.rel @p0 .LBB2_1-.Ltmp3, $1  }
0x16d: {  	_ =	sdelay $0x3  }
0x16e: {  	_ =	sfence.sel $0x180000  }
0x16f: {  	[bflag:$0x0] =	sbarrier.arrive $0xFFFF  }
0x170: {  	_ =	strace $0x9000004A  }
0x171: {  	s0 =	stileid.u32;
	[bflag:$0x2] =	sbarrier.arrive $0xFFFF  }
0x172: {  	p0 =	sne.s32 s0, $0x0;
	s0 =	rddreg [dreg:$0x2]  }
0x173: {  	s0 =	sadd.s32 @!p0 $0x100000, s0  }
0x174: {  	[sflag:s0] =	ssyncadd.tile.s32 @!p0 $0x1;
	_ =	shalt  }
.Lfunc_end2:
_tile_overlayer_lowered:
.L_overlay_start_2:
0x175: {  	(tag) =	ssettag $0x2  }
0x176: {  	s0 =	rddreg [dreg:$0x0];
	s2 =	stileid.u32  }
0x177: {  	s1 =	rddreg [dreg:$0x1];
	p0 =	sne.s32 s2, $0x0  }
0x178: {  	s3 =	rddreg [dreg:$0x2];
	[bflag:$0x3] =	sbarrier.arrive $0xFFFF;
	s2 =	simm.s32 @!p0 $0x1C03  }
0x179: {  	[timem:s3], [sflag:s2] =	dma.local @!p0 [hbm:s0], s1  }
0x17a: {  	s0 =	simm.s32 @!p0 $0x3  }
0x17b: {  	_ =	swait.ge @!p0 [sflag:s0], s1  }
0x17c: {  	s1 =	ssub.s32 @!p0 $0x0, s1;
	[sflag:s0] =	ssyncset.done @!p0 $0x0  }
0x17d: {  	[sflag:s0] =	ssyncadd.s32 @!p0 s1  }
0x17e: {  	[bflag:$0x3] =	sbarrier.arrive $0xFFFF  }
0x17f: {  	_ =	shalt  }

</sc_bundles>
